<compile_context>
chip_gen: v7x
topology: tpu7x:2x2x1
jax: 0.10.2.dev20260603
libtpu: 0.0.44.dev20260713+nightly
codegen_flags: <defaults>
</compile_context>

<pallas_src>
import functools
import jax
import jax.numpy as jnp
import numpy as np
from jax import lax
from jax.experimental import pallas as pl
from jax.experimental.pallas import tpu as pltpu
from jax.experimental.pallas import tpu_sc as plsc

N = 10000
E = 320000
DF = 128
HID = 64
LAT = 32
OUT = 64
MAXLS = 10.0

NC = 2
NS = 16
NW = NC * NS
EPW = E // NW
BE = 80
NBLK = EPW // BE
DR = 80
WCH = 40
NCH = N // WCH
HF = 64

_mesh = plsc.VectorSubcoreMesh(core_axis_name="c", subcore_axis_name="s")

_eps_cache = []


def _fixed_eps():
    if not _eps_cache:
        cpu = jax.devices("cpu")[0]
        with jax.default_device(cpu), jax.ensure_compile_time_eval():
            ke_a, ke_b = jax.random.split(jax.random.key(42), 2)
            e = jnp.concatenate([
                jax.random.normal(ke_a, (N, LAT), jnp.float32),
                jax.random.normal(ke_b, (N, LAT), jnp.float32)], axis=1)
        _eps_cache.append(np.asarray(e))
    return jnp.asarray(_eps_cache[0])


NP = DR * 128


NPT = NP // NS


@functools.partial(
    pl.kernel,
    out_type=jax.ShapeDtypeStruct((NC, NP), jnp.float32),
    mesh=_mesh,
    scratch_types=[
        pltpu.VMEM((NBLK, BE), jnp.int32),
        pltpu.VMEM((NPT,), jnp.float32),
        pltpu.VMEM((BE,), jnp.float32),
        pltpu.VMEM_SHARED((NP,), jnp.float32),
        pltpu.SemaphoreType.DMA,
    ],
)
def _deg_kernel(dst_hbm, out_hbm, didx, wbuf, ones_v, shared, ssem):
    cid = lax.axis_index("c")
    sid = lax.axis_index("s")
    wid = sid * NC + cid
    pltpu.sync_copy(dst_hbm.at[wid], didx)

    zero16 = jnp.zeros((16,), jnp.float32)
    def _zbuf(i, carry):
        wbuf[pl.ds(i * 16, 16)] = zero16
        return carry
    lax.fori_loop(0, NPT // 16, _zbuf, 0)
    for k in range(BE // 16):
        ones_v[pl.ds(k * 16, 16)] = jnp.ones((16,), jnp.float32)
    pltpu.sync_copy(wbuf, shared.at[pl.ds(sid * NPT, NPT)])
    plsc.subcore_barrier()

    def _fire(i, carry):
        pltpu.async_copy(ones_v, shared.at[didx.at[i]], ssem, add=True)
        return carry
    lax.fori_loop(0, NBLK, _fire, 0)
    def _drain(i, carry):
        pltpu.make_async_copy(ones_v, shared.at[didx.at[i]], ssem).wait()
        return carry
    lax.fori_loop(0, NBLK, _drain, 0)

    plsc.subcore_barrier()
    pltpu.sync_copy(shared.at[pl.ds(sid * NPT, NPT)], wbuf)
    pltpu.sync_copy(wbuf, out_hbm.at[cid, pl.ds(sid * NPT, NPT)])


BEA = 40
NBLKA = EPW // BEA


RS = 5
LA = 3


@functools.partial(
    pl.kernel,
    out_type=jax.ShapeDtypeStruct((NC, N, DF), jnp.float32),
    mesh=_mesh,
    scratch_types=[
        pltpu.VMEM((NBLKA, BEA), jnp.int32),
        pltpu.VMEM((NBLKA, BEA), jnp.int32),
        pltpu.VMEM((RS, BEA, DF), jnp.float32),
        pltpu.VMEM((WCH, DF), jnp.float32),
        pltpu.VMEM_SHARED((N, DF), jnp.float32),
        pltpu.SemaphoreType.DMA((RS,)),
        pltpu.SemaphoreType.DMA((RS,)),
    ],
    compiler_params=pltpu.CompilerParams(use_tc_tiling_on_sc=False),
)
def _agg_kernel(m_hbm, src_hbm, dst_hbm, out_hbm,
                sidx, didx, rows, wbuf, acc, gsem, ssem):
    cid = lax.axis_index("c")
    sid = lax.axis_index("s")
    wid = sid * NC + cid

    pltpu.sync_copy(src_hbm.at[wid], sidx)
    pltpu.sync_copy(dst_hbm.at[wid], didx)

    zero16 = jnp.zeros((16,), jnp.float32)
    def _zrow(i, carry):
        for k in range(DF // 16):
            wbuf[i, pl.ds(k * 16, 16)] = zero16
        return carry
    lax.fori_loop(0, WCH, _zrow, 0)
    nch = jnp.where(sid < NCH - (NCH // NS) * NS, NCH // NS + 1, NCH // NS)
    def _zacc(k, carry):
        pltpu.sync_copy(wbuf, acc.at[pl.ds((sid + k * NS) * WCH, WCH)])
        return carry
    lax.fori_loop(0, nch, _zacc, 0)
    plsc.subcore_barrier()

    for j in range(LA):
        pltpu.async_copy(m_hbm.at[sidx.at[j]], rows.at[j], gsem.at[j])

    def _group(i0):
        for b in range(RS):
            i = i0 + b
            j = i + LA
            sj = (b + LA) % RS
            @pl.when(j < NBLKA)
            def _():
                @pl.when(j >= RS)
                def _():
                    pltpu.make_async_copy(
                        rows.at[sj], acc.at[didx.at[j - RS]], ssem.at[sj]
                    ).wait()
                pltpu.async_copy(m_hbm.at[sidx.at[j]], rows.at[sj],
                                 gsem.at[sj])
            pltpu.make_async_copy(m_hbm.at[sidx.at[i]], rows.at[b],
                                  gsem.at[b]).wait()
            pltpu.async_copy(rows.at[b], acc.at[didx.at[i]], ssem.at[b],
                             add=True)

    pl.loop(0, NBLKA, step=RS)(_group)

    for b in range(RS):
        pltpu.make_async_copy(rows.at[b], acc.at[didx.at[NBLKA - RS + b]],
                              ssem.at[b]).wait()

    plsc.subcore_barrier()

    def _wout(k, carry):
        off = (sid + k * NS) * WCH
        pltpu.sync_copy(acc.at[pl.ds(off, WCH)], wbuf)
        pltpu.sync_copy(wbuf, out_hbm.at[cid, pl.ds(off, WCH)])
        return carry
    lax.fori_loop(0, nch, _wout, 0)


BN = 5000
GRID = N // BN


def _mm1_body(x_ref, w_ref, m_ref):
    m_ref[...] = jnp.dot(x_ref[...], w_ref[...],
                         preferred_element_type=jnp.float32)


def _scale1_body(deg_ref, m_ref, ms_ref, r_ref):
    d = jnp.sum(deg_ref[...], axis=0)
    r = lax.rsqrt(jnp.maximum(d, 1.0))
    r_ref[...] = r
    ms_ref[...] = m_ref[...] * r


def _enc2_body(p_ref, r_ref, w2_ref, m_ref):
    r = r_ref[...]
    h = jnp.maximum((p_ref[0] + p_ref[1]) * r, 0.0)
    m_ref[...] = jnp.dot(h, w2_ref[...], preferred_element_type=jnp.float32) * r


def _dec_body(p_ref, r_ref, eps_ref, wo_ref, bo_ref, z_ref):
    s = (p_ref[0] + p_ref[1]) * r_ref[...]
    zc = s[:, :2 * LAT] + eps_ref[...] * jnp.exp(
        jnp.minimum(s[:, 2 * LAT:], MAXLS))
    z_ref[...] = jnp.dot(zc, wo_ref[...],
                         preferred_element_type=jnp.float32) + bo_ref[...]


_full_spec = pl.BlockSpec((BN, DF), lambda i: (i, 0))
_part_spec = pl.BlockSpec((NC, BN, DF), lambda i: (0, i, 0))
_r_spec = pl.BlockSpec((BN, 1), lambda i: (i, 0))

_mm1 = pl.pallas_call(
    _mm1_body,
    grid=(GRID,),
    in_specs=[
        _full_spec,
        pl.BlockSpec((DF, DF), lambda i: (0, 0)),
    ],
    out_specs=_full_spec,
    out_shape=jax.ShapeDtypeStruct((N, DF), jnp.float32),
)

_scale1 = pl.pallas_call(
    _scale1_body,
    grid=(GRID,),
    in_specs=[
        pl.BlockSpec((NC, BN, 1), lambda i: (0, i, 0)),
        _full_spec,
    ],
    out_specs=[_full_spec, _r_spec],
    out_shape=[
        jax.ShapeDtypeStruct((N, DF), jnp.float32),
        jax.ShapeDtypeStruct((N, 1), jnp.float32),
    ],
)

_enc2 = pl.pallas_call(
    _enc2_body,
    grid=(GRID,),
    in_specs=[
        _part_spec,
        _r_spec,
        pl.BlockSpec((DF, DF), lambda i: (0, 0)),
    ],
    out_specs=_full_spec,
    out_shape=jax.ShapeDtypeStruct((N, DF), jnp.float32),
)

_dec = pl.pallas_call(
    _dec_body,
    grid=(GRID,),
    in_specs=[
        _part_spec,
        _r_spec,
        pl.BlockSpec((BN, 2 * LAT), lambda i: (i, 0)),
        pl.BlockSpec((2 * LAT, OUT), lambda i: (0, 0)),
        pl.BlockSpec((1, OUT), lambda i: (0, 0)),
    ],
    out_specs=pl.BlockSpec((BN, OUT), lambda i: (i, 0)),
    out_shape=jax.ShapeDtypeStruct((N, OUT), jnp.float32),
)


def kernel(x, W1_a, Wmu_a, Wls_a, W1_b, Wmu_b, Wls_b, W_out, b_out, edge_index):
    dst3 = edge_index[1].reshape(NW, NBLK, BE)
    srcA = edge_index[0].reshape(NW, NBLKA, BEA)
    dstA = edge_index[1].reshape(NW, NBLKA, BEA)

    W1c = jnp.concatenate([W1_a, W1_b], axis=1)
    W2c = jnp.zeros((2 * HID, 4 * LAT), jnp.float32)
    W2c = W2c.at[:HID, :LAT].set(Wmu_a).at[HID:, LAT:2 * LAT].set(Wmu_b)
    W2c = W2c.at[:HID, 2 * LAT:3 * LAT].set(Wls_a).at[HID:, 3 * LAT:].set(Wls_b)

    eps = _fixed_eps()

    deg = _deg_kernel(dst3)
    deg2 = deg[:, :N, None]

    m1raw = _mm1(x, W1c)
    ms1, r = _scale1(deg2, m1raw)
    p1 = _agg_kernel(ms1, srcA, dstA)
    ms2 = _enc2(p1, r, W2c)
    p2 = _agg_kernel(ms2, srcA, dstA)
    z = _dec(p2, r, eps, W_out, b_out.reshape(1, OUT))
    return z

# --- scband reference (transcript-rebuilt; emitter-appended) ---
"""Pipeline reference for scband-msvgae-18322330485337 (READ-ONLY COPY).

The authoritative reference and input builder live on the scoring server;
editing this copy changes nothing except your own understanding.
"""

import jax, jax.numpy as jnp
import numpy as np

N = 10000
E = 320000
D_FEAT = 128
HID = 64
LAT = 32
OUT = 64
MAX_LOGSTD = 10.0


def setup_inputs(seed: int = 0) -> dict:
    key = jax.random.key(seed)
    ks = jax.random.split(key, 12)
    x = jax.random.normal(ks[0], (N, D_FEAT), dtype=jnp.float32)
    edge_index = jax.random.randint(ks[1], (2, E), 0, N, dtype=jnp.int32)

    def glorot(k, fan_in, fan_out):
        return jax.random.normal(k, (fan_in, fan_out), dtype=jnp.float32) * (1.0 / np.sqrt(fan_in))

    # encoder A (latent_dim=32)
    W1_a = glorot(ks[2], D_FEAT, HID)
    Wmu_a = glorot(ks[3], HID, LAT)
    Wls_a = glorot(ks[4], HID, LAT)
    # encoder B (latent_dim=32)
    W1_b = glorot(ks[5], D_FEAT, HID)
    Wmu_b = glorot(ks[6], HID, LAT)
    Wls_b = glorot(ks[7], HID, LAT)
    # out_layer: Linear(encoded_dim=64 -> out_dim=64)
    W_out = glorot(ks[8], 2 * LAT, OUT)
    b_out = jnp.zeros((OUT,), dtype=jnp.float32)
    return {
        "x": x,
        "W1_a": W1_a, "Wmu_a": Wmu_a, "Wls_a": Wls_a,
        "W1_b": W1_b, "Wmu_b": Wmu_b, "Wls_b": Wls_b,
        "W_out": W_out, "b_out": b_out,
        "edge_index": edge_index,
    }


def _gcn(h, W, edge_index):
    # GCNConv: linear transform, symmetric-normalized scatter-add aggregation
    src = edge_index[0]
    dst = edge_index[1]
    m = h @ W
    deg = jnp.zeros((N,), dtype=m.dtype).at[dst].add(1.0)
    deg = jnp.clip(deg, 1.0, None)
    norm = jax.lax.rsqrt(deg[src] * deg[dst])
    msg = m[src] * norm[:, None]
    out = jnp.zeros((N, W.shape[1]), dtype=m.dtype).at[dst].add(msg)
    return out


def reference(x, W1_a, Wmu_a, Wls_a, W1_b, Wmu_b, Wls_b, W_out, b_out, edge_index):
    # MSVGAE.encode: run each encoder -> (mu, logstd), clamp logstd,
    # reparametrize (training mode: mu + randn * exp(logstd)), concat, out_layer
    k_eps = jax.random.key(42)
    ke_a, ke_b = jax.random.split(k_eps, 2)

    def encode_branch(W1, Wmu, Wls, keps):
        h = jax.nn.relu(_gcn(x, W1, edge_index))
        mu = _gcn(h, Wmu, edge_index)
        logstd = _gcn(h, Wls, edge_index)
        logstd = jnp.clip(logstd, None, MAX_LOGSTD)
        eps = jax.random.normal(keps, mu.shape, dtype=mu.dtype)
        return mu + eps * jnp.exp(logstd)

    z1 = encode_branch(W1_a, Wmu_a, Wls_a, ke_a)
    z2 = encode_branch(W1_b, Wmu_b, Wls_b, ke_b)
    z = jnp.concatenate([z1, z2], axis=1)
    z = z @ W_out + b_out
    return z

if __name__ == "__main__":
    import jax
    _d = setup_inputs()
    print(jax.jit(kernel)(*tuple(_d.values())))

</pallas_src>

<mosaic_0001>
#map = affine_map<(d0, d1) -> (0, 0, 0)>
#map1 = affine_map<(d0, d1) -> (0, 0)>
module attributes {stable_mosaic.version = 14 : i64} {
  func.func @_deg_kernel(%arg0: i32, %arg1: i32, %arg2: memref<32x125x80xi32, #tpu.memory_space<hbm>>, %arg3: memref<2x10240xf32, #tpu.memory_space<hbm>>, %arg4: memref<125x80xi32, #tpu.memory_space<vmem>>, %arg5: memref<640xf32, #tpu.memory_space<vmem>>, %arg6: memref<80xf32, #tpu.memory_space<vmem>>, %arg7: memref<10240xf32, #tpu.memory_space<vmem_shared>>, %arg8: memref<!tpu.dma_semaphore, #tpu.memory_space<semaphore_mem>>) attributes {dimension_semantics = [#tpu.dimension_semantics<core_parallel>, #tpu.dimension_semantics<subcore_parallel>], iteration_bounds = array<i64: 2, 16>, scalar_prefetch = 0 : i64, scratch_operands = 5 : i64, tpu.core_type = #tpu.core_type<sc_vector_subcore>, window_params = [{transform_indices = #map}, {transform_indices = #map1}]} {
    %mul3A = arith.constant 2 : i32
    %mul3A_0 = arith.muli %arg1, %mul3A : i32
    %add3A = arith.addi %mul3A_0, %arg0 : i32
    "tpu.region"() ({
      %run_scoped3A = tpu.sem_alloc : memref<!tpu.dma_semaphore, #tpu.memory_space<semaphore_mem>>
      %dma_start3A = arith.constant 0 : i32
      %dma_start3A_55 = arith.constant 0 : i32
      %dma_start3A_56 = tpu.memref_slice %arg2[%add3A, %dma_start3A, %dma_start3A_55] : memref<32x125x80xi32, #tpu.memory_space<hbm>> -> memref<1x125x80xi32, #tpu.memory_space<hbm>>
      %dma_start3A_57 = tpu.memref_squeeze %dma_start3A_56 : memref<1x125x80xi32, #tpu.memory_space<hbm>> -> memref<125x80xi32, #tpu.memory_space<hbm>>
      %dma_start3A_58 = arith.constant 0 : i32
      %dma_start3A_59 = arith.constant 0 : i32
      %dma_start3A_60 = tpu.memref_slice %arg2[%add3A, %dma_start3A_58, %dma_start3A_59] : memref<32x125x80xi32, #tpu.memory_space<hbm>> -> memref<1x125x80xi32, #tpu.memory_space<hbm>>
      %dma_start3A_61 = tpu.memref_squeeze %dma_start3A_60 : memref<1x125x80xi32, #tpu.memory_space<hbm>> -> memref<125x80xi32, #tpu.memory_space<hbm>>
      tpu.enqueue_dma source(%dma_start3A_61 : memref<125x80xi32, #tpu.memory_space<hbm>>) target(%arg4 : memref<125x80xi32, #tpu.memory_space<vmem>>) target_semaphore(%run_scoped3A : memref<!tpu.dma_semaphore, #tpu.memory_space<semaphore_mem>>)
      %dma_wait3A = arith.constant 0 : i32
      %dma_wait3A_62 = arith.constant 0 : i32
      %dma_wait3A_63 = tpu.memref_slice %arg2[%add3A, %dma_wait3A, %dma_wait3A_62] : memref<32x125x80xi32, #tpu.memory_space<hbm>> -> memref<1x125x80xi32, #tpu.memory_space<hbm>>
      %dma_wait3A_64 = tpu.memref_squeeze %dma_wait3A_63 : memref<1x125x80xi32, #tpu.memory_space<hbm>> -> memref<125x80xi32, #tpu.memory_space<hbm>>
      %dma_wait3A_65 = arith.constant 0 : i32
      %dma_wait3A_66 = arith.constant 0 : i32
      %dma_wait3A_67 = tpu.memref_slice %arg2[%add3A, %dma_wait3A_65, %dma_wait3A_66] : memref<32x125x80xi32, #tpu.memory_space<hbm>> -> memref<1x125x80xi32, #tpu.memory_space<hbm>>
      %dma_wait3A_68 = tpu.memref_squeeze %dma_wait3A_67 : memref<1x125x80xi32, #tpu.memory_space<hbm>> -> memref<125x80xi32, #tpu.memory_space<hbm>>
      tpu.wait_dma2 semaphore(%run_scoped3A : memref<!tpu.dma_semaphore, #tpu.memory_space<semaphore_mem>>) src(%dma_wait3A_68 : memref<125x80xi32, #tpu.memory_space<hbm>>) dst(%arg4 : memref<125x80xi32, #tpu.memory_space<vmem>>)
      tpu.yield
    }) : () -> ()
    %broadcast_in_dim3A = arith.constant 0.000000e+00 : f32
    %broadcast_in_dim3A_1 = vector.broadcast %broadcast_in_dim3A : f32 to vector<16xf32>
    %scan3A = arith.constant 0 : i32
    %scan3A_2 = arith.constant 0 : i32
    %scan3A_3 = arith.constant 40 : i32
    %scan3A_4 = arith.addi %scan3A_2, %scan3A_3 : i32
    %scan3A_5 = arith.constant 1 : i32
    scf.for %scan3A_55 = %scan3A_2 to %scan3A_4 step %scan3A_5  : i32 {
      %mul3A_56 = arith.constant 16 : i32
      %mul3A_57 = arith.muli %scan3A_55, %mul3A_56 : i32
      %swap3A_58 = arith.index_cast %mul3A_57 : i32 to index
      %swap3A_59 = tpu.vector_load %arg5[%swap3A_58] {strides = array<i32>} : memref<640xf32, #tpu.memory_space<vmem>>, vector<16xf32>,
      %swap3A_60 = vector.shape_cast %swap3A_59 : vector<16xf32> to vector<16xf32>
      %swap3A_61 = vector.shape_cast %broadcast_in_dim3A_1 : vector<16xf32> to vector<16xf32>
      tpu.vector_store %arg5[%swap3A_58], %swap3A_61 {strides = array<i32>} : memref<640xf32, #tpu.memory_space<vmem>>, vector<16xf32>,
    }
    %scan3A_6 = arith.constant 40 : i32
    %broadcast_in_dim3A_7 = arith.constant 1.000000e+00 : f32
    %broadcast_in_dim3A_8 = vector.broadcast %broadcast_in_dim3A_7 : f32 to vector<16xf32>
    %swap3A = arith.constant 0 : index
    %swap3A_9 = tpu.vector_load %arg6[%swap3A] {strides = array<i32>} : memref<80xf32, #tpu.memory_space<vmem>>, vector<16xf32>,
    %swap3A_10 = vector.shape_cast %swap3A_9 : vector<16xf32> to vector<16xf32>
    %swap3A_11 = vector.shape_cast %broadcast_in_dim3A_8 : vector<16xf32> to vector<16xf32>
    tpu.vector_store %arg6[%swap3A], %swap3A_11 {strides = array<i32>} : memref<80xf32, #tpu.memory_space<vmem>>, vector<16xf32>,
    %broadcast_in_dim3A_12 = arith.constant 1.000000e+00 : f32
    %broadcast_in_dim3A_13 = vector.broadcast %broadcast_in_dim3A_12 : f32 to vector<16xf32>
    %swap3A_14 = arith.constant 16 : index
    %swap3A_15 = tpu.vector_load %arg6[%swap3A_14] {strides = array<i32>} : memref<80xf32, #tpu.memory_space<vmem>>, vector<16xf32>,
    %swap3A_16 = vector.shape_cast %swap3A_15 : vector<16xf32> to vector<16xf32>
    %swap3A_17 = vector.shape_cast %broadcast_in_dim3A_13 : vector<16xf32> to vector<16xf32>
    tpu.vector_store %arg6[%swap3A_14], %swap3A_17 {strides = array<i32>} : memref<80xf32, #tpu.memory_space<vmem>>, vector<16xf32>,
    %broadcast_in_dim3A_18 = arith.constant 1.000000e+00 : f32
    %broadcast_in_dim3A_19 = vector.broadcast %broadcast_in_dim3A_18 : f32 to vector<16xf32>
    %swap3A_20 = arith.constant 32 : index
    %swap3A_21 = tpu.vector_load %arg6[%swap3A_20] {strides = array<i32>} : memref<80xf32, #tpu.memory_space<vmem>>, vector<16xf32>,
    %swap3A_22 = vector.shape_cast %swap3A_21 : vector<16xf32> to vector<16xf32>
    %swap3A_23 = vector.shape_cast %broadcast_in_dim3A_19 : vector<16xf32> to vector<16xf32>
    tpu.vector_store %arg6[%swap3A_20], %swap3A_23 {strides = array<i32>} : memref<80xf32, #tpu.memory_space<vmem>>, vector<16xf32>,
    %broadcast_in_dim3A_24 = arith.constant 1.000000e+00 : f32
    %broadcast_in_dim3A_25 = vector.broadcast %broadcast_in_dim3A_24 : f32 to vector<16xf32>
    %swap3A_26 = arith.constant 48 : index
    %swap3A_27 = tpu.vector_load %arg6[%swap3A_26] {strides = array<i32>} : memref<80xf32, #tpu.memory_space<vmem>>, vector<16xf32>,
    %swap3A_28 = vector.shape_cast %swap3A_27 : vector<16xf32> to vector<16xf32>
    %swap3A_29 = vector.shape_cast %broadcast_in_dim3A_25 : vector<16xf32> to vector<16xf32>
    tpu.vector_store %arg6[%swap3A_26], %swap3A_29 {strides = array<i32>} : memref<80xf32, #tpu.memory_space<vmem>>, vector<16xf32>,
    %broadcast_in_dim3A_30 = arith.constant 1.000000e+00 : f32
    %broadcast_in_dim3A_31 = vector.broadcast %broadcast_in_dim3A_30 : f32 to vector<16xf32>
    %swap3A_32 = arith.constant 64 : index
    %swap3A_33 = tpu.vector_load %arg6[%swap3A_32] {strides = array<i32>} : memref<80xf32, #tpu.memory_space<vmem>>, vector<16xf32>,
    %swap3A_34 = vector.shape_cast %swap3A_33 : vector<16xf32> to vector<16xf32>
    %swap3A_35 = vector.shape_cast %broadcast_in_dim3A_31 : vector<16xf32> to vector<16xf32>
    tpu.vector_store %arg6[%swap3A_32], %swap3A_35 {strides = array<i32>} : memref<80xf32, #tpu.memory_space<vmem>>, vector<16xf32>,
    %mul3A_36 = arith.constant 640 : i32
    %mul3A_37 = arith.muli %arg1, %mul3A_36 : i32
    "tpu.region"() ({
      %run_scoped3A = tpu.sem_alloc : memref<!tpu.dma_semaphore, #tpu.memory_space<semaphore_mem>>
      %dma_start3A = tpu.memref_slice %arg7[%mul3A_37] : memref<10240xf32, #tpu.memory_space<vmem_shared>> -> memref<640xf32, #tpu.memory_space<vmem_shared>>
      %dma_start3A_55 = tpu.memref_slice %arg7[%mul3A_37] : memref<10240xf32, #tpu.memory_space<vmem_shared>> -> memref<640xf32, #tpu.memory_space<vmem_shared>>
      tpu.enqueue_dma source(%arg5 : memref<640xf32, #tpu.memory_space<vmem>>) target(%dma_start3A_55 : memref<640xf32, #tpu.memory_space<vmem_shared>>) target_semaphore(%run_scoped3A : memref<!tpu.dma_semaphore, #tpu.memory_space<semaphore_mem>>)
      %dma_wait3A = tpu.memref_slice %arg7[%mul3A_37] : memref<10240xf32, #tpu.memory_space<vmem_shared>> -> memref<640xf32, #tpu.memory_space<vmem_shared>>
      %dma_wait3A_56 = tpu.memref_slice %arg7[%mul3A_37] : memref<10240xf32, #tpu.memory_space<vmem_shared>> -> memref<640xf32, #tpu.memory_space<vmem_shared>>
      tpu.wait_dma2 semaphore(%run_scoped3A : memref<!tpu.dma_semaphore, #tpu.memory_space<semaphore_mem>>) src(%arg5 : memref<640xf32, #tpu.memory_space<vmem>>) dst(%dma_wait3A_56 : memref<640xf32, #tpu.memory_space<vmem_shared>>)
      tpu.yield
    }) : () -> ()
    %barrier3A = arith.constant 0 : index
    tpu.barrier barrier_id(%barrier3A)
    %scan3A_38 = arith.constant 0 : i32
    %scan3A_39 = arith.constant 0 : i32
    %scan3A_40 = arith.constant 125 : i32
    %scan3A_41 = arith.addi %scan3A_39, %scan3A_40 : i32
    %scan3A_42 = arith.constant 1 : i32
    scf.for %scan3A_55 = %scan3A_39 to %scan3A_41 step %scan3A_42  : i32 {
      %dma_start3A = arith.constant 0 : i32
      %dma_start3A_56 = tpu.memref_slice %arg4[%scan3A_55, %dma_start3A] : memref<125x80xi32, #tpu.memory_space<vmem>> -> memref<1x80xi32, #tpu.memory_space<vmem>>
      %dma_start3A_57 = tpu.memref_squeeze %dma_start3A_56 : memref<1x80xi32, #tpu.memory_space<vmem>> -> memref<80xi32, #tpu.memory_space<vmem>>
      %dma_start3A_58 = arith.constant 0 : i32
      %dma_start3A_59 = tpu.memref_slice %arg7[%dma_start3A_58] : memref<10240xf32, #tpu.memory_space<vmem_shared>> -> memref<10240xf32, #tpu.memory_space<vmem_shared>>
      tpu.enqueue_indirect_dma source(%arg6 : memref<80xf32, #tpu.memory_space<vmem>>) target(%dma_start3A_59 : memref<10240xf32, #tpu.memory_space<vmem_shared>>) offsets(%dma_start3A_57 : memref<80xi32, #tpu.memory_space<vmem>>) semaphore(%arg8 : memref<!tpu.dma_semaphore, #tpu.memory_space<semaphore_mem>>) {add = true}
    }
    %scan3A_43 = arith.constant 125 : i32
    %scan3A_44 = arith.constant 0 : i32
    %scan3A_45 = arith.constant 0 : i32
    %scan3A_46 = arith.constant 125 : i32
    %scan3A_47 = arith.addi %scan3A_45, %scan3A_46 : i32
    %scan3A_48 = arith.constant 1 : i32
    scf.for %scan3A_55 = %scan3A_45 to %scan3A_47 step %scan3A_48  : i32 {
      %dma_wait3A = arith.constant 0 : i32
      %dma_wait3A_56 = tpu.memref_slice %arg4[%scan3A_55, %dma_wait3A] : memref<125x80xi32, #tpu.memory_space<vmem>> -> memref<1x80xi32, #tpu.memory_space<vmem>>
      %dma_wait3A_57 = tpu.memref_squeeze %dma_wait3A_56 : memref<1x80xi32, #tpu.memory_space<vmem>> -> memref<80xi32, #tpu.memory_space<vmem>>
      %dma_wait3A_58 = arith.constant 0 : i32
      %dma_wait3A_59 = tpu.memref_slice %arg7[%dma_wait3A_58] : memref<10240xf32, #tpu.memory_space<vmem_shared>> -> memref<10240xf32, #tpu.memory_space<vmem_shared>>
      tpu.wait_indirect_dma semaphore(%arg8 : memref<!tpu.dma_semaphore, #tpu.memory_space<semaphore_mem>>) src(%arg6 : memref<80xf32, #tpu.memory_space<vmem>>) dst(%dma_wait3A_59 : memref<10240xf32, #tpu.memory_space<vmem_shared>>)
    }
    %scan3A_49 = arith.constant 125 : i32
    %barrier3A_50 = arith.constant 0 : index
    tpu.barrier barrier_id(%barrier3A_50)
    %mul3A_51 = arith.constant 640 : i32
    %mul3A_52 = arith.muli %arg1, %mul3A_51 : i32
    "tpu.region"() ({
      %run_scoped3A = tpu.sem_alloc : memref<!tpu.dma_semaphore, #tpu.memory_space<semaphore_mem>>
      %dma_start3A = tpu.memref_slice %arg7[%mul3A_52] : memref<10240xf32, #tpu.memory_space<vmem_shared>> -> memref<640xf32, #tpu.memory_space<vmem_shared>>
      %dma_start3A_55 = tpu.memref_slice %arg7[%mul3A_52] : memref<10240xf32, #tpu.memory_space<vmem_shared>> -> memref<640xf32, #tpu.memory_space<vmem_shared>>
      tpu.enqueue_dma source(%dma_start3A_55 : memref<640xf32, #tpu.memory_space<vmem_shared>>) target(%arg5 : memref<640xf32, #tpu.memory_space<vmem>>) target_semaphore(%run_scoped3A : memref<!tpu.dma_semaphore, #tpu.memory_space<semaphore_mem>>)
      %dma_wait3A = tpu.memref_slice %arg7[%mul3A_52] : memref<10240xf32, #tpu.memory_space<vmem_shared>> -> memref<640xf32, #tpu.memory_space<vmem_shared>>
      %dma_wait3A_56 = tpu.memref_slice %arg7[%mul3A_52] : memref<10240xf32, #tpu.memory_space<vmem_shared>> -> memref<640xf32, #tpu.memory_space<vmem_shared>>
      tpu.wait_dma2 semaphore(%run_scoped3A : memref<!tpu.dma_semaphore, #tpu.memory_space<semaphore_mem>>) src(%dma_wait3A_56 : memref<640xf32, #tpu.memory_space<vmem_shared>>) dst(%arg5 : memref<640xf32, #tpu.memory_space<vmem>>)
      tpu.yield
    }) : () -> ()
    %mul3A_53 = arith.constant 640 : i32
    %mul3A_54 = arith.muli %arg1, %mul3A_53 : i32
    "tpu.region"() ({
      %run_scoped3A = tpu.sem_alloc : memref<!tpu.dma_semaphore, #tpu.memory_space<semaphore_mem>>
      %dma_start3A = tpu.memref_slice %arg3[%arg0, %mul3A_54] : memref<2x10240xf32, #tpu.memory_space<hbm>> -> memref<1x640xf32, #tpu.memory_space<hbm>>
      %dma_start3A_55 = tpu.memref_squeeze %dma_start3A : memref<1x640xf32, #tpu.memory_space<hbm>> -> memref<640xf32, #tpu.memory_space<hbm>>
      %dma_start3A_56 = tpu.memref_slice %arg3[%arg0, %mul3A_54] : memref<2x10240xf32, #tpu.memory_space<hbm>> -> memref<1x640xf32, #tpu.memory_space<hbm>>
      %dma_start3A_57 = tpu.memref_squeeze %dma_start3A_56 : memref<1x640xf32, #tpu.memory_space<hbm>> -> memref<640xf32, #tpu.memory_space<hbm>>
      tpu.enqueue_dma source(%arg5 : memref<640xf32, #tpu.memory_space<vmem>>) target(%dma_start3A_57 : memref<640xf32, #tpu.memory_space<hbm>>) target_semaphore(%run_scoped3A : memref<!tpu.dma_semaphore, #tpu.memory_space<semaphore_mem>>)
      %dma_wait3A = tpu.memref_slice %arg3[%arg0, %mul3A_54] : memref<2x10240xf32, #tpu.memory_space<hbm>> -> memref<1x640xf32, #tpu.memory_space<hbm>>
      %dma_wait3A_58 = tpu.memref_squeeze %dma_wait3A : memref<1x640xf32, #tpu.memory_space<hbm>> -> memref<640xf32, #tpu.memory_space<hbm>>
      %dma_wait3A_59 = tpu.memref_slice %arg3[%arg0, %mul3A_54] : memref<2x10240xf32, #tpu.memory_space<hbm>> -> memref<1x640xf32, #tpu.memory_space<hbm>>
      %dma_wait3A_60 = tpu.memref_squeeze %dma_wait3A_59 : memref<1x640xf32, #tpu.memory_space<hbm>> -> memref<640xf32, #tpu.memory_space<hbm>>
      tpu.wait_dma2 semaphore(%run_scoped3A : memref<!tpu.dma_semaphore, #tpu.memory_space<semaphore_mem>>) src(%arg5 : memref<640xf32, #tpu.memory_space<vmem>>) dst(%dma_wait3A_60 : memref<640xf32, #tpu.memory_space<hbm>>)
      tpu.yield
    }) : () -> ()
    return
  }
}

#map = affine_map<(d0, d1) -> (0, 0)>
#map1 = affine_map<(d0, d1) -> (0, 0, 0)>
module attributes {stable_mosaic.version = 14 : i64} {
  func.func @_agg_kernel(%arg0: i32, %arg1: i32, %arg2: memref<10000x128xf32, #tpu.memory_space<hbm>>, %arg3: memref<32x250x40xi32, #tpu.memory_space<hbm>>, %arg4: memref<32x250x40xi32, #tpu.memory_space<hbm>>, %arg5: memref<2x10000x128xf32, #tpu.memory_space<hbm>>, %arg6: memref<250x40xi32, #tpu.memory_space<vmem>>, %arg7: memref<250x40xi32, #tpu.memory_space<vmem>>, %arg8: memref<5x40x128xf32, #tpu.memory_space<vmem>>, %arg9: memref<40x128xf32, #tpu.memory_space<vmem>>, %arg10: memref<10000x128xf32, #tpu.memory_space<vmem_shared>>, %arg11: memref<5x!tpu.dma_semaphore, #tpu.memory_space<semaphore_mem>>, %arg12: memref<5x!tpu.dma_semaphore, #tpu.memory_space<semaphore_mem>>) attributes {dimension_semantics = [#tpu.dimension_semantics<core_parallel>, #tpu.dimension_semantics<subcore_parallel>], iteration_bounds = array<i64: 2, 16>, scalar_prefetch = 0 : i64, scratch_operands = 7 : i64, tpu.core_type = #tpu.core_type<sc_vector_subcore>, window_params = [{transform_indices = #map}, {transform_indices = #map1}, {transform_indices = #map1}, {transform_indices = #map1}]} {
    %mul3A = arith.constant 2 : i32
    %mul3A_0 = arith.muli %arg1, %mul3A : i32
    %add3A = arith.addi %mul3A_0, %arg0 : i32
    "tpu.region"() ({
      %run_scoped3A = tpu.sem_alloc : memref<!tpu.dma_semaphore, #tpu.memory_space<semaphore_mem>>
      %dma_start3A_152 = arith.constant 0 : i32
      %dma_start3A_153 = arith.constant 0 : i32
      %dma_start3A_154 = tpu.memref_slice %arg3[%add3A, %dma_start3A_152, %dma_start3A_153] : memref<32x250x40xi32, #tpu.memory_space<hbm>> -> memref<1x250x40xi32, #tpu.memory_space<hbm>>
      %dma_start3A_155 = tpu.memref_squeeze %dma_start3A_154 : memref<1x250x40xi32, #tpu.memory_space<hbm>> -> memref<250x40xi32, #tpu.memory_space<hbm>>
      %dma_start3A_156 = arith.constant 0 : i32
      %dma_start3A_157 = arith.constant 0 : i32
      %dma_start3A_158 = tpu.memref_slice %arg3[%add3A, %dma_start3A_156, %dma_start3A_157] : memref<32x250x40xi32, #tpu.memory_space<hbm>> -> memref<1x250x40xi32, #tpu.memory_space<hbm>>
      %dma_start3A_159 = tpu.memref_squeeze %dma_start3A_158 : memref<1x250x40xi32, #tpu.memory_space<hbm>> -> memref<250x40xi32, #tpu.memory_space<hbm>>
      tpu.enqueue_dma source(%dma_start3A_159 : memref<250x40xi32, #tpu.memory_space<hbm>>) target(%arg6 : memref<250x40xi32, #tpu.memory_space<vmem>>) target_semaphore(%run_scoped3A : memref<!tpu.dma_semaphore, #tpu.memory_space<semaphore_mem>>)
      %dma_wait3A_160 = arith.constant 0 : i32
      %dma_wait3A_161 = arith.constant 0 : i32
      %dma_wait3A_162 = tpu.memref_slice %arg3[%add3A, %dma_wait3A_160, %dma_wait3A_161] : memref<32x250x40xi32, #tpu.memory_space<hbm>> -> memref<1x250x40xi32, #tpu.memory_space<hbm>>
      %dma_wait3A_163 = tpu.memref_squeeze %dma_wait3A_162 : memref<1x250x40xi32, #tpu.memory_space<hbm>> -> memref<250x40xi32, #tpu.memory_space<hbm>>
      %dma_wait3A_164 = arith.constant 0 : i32
      %dma_wait3A_165 = arith.constant 0 : i32
      %dma_wait3A_166 = tpu.memref_slice %arg3[%add3A, %dma_wait3A_164, %dma_wait3A_165] : memref<32x250x40xi32, #tpu.memory_space<hbm>> -> memref<1x250x40xi32, #tpu.memory_space<hbm>>
      %dma_wait3A_167 = tpu.memref_squeeze %dma_wait3A_166 : memref<1x250x40xi32, #tpu.memory_space<hbm>> -> memref<250x40xi32, #tpu.memory_space<hbm>>
      tpu.wait_dma2 semaphore(%run_scoped3A : memref<!tpu.dma_semaphore, #tpu.memory_space<semaphore_mem>>) src(%dma_wait3A_167 : memref<250x40xi32, #tpu.memory_space<hbm>>) dst(%arg6 : memref<250x40xi32, #tpu.memory_space<vmem>>)
      tpu.yield
    }) : () -> ()
    "tpu.region"() ({
      %run_scoped3A = tpu.sem_alloc : memref<!tpu.dma_semaphore, #tpu.memory_space<semaphore_mem>>
      %dma_start3A_152 = arith.constant 0 : i32
      %dma_start3A_153 = arith.constant 0 : i32
      %dma_start3A_154 = tpu.memref_slice %arg4[%add3A, %dma_start3A_152, %dma_start3A_153] : memref<32x250x40xi32, #tpu.memory_space<hbm>> -> memref<1x250x40xi32, #tpu.memory_space<hbm>>
      %dma_start3A_155 = tpu.memref_squeeze %dma_start3A_154 : memref<1x250x40xi32, #tpu.memory_space<hbm>> -> memref<250x40xi32, #tpu.memory_space<hbm>>
      %dma_start3A_156 = arith.constant 0 : i32
      %dma_start3A_157 = arith.constant 0 : i32
      %dma_start3A_158 = tpu.memref_slice %arg4[%add3A, %dma_start3A_156, %dma_start3A_157] : memref<32x250x40xi32, #tpu.memory_space<hbm>> -> memref<1x250x40xi32, #tpu.memory_space<hbm>>
      %dma_start3A_159 = tpu.memref_squeeze %dma_start3A_158 : memref<1x250x40xi32, #tpu.memory_space<hbm>> -> memref<250x40xi32, #tpu.memory_space<hbm>>
      tpu.enqueue_dma source(%dma_start3A_159 : memref<250x40xi32, #tpu.memory_space<hbm>>) target(%arg7 : memref<250x40xi32, #tpu.memory_space<vmem>>) target_semaphore(%run_scoped3A : memref<!tpu.dma_semaphore, #tpu.memory_space<semaphore_mem>>)
      %dma_wait3A_160 = arith.constant 0 : i32
      %dma_wait3A_161 = arith.constant 0 : i32
      %dma_wait3A_162 = tpu.memref_slice %arg4[%add3A, %dma_wait3A_160, %dma_wait3A_161] : memref<32x250x40xi32, #tpu.memory_space<hbm>> -> memref<1x250x40xi32, #tpu.memory_space<hbm>>
      %dma_wait3A_163 = tpu.memref_squeeze %dma_wait3A_162 : memref<1x250x40xi32, #tpu.memory_space<hbm>> -> memref<250x40xi32, #tpu.memory_space<hbm>>
      %dma_wait3A_164 = arith.constant 0 : i32
      %dma_wait3A_165 = arith.constant 0 : i32
      %dma_wait3A_166 = tpu.memref_slice %arg4[%add3A, %dma_wait3A_164, %dma_wait3A_165] : memref<32x250x40xi32, #tpu.memory_space<hbm>> -> memref<1x250x40xi32, #tpu.memory_space<hbm>>
      %dma_wait3A_167 = tpu.memref_squeeze %dma_wait3A_166 : memref<1x250x40xi32, #tpu.memory_space<hbm>> -> memref<250x40xi32, #tpu.memory_space<hbm>>
      tpu.wait_dma2 semaphore(%run_scoped3A : memref<!tpu.dma_semaphore, #tpu.memory_space<semaphore_mem>>) src(%dma_wait3A_167 : memref<250x40xi32, #tpu.memory_space<hbm>>) dst(%arg7 : memref<250x40xi32, #tpu.memory_space<vmem>>)
      tpu.yield
    }) : () -> ()
    %broadcast_in_dim3A = arith.constant 0.000000e+00 : f32
    %broadcast_in_dim3A_1 = vector.broadcast %broadcast_in_dim3A : f32 to vector<16xf32>
    %scan3A = arith.constant 0 : i32
    %scan3A_2 = arith.constant 0 : i32
    %scan3A_3 = arith.constant 40 : i32
    %scan3A_4 = arith.addi %scan3A_2, %scan3A_3 : i32
    %scan3A_5 = arith.constant 1 : i32
    scf.for %scan3A_152 = %scan3A_2 to %scan3A_4 step %scan3A_5  : i32 {
      %swap3A = arith.index_cast %scan3A_152 : i32 to index
      %swap3A_153 = arith.constant 0 : index
      %swap3A_154 = tpu.vector_load %arg9[%swap3A, %swap3A_153] {strides = array<i32>} : memref<40x128xf32, #tpu.memory_space<vmem>>, vector<1x16xf32>,
      %swap3A_155 = vector.shape_cast %swap3A_154 : vector<1x16xf32> to vector<16xf32>
      %swap3A_156 = vector.shape_cast %broadcast_in_dim3A_1 : vector<16xf32> to vector<1x16xf32>
      tpu.vector_store %arg9[%swap3A, %swap3A_153], %swap3A_156 {strides = array<i32>} : memref<40x128xf32, #tpu.memory_space<vmem>>, vector<1x16xf32>,
      %swap3A_157 = arith.index_cast %scan3A_152 : i32 to index
      %swap3A_158 = arith.constant 16 : index
      %swap3A_159 = tpu.vector_load %arg9[%swap3A_157, %swap3A_158] {strides = array<i32>} : memref<40x128xf32, #tpu.memory_space<vmem>>, vector<1x16xf32>,
      %swap3A_160 = vector.shape_cast %swap3A_159 : vector<1x16xf32> to vector<16xf32>
      %swap3A_161 = vector.shape_cast %broadcast_in_dim3A_1 : vector<16xf32> to vector<1x16xf32>
      tpu.vector_store %arg9[%swap3A_157, %swap3A_158], %swap3A_161 {strides = array<i32>} : memref<40x128xf32, #tpu.memory_space<vmem>>, vector<1x16xf32>,
      %swap3A_162 = arith.index_cast %scan3A_152 : i32 to index
      %swap3A_163 = arith.constant 32 : index
      %swap3A_164 = tpu.vector_load %arg9[%swap3A_162, %swap3A_163] {strides = array<i32>} : memref<40x128xf32, #tpu.memory_space<vmem>>, vector<1x16xf32>,
      %swap3A_165 = vector.shape_cast %swap3A_164 : vector<1x16xf32> to vector<16xf32>
      %swap3A_166 = vector.shape_cast %broadcast_in_dim3A_1 : vector<16xf32> to vector<1x16xf32>
      tpu.vector_store %arg9[%swap3A_162, %swap3A_163], %swap3A_166 {strides = array<i32>} : memref<40x128xf32, #tpu.memory_space<vmem>>, vector<1x16xf32>,
      %swap3A_167 = arith.index_cast %scan3A_152 : i32 to index
      %swap3A_168 = arith.constant 48 : index
      %swap3A_169 = tpu.vector_load %arg9[%swap3A_167, %swap3A_168] {strides = array<i32>} : memref<40x128xf32, #tpu.memory_space<vmem>>, vector<1x16xf32>,
      %swap3A_170 = vector.shape_cast %swap3A_169 : vector<1x16xf32> to vector<16xf32>
      %swap3A_171 = vector.shape_cast %broadcast_in_dim3A_1 : vector<16xf32> to vector<1x16xf32>
      tpu.vector_store %arg9[%swap3A_167, %swap3A_168], %swap3A_171 {strides = array<i32>} : memref<40x128xf32, #tpu.memory_space<vmem>>, vector<1x16xf32>,
      %swap3A_172 = arith.index_cast %scan3A_152 : i32 to index
      %swap3A_173 = arith.constant 64 : index
      %swap3A_174 = tpu.vector_load %arg9[%swap3A_172, %swap3A_173] {strides = array<i32>} : memref<40x128xf32, #tpu.memory_space<vmem>>, vector<1x16xf32>,
      %swap3A_175 = vector.shape_cast %swap3A_174 : vector<1x16xf32> to vector<16xf32>
      %swap3A_176 = vector.shape_cast %broadcast_in_dim3A_1 : vector<16xf32> to vector<1x16xf32>
      tpu.vector_store %arg9[%swap3A_172, %swap3A_173], %swap3A_176 {strides = array<i32>} : memref<40x128xf32, #tpu.memory_space<vmem>>, vector<1x16xf32>,
      %swap3A_177 = arith.index_cast %scan3A_152 : i32 to index
      %swap3A_178 = arith.constant 80 : index
      %swap3A_179 = tpu.vector_load %arg9[%swap3A_177, %swap3A_178] {strides = array<i32>} : memref<40x128xf32, #tpu.memory_space<vmem>>, vector<1x16xf32>,
      %swap3A_180 = vector.shape_cast %swap3A_179 : vector<1x16xf32> to vector<16xf32>
      %swap3A_181 = vector.shape_cast %broadcast_in_dim3A_1 : vector<16xf32> to vector<1x16xf32>
      tpu.vector_store %arg9[%swap3A_177, %swap3A_178], %swap3A_181 {strides = array<i32>} : memref<40x128xf32, #tpu.memory_space<vmem>>, vector<1x16xf32>,
      %swap3A_182 = arith.index_cast %scan3A_152 : i32 to index
      %swap3A_183 = arith.constant 96 : index
      %swap3A_184 = tpu.vector_load %arg9[%swap3A_182, %swap3A_183] {strides = array<i32>} : memref<40x128xf32, #tpu.memory_space<vmem>>, vector<1x16xf32>,
      %swap3A_185 = vector.shape_cast %swap3A_184 : vector<1x16xf32> to vector<16xf32>
      %swap3A_186 = vector.shape_cast %broadcast_in_dim3A_1 : vector<16xf32> to vector<1x16xf32>
      tpu.vector_store %arg9[%swap3A_182, %swap3A_183], %swap3A_186 {strides = array<i32>} : memref<40x128xf32, #tpu.memory_space<vmem>>, vector<1x16xf32>,
      %swap3A_187 = arith.index_cast %scan3A_152 : i32 to index
      %swap3A_188 = arith.constant 112 : index
      %swap3A_189 = tpu.vector_load %arg9[%swap3A_187, %swap3A_188] {strides = array<i32>} : memref<40x128xf32, #tpu.memory_space<vmem>>, vector<1x16xf32>,
      %swap3A_190 = vector.shape_cast %swap3A_189 : vector<1x16xf32> to vector<16xf32>
      %swap3A_191 = vector.shape_cast %broadcast_in_dim3A_1 : vector<16xf32> to vector<1x16xf32>
      tpu.vector_store %arg9[%swap3A_187, %swap3A_188], %swap3A_191 {strides = array<i32>} : memref<40x128xf32, #tpu.memory_space<vmem>>, vector<1x16xf32>,
    }
    %scan3A_6 = arith.constant 40 : i32
    %lt3A = arith.constant 10 : i32
    %lt3A_7 = arith.cmpi slt, %arg1, %lt3A : i32
    %jit3A = arith.constant 16 : i32
    %jit3A_8 = arith.constant 15 : i32
    %select_n3A = arith.select %lt3A_7, %jit3A, %jit3A_8 : i32
    %while3A = arith.constant 0 : i32
    %while3A_9 = arith.constant 0 : i32
    %while3A_10 = arith.subi %select_n3A, %while3A_9 : i32
    %while3A_11 = arith.addi %while3A_9, %while3A_10 : i32
    %while3A_12 = arith.constant 1 : i32
    %while3A_13 = arith.divsi %while3A_10, %while3A_12 : i32
    %while3A_14 = arith.muli %while3A_13, %while3A_12 : i32
    %while3A_15 = arith.addi %while3A_9, %while3A_14 : i32
    %while3A_16 = arith.constant 1 : i32
    scf.for %while3A_152 = %while3A_9 to %while3A_15 step %while3A_16  : i32 {
      %mul3A_153 = arith.constant 16 : i32
      %mul3A_154 = arith.muli %while3A_152, %mul3A_153 : i32
      %add3A_155 = arith.addi %arg1, %mul3A_154 : i32
      %mul3A_156 = arith.constant 40 : i32
      %mul3A_157 = arith.muli %add3A_155, %mul3A_156 : i32
      "tpu.region"() ({
        %run_scoped3A = tpu.sem_alloc : memref<!tpu.dma_semaphore, #tpu.memory_space<semaphore_mem>>
        %dma_start3A_158 = arith.constant 0 : i32
        %dma_start3A_159 = tpu.memref_slice %arg10[%mul3A_157, %dma_start3A_158] : memref<10000x128xf32, #tpu.memory_space<vmem_shared>> -> memref<40x128xf32, #tpu.memory_space<vmem_shared>>
        %dma_start3A_160 = arith.constant 0 : i32
        %dma_start3A_161 = tpu.memref_slice %arg10[%mul3A_157, %dma_start3A_160] : memref<10000x128xf32, #tpu.memory_space<vmem_shared>> -> memref<40x128xf32, #tpu.memory_space<vmem_shared>>
        tpu.enqueue_dma source(%arg9 : memref<40x128xf32, #tpu.memory_space<vmem>>) target(%dma_start3A_161 : memref<40x128xf32, #tpu.memory_space<vmem_shared>>) target_semaphore(%run_scoped3A : memref<!tpu.dma_semaphore, #tpu.memory_space<semaphore_mem>>)
        %dma_wait3A_162 = arith.constant 0 : i32
        %dma_wait3A_163 = tpu.memref_slice %arg10[%mul3A_157, %dma_wait3A_162] : memref<10000x128xf32, #tpu.memory_space<vmem_shared>> -> memref<40x128xf32, #tpu.memory_space<vmem_shared>>
        %dma_wait3A_164 = arith.constant 0 : i32
        %dma_wait3A_165 = tpu.memref_slice %arg10[%mul3A_157, %dma_wait3A_164] : memref<10000x128xf32, #tpu.memory_space<vmem_shared>> -> memref<40x128xf32, #tpu.memory_space<vmem_shared>>
        tpu.wait_dma2 semaphore(%run_scoped3A : memref<!tpu.dma_semaphore, #tpu.memory_space<semaphore_mem>>) src(%arg9 : memref<40x128xf32, #tpu.memory_space<vmem>>) dst(%dma_wait3A_165 : memref<40x128xf32, #tpu.memory_space<vmem_shared>>)
        tpu.yield
      }) : () -> ()
    }
    %while3A_17 = arith.constant 1 : i32
    scf.for %while3A_152 = %while3A_15 to %while3A_11 step %while3A_17  : i32 {
      %mul3A_153 = arith.constant 16 : i32
      %mul3A_154 = arith.muli %while3A_152, %mul3A_153 : i32
      %add3A_155 = arith.addi %arg1, %mul3A_154 : i32
      %mul3A_156 = arith.constant 40 : i32
      %mul3A_157 = arith.muli %add3A_155, %mul3A_156 : i32
      "tpu.region"() ({
        %run_scoped3A = tpu.sem_alloc : memref<!tpu.dma_semaphore, #tpu.memory_space<semaphore_mem>>
        %dma_start3A_158 = arith.constant 0 : i32
        %dma_start3A_159 = tpu.memref_slice %arg10[%mul3A_157, %dma_start3A_158] : memref<10000x128xf32, #tpu.memory_space<vmem_shared>> -> memref<40x128xf32, #tpu.memory_space<vmem_shared>>
        %dma_start3A_160 = arith.constant 0 : i32
        %dma_start3A_161 = tpu.memref_slice %arg10[%mul3A_157, %dma_start3A_160] : memref<10000x128xf32, #tpu.memory_space<vmem_shared>> -> memref<40x128xf32, #tpu.memory_space<vmem_shared>>
        tpu.enqueue_dma source(%arg9 : memref<40x128xf32, #tpu.memory_space<vmem>>) target(%dma_start3A_161 : memref<40x128xf32, #tpu.memory_space<vmem_shared>>) target_semaphore(%run_scoped3A : memref<!tpu.dma_semaphore, #tpu.memory_space<semaphore_mem>>)
        %dma_wait3A_162 = arith.constant 0 : i32
        %dma_wait3A_163 = tpu.memref_slice %arg10[%mul3A_157, %dma_wait3A_162] : memref<10000x128xf32, #tpu.memory_space<vmem_shared>> -> memref<40x128xf32, #tpu.memory_space<vmem_shared>>
        %dma_wait3A_164 = arith.constant 0 : i32
        %dma_wait3A_165 = tpu.memref_slice %arg10[%mul3A_157, %dma_wait3A_164] : memref<10000x128xf32, #tpu.memory_space<vmem_shared>> -> memref<40x128xf32, #tpu.memory_space<vmem_shared>>
        tpu.wait_dma2 semaphore(%run_scoped3A : memref<!tpu.dma_semaphore, #tpu.memory_space<semaphore_mem>>) src(%arg9 : memref<40x128xf32, #tpu.memory_space<vmem>>) dst(%dma_wait3A_165 : memref<40x128xf32, #tpu.memory_space<vmem_shared>>)
        tpu.yield
      }) : () -> ()
    }
    %barrier3A = arith.constant 0 : index
    tpu.barrier barrier_id(%barrier3A)
    %dma_start3A = arith.constant 0 : i32
    %dma_start3A_18 = arith.constant 0 : i32
    %dma_start3A_19 = arith.constant 0 : i32
    %dma_start3A_20 = arith.constant 0 : i32
    %dma_start3A_21 = arith.constant 0 : i32
    %dma_start3A_22 = tpu.memref_slice %arg8[%dma_start3A_18, %dma_start3A_20, %dma_start3A_21] : memref<5x40x128xf32, #tpu.memory_space<vmem>> -> memref<1x40x128xf32, #tpu.memory_space<vmem>>
    %dma_start3A_23 = tpu.memref_squeeze %dma_start3A_22 : memref<1x40x128xf32, #tpu.memory_space<vmem>> -> memref<40x128xf32, #tpu.memory_space<vmem>>
    %dma_start3A_24 = arith.constant 0 : i32
    %dma_start3A_25 = tpu.memref_slice %arg6[%dma_start3A, %dma_start3A_24] : memref<250x40xi32, #tpu.memory_space<vmem>> -> memref<1x40xi32, #tpu.memory_space<vmem>>
    %dma_start3A_26 = tpu.memref_squeeze %dma_start3A_25 : memref<1x40xi32, #tpu.memory_space<vmem>> -> memref<40xi32, #tpu.memory_space<vmem>>
    %dma_start3A_27 = arith.constant 0 : i32
    %dma_start3A_28 = arith.constant 0 : i32
    %dma_start3A_29 = tpu.memref_slice %arg2[%dma_start3A_27, %dma_start3A_28] : memref<10000x128xf32, #tpu.memory_space<hbm>> -> memref<10000x128xf32, #tpu.memory_space<hbm>>
    %dma_start3A_30 = tpu.memref_slice %arg11[%dma_start3A_19] : memref<5x!tpu.dma_semaphore, #tpu.memory_space<semaphore_mem>> -> memref<1x!tpu.dma_semaphore, #tpu.memory_space<semaphore_mem>>
    %dma_start3A_31 = tpu.memref_squeeze %dma_start3A_30 : memref<1x!tpu.dma_semaphore, #tpu.memory_space<semaphore_mem>> -> memref<!tpu.dma_semaphore, #tpu.memory_space<semaphore_mem>>
    tpu.enqueue_indirect_dma source(%dma_start3A_29 : memref<10000x128xf32, #tpu.memory_space<hbm>>) target(%dma_start3A_23 : memref<40x128xf32, #tpu.memory_space<vmem>>) offsets(%dma_start3A_26 : memref<40xi32, #tpu.memory_space<vmem>>) semaphore(%dma_start3A_31 : memref<!tpu.dma_semaphore, #tpu.memory_space<semaphore_mem>>)
    %dma_start3A_32 = arith.constant 1 : i32
    %dma_start3A_33 = arith.constant 1 : i32
    %dma_start3A_34 = arith.constant 1 : i32
    %dma_start3A_35 = arith.constant 0 : i32
    %dma_start3A_36 = arith.constant 0 : i32
    %dma_start3A_37 = tpu.memref_slice %arg8[%dma_start3A_33, %dma_start3A_35, %dma_start3A_36] : memref<5x40x128xf32, #tpu.memory_space<vmem>> -> memref<1x40x128xf32, #tpu.memory_space<vmem>>
    %dma_start3A_38 = tpu.memref_squeeze %dma_start3A_37 : memref<1x40x128xf32, #tpu.memory_space<vmem>> -> memref<40x128xf32, #tpu.memory_space<vmem>>
    %dma_start3A_39 = arith.constant 0 : i32
    %dma_start3A_40 = tpu.memref_slice %arg6[%dma_start3A_32, %dma_start3A_39] : memref<250x40xi32, #tpu.memory_space<vmem>> -> memref<1x40xi32, #tpu.memory_space<vmem>>
    %dma_start3A_41 = tpu.memref_squeeze %dma_start3A_40 : memref<1x40xi32, #tpu.memory_space<vmem>> -> memref<40xi32, #tpu.memory_space<vmem>>
    %dma_start3A_42 = arith.constant 0 : i32
    %dma_start3A_43 = arith.constant 0 : i32
    %dma_start3A_44 = tpu.memref_slice %arg2[%dma_start3A_42, %dma_start3A_43] : memref<10000x128xf32, #tpu.memory_space<hbm>> -> memref<10000x128xf32, #tpu.memory_space<hbm>>
    %dma_start3A_45 = tpu.memref_slice %arg11[%dma_start3A_34] : memref<5x!tpu.dma_semaphore, #tpu.memory_space<semaphore_mem>> -> memref<1x!tpu.dma_semaphore, #tpu.memory_space<semaphore_mem>>
    %dma_start3A_46 = tpu.memref_squeeze %dma_start3A_45 : memref<1x!tpu.dma_semaphore, #tpu.memory_space<semaphore_mem>> -> memref<!tpu.dma_semaphore, #tpu.memory_space<semaphore_mem>>
    tpu.enqueue_indirect_dma source(%dma_start3A_44 : memref<10000x128xf32, #tpu.memory_space<hbm>>) target(%dma_start3A_38 : memref<40x128xf32, #tpu.memory_space<vmem>>) offsets(%dma_start3A_41 : memref<40xi32, #tpu.memory_space<vmem>>) semaphore(%dma_start3A_46 : memref<!tpu.dma_semaphore, #tpu.memory_space<semaphore_mem>>)
    %dma_start3A_47 = arith.constant 2 : i32
    %dma_start3A_48 = arith.constant 2 : i32
    %dma_start3A_49 = arith.constant 2 : i32
    %dma_start3A_50 = arith.constant 0 : i32
    %dma_start3A_51 = arith.constant 0 : i32
    %dma_start3A_52 = tpu.memref_slice %arg8[%dma_start3A_48, %dma_start3A_50, %dma_start3A_51] : memref<5x40x128xf32, #tpu.memory_space<vmem>> -> memref<1x40x128xf32, #tpu.memory_space<vmem>>
    %dma_start3A_53 = tpu.memref_squeeze %dma_start3A_52 : memref<1x40x128xf32, #tpu.memory_space<vmem>> -> memref<40x128xf32, #tpu.memory_space<vmem>>
    %dma_start3A_54 = arith.constant 0 : i32
    %dma_start3A_55 = tpu.memref_slice %arg6[%dma_start3A_47, %dma_start3A_54] : memref<250x40xi32, #tpu.memory_space<vmem>> -> memref<1x40xi32, #tpu.memory_space<vmem>>
    %dma_start3A_56 = tpu.memref_squeeze %dma_start3A_55 : memref<1x40xi32, #tpu.memory_space<vmem>> -> memref<40xi32, #tpu.memory_space<vmem>>
    %dma_start3A_57 = arith.constant 0 : i32
    %dma_start3A_58 = arith.constant 0 : i32
    %dma_start3A_59 = tpu.memref_slice %arg2[%dma_start3A_57, %dma_start3A_58] : memref<10000x128xf32, #tpu.memory_space<hbm>> -> memref<10000x128xf32, #tpu.memory_space<hbm>>
    %dma_start3A_60 = tpu.memref_slice %arg11[%dma_start3A_49] : memref<5x!tpu.dma_semaphore, #tpu.memory_space<semaphore_mem>> -> memref<1x!tpu.dma_semaphore, #tpu.memory_space<semaphore_mem>>
    %dma_start3A_61 = tpu.memref_squeeze %dma_start3A_60 : memref<1x!tpu.dma_semaphore, #tpu.memory_space<semaphore_mem>> -> memref<!tpu.dma_semaphore, #tpu.memory_space<semaphore_mem>>
    tpu.enqueue_indirect_dma source(%dma_start3A_59 : memref<10000x128xf32, #tpu.memory_space<hbm>>) target(%dma_start3A_53 : memref<40x128xf32, #tpu.memory_space<vmem>>) offsets(%dma_start3A_56 : memref<40xi32, #tpu.memory_space<vmem>>) semaphore(%dma_start3A_61 : memref<!tpu.dma_semaphore, #tpu.memory_space<semaphore_mem>>)
    %scan3A_62 = arith.constant 0 : i32
    %scan3A_63 = arith.constant 50 : i32
    %scan3A_64 = arith.addi %scan3A_62, %scan3A_63 : i32
    %scan3A_65 = arith.constant 1 : i32
    scf.for %scan3A_152 = %scan3A_62 to %scan3A_64 step %scan3A_65  : i32 {
      %mul3A_153 = arith.constant 5 : i32
      %mul3A_154 = arith.muli %scan3A_152, %mul3A_153 : i32
      %add3A_155 = arith.constant 0 : i32
      %add3A_156 = arith.addi %add3A_155, %mul3A_154 : i32
      %add3A_157 = arith.constant 0 : i32
      %add3A_158 = arith.addi %add3A_156, %add3A_157 : i32
      %add3A_159 = arith.constant 3 : i32
      %add3A_160 = arith.addi %add3A_158, %add3A_159 : i32
      %lt3A_161 = arith.constant 250 : i32
      %lt3A_162 = arith.cmpi slt, %add3A_160, %lt3A_161 : i32
      %convert_element_type3A = arith.extui %lt3A_162 : i1 to i32
      %cond3A = arith.constant 0 : i32
      %cond3A_163 = arith.cmpi ne, %convert_element_type3A, %cond3A : i32
      scf.if %cond3A_163 {
        %ge3A = arith.constant 5 : i32
        %ge3A_340 = arith.cmpi sge, %add3A_160, %ge3A : i32
        %convert_element_type3A_341 = arith.extui %ge3A_340 : i1 to i32
        %cond3A_342 = arith.constant 0 : i32
        %cond3A_343 = arith.cmpi ne, %convert_element_type3A_341, %cond3A_342 : i32
        scf.if %cond3A_343 {
          %sub3A = arith.constant 5 : i32
          %sub3A_358 = arith.subi %add3A_160, %sub3A : i32
          %dma_wait3A_359 = arith.constant 3 : i32
          %dma_wait3A_360 = arith.constant 3 : i32
          %dma_wait3A_361 = arith.constant 0 : i32
          %dma_wait3A_362 = arith.constant 0 : i32
          %dma_wait3A_363 = tpu.memref_slice %arg8[%dma_wait3A_359, %dma_wait3A_361, %dma_wait3A_362] : memref<5x40x128xf32, #tpu.memory_space<vmem>> -> memref<1x40x128xf32, #tpu.memory_space<vmem>>
          %dma_wait3A_364 = tpu.memref_squeeze %dma_wait3A_363 : memref<1x40x128xf32, #tpu.memory_space<vmem>> -> memref<40x128xf32, #tpu.memory_space<vmem>>
          %dma_wait3A_365 = arith.constant 0 : i32
          %dma_wait3A_366 = tpu.memref_slice %arg7[%sub3A_358, %dma_wait3A_365] : memref<250x40xi32, #tpu.memory_space<vmem>> -> memref<1x40xi32, #tpu.memory_space<vmem>>
          %dma_wait3A_367 = tpu.memref_squeeze %dma_wait3A_366 : memref<1x40xi32, #tpu.memory_space<vmem>> -> memref<40xi32, #tpu.memory_space<vmem>>
          %dma_wait3A_368 = arith.constant 0 : i32
          %dma_wait3A_369 = arith.constant 0 : i32
          %dma_wait3A_370 = tpu.memref_slice %arg10[%dma_wait3A_368, %dma_wait3A_369] : memref<10000x128xf32, #tpu.memory_space<vmem_shared>> -> memref<10000x128xf32, #tpu.memory_space<vmem_shared>>
          %dma_wait3A_371 = tpu.memref_slice %arg12[%dma_wait3A_360] : memref<5x!tpu.dma_semaphore, #tpu.memory_space<semaphore_mem>> -> memref<1x!tpu.dma_semaphore, #tpu.memory_space<semaphore_mem>>
          %dma_wait3A_372 = tpu.memref_squeeze %dma_wait3A_371 : memref<1x!tpu.dma_semaphore, #tpu.memory_space<semaphore_mem>> -> memref<!tpu.dma_semaphore, #tpu.memory_space<semaphore_mem>>
          tpu.wait_indirect_dma semaphore(%dma_wait3A_372 : memref<!tpu.dma_semaphore, #tpu.memory_space<semaphore_mem>>) src(%dma_wait3A_364 : memref<40x128xf32, #tpu.memory_space<vmem>>) dst(%dma_wait3A_370 : memref<10000x128xf32, #tpu.memory_space<vmem_shared>>)
        } else {
        }
        %dma_start3A_344 = arith.constant 3 : i32
        %dma_start3A_345 = arith.constant 3 : i32
        %dma_start3A_346 = arith.constant 0 : i32
        %dma_start3A_347 = arith.constant 0 : i32
        %dma_start3A_348 = tpu.memref_slice %arg8[%dma_start3A_344, %dma_start3A_346, %dma_start3A_347] : memref<5x40x128xf32, #tpu.memory_space<vmem>> -> memref<1x40x128xf32, #tpu.memory_space<vmem>>
        %dma_start3A_349 = tpu.memref_squeeze %dma_start3A_348 : memref<1x40x128xf32, #tpu.memory_space<vmem>> -> memref<40x128xf32, #tpu.memory_space<vmem>>
        %dma_start3A_350 = arith.constant 0 : i32
        %dma_start3A_351 = tpu.memref_slice %arg6[%add3A_160, %dma_start3A_350] : memref<250x40xi32, #tpu.memory_space<vmem>> -> memref<1x40xi32, #tpu.memory_space<vmem>>
        %dma_start3A_352 = tpu.memref_squeeze %dma_start3A_351 : memref<1x40xi32, #tpu.memory_space<vmem>> -> memref<40xi32, #tpu.memory_space<vmem>>
        %dma_start3A_353 = arith.constant 0 : i32
        %dma_start3A_354 = arith.constant 0 : i32
        %dma_start3A_355 = tpu.memref_slice %arg2[%dma_start3A_353, %dma_start3A_354] : memref<10000x128xf32, #tpu.memory_space<hbm>> -> memref<10000x128xf32, #tpu.memory_space<hbm>>
        %dma_start3A_356 = tpu.memref_slice %arg11[%dma_start3A_345] : memref<5x!tpu.dma_semaphore, #tpu.memory_space<semaphore_mem>> -> memref<1x!tpu.dma_semaphore, #tpu.memory_space<semaphore_mem>>
        %dma_start3A_357 = tpu.memref_squeeze %dma_start3A_356 : memref<1x!tpu.dma_semaphore, #tpu.memory_space<semaphore_mem>> -> memref<!tpu.dma_semaphore, #tpu.memory_space<semaphore_mem>>
        tpu.enqueue_indirect_dma source(%dma_start3A_355 : memref<10000x128xf32, #tpu.memory_space<hbm>>) target(%dma_start3A_349 : memref<40x128xf32, #tpu.memory_space<vmem>>) offsets(%dma_start3A_352 : memref<40xi32, #tpu.memory_space<vmem>>) semaphore(%dma_start3A_357 : memref<!tpu.dma_semaphore, #tpu.memory_space<semaphore_mem>>)
      } else {
      }
      %dma_wait3A_164 = arith.constant 0 : i32
      %dma_wait3A_165 = arith.constant 0 : i32
      %dma_wait3A_166 = arith.constant 0 : i32
      %dma_wait3A_167 = arith.constant 0 : i32
      %dma_wait3A_168 = tpu.memref_slice %arg8[%dma_wait3A_164, %dma_wait3A_166, %dma_wait3A_167] : memref<5x40x128xf32, #tpu.memory_space<vmem>> -> memref<1x40x128xf32, #tpu.memory_space<vmem>>
      %dma_wait3A_169 = tpu.memref_squeeze %dma_wait3A_168 : memref<1x40x128xf32, #tpu.memory_space<vmem>> -> memref<40x128xf32, #tpu.memory_space<vmem>>
      %dma_wait3A_170 = arith.constant 0 : i32
      %dma_wait3A_171 = tpu.memref_slice %arg6[%add3A_158, %dma_wait3A_170] : memref<250x40xi32, #tpu.memory_space<vmem>> -> memref<1x40xi32, #tpu.memory_space<vmem>>
      %dma_wait3A_172 = tpu.memref_squeeze %dma_wait3A_171 : memref<1x40xi32, #tpu.memory_space<vmem>> -> memref<40xi32, #tpu.memory_space<vmem>>
      %dma_wait3A_173 = arith.constant 0 : i32
      %dma_wait3A_174 = arith.constant 0 : i32
      %dma_wait3A_175 = tpu.memref_slice %arg2[%dma_wait3A_173, %dma_wait3A_174] : memref<10000x128xf32, #tpu.memory_space<hbm>> -> memref<10000x128xf32, #tpu.memory_space<hbm>>
      %dma_wait3A_176 = tpu.memref_slice %arg11[%dma_wait3A_165] : memref<5x!tpu.dma_semaphore, #tpu.memory_space<semaphore_mem>> -> memref<1x!tpu.dma_semaphore, #tpu.memory_space<semaphore_mem>>
      %dma_wait3A_177 = tpu.memref_squeeze %dma_wait3A_176 : memref<1x!tpu.dma_semaphore, #tpu.memory_space<semaphore_mem>> -> memref<!tpu.dma_semaphore, #tpu.memory_space<semaphore_mem>>
      tpu.wait_indirect_dma semaphore(%dma_wait3A_177 : memref<!tpu.dma_semaphore, #tpu.memory_space<semaphore_mem>>) src(%dma_wait3A_175 : memref<10000x128xf32, #tpu.memory_space<hbm>>) dst(%dma_wait3A_169 : memref<40x128xf32, #tpu.memory_space<vmem>>)
      %dma_start3A_178 = arith.constant 0 : i32
      %dma_start3A_179 = arith.constant 0 : i32
      %dma_start3A_180 = arith.constant 0 : i32
      %dma_start3A_181 = arith.constant 0 : i32
      %dma_start3A_182 = tpu.memref_slice %arg8[%dma_start3A_178, %dma_start3A_180, %dma_start3A_181] : memref<5x40x128xf32, #tpu.memory_space<vmem>> -> memref<1x40x128xf32, #tpu.memory_space<vmem>>
      %dma_start3A_183 = tpu.memref_squeeze %dma_start3A_182 : memref<1x40x128xf32, #tpu.memory_space<vmem>> -> memref<40x128xf32, #tpu.memory_space<vmem>>
      %dma_start3A_184 = arith.constant 0 : i32
      %dma_start3A_185 = tpu.memref_slice %arg7[%add3A_158, %dma_start3A_184] : memref<250x40xi32, #tpu.memory_space<vmem>> -> memref<1x40xi32, #tpu.memory_space<vmem>>
      %dma_start3A_186 = tpu.memref_squeeze %dma_start3A_185 : memref<1x40xi32, #tpu.memory_space<vmem>> -> memref<40xi32, #tpu.memory_space<vmem>>
      %dma_start3A_187 = arith.constant 0 : i32
      %dma_start3A_188 = arith.constant 0 : i32
      %dma_start3A_189 = tpu.memref_slice %arg10[%dma_start3A_187, %dma_start3A_188] : memref<10000x128xf32, #tpu.memory_space<vmem_shared>> -> memref<10000x128xf32, #tpu.memory_space<vmem_shared>>
      %dma_start3A_190 = tpu.memref_slice %arg12[%dma_start3A_179] : memref<5x!tpu.dma_semaphore, #tpu.memory_space<semaphore_mem>> -> memref<1x!tpu.dma_semaphore, #tpu.memory_space<semaphore_mem>>
      %dma_start3A_191 = tpu.memref_squeeze %dma_start3A_190 : memref<1x!tpu.dma_semaphore, #tpu.memory_space<semaphore_mem>> -> memref<!tpu.dma_semaphore, #tpu.memory_space<semaphore_mem>>
      tpu.enqueue_indirect_dma source(%dma_start3A_183 : memref<40x128xf32, #tpu.memory_space<vmem>>) target(%dma_start3A_189 : memref<10000x128xf32, #tpu.memory_space<vmem_shared>>) offsets(%dma_start3A_186 : memref<40xi32, #tpu.memory_space<vmem>>) semaphore(%dma_start3A_191 : memref<!tpu.dma_semaphore, #tpu.memory_space<semaphore_mem>>) {add = true}
      %add3A_192 = arith.constant 1 : i32
      %add3A_193 = arith.addi %add3A_156, %add3A_192 : i32
      %add3A_194 = arith.constant 3 : i32
      %add3A_195 = arith.addi %add3A_193, %add3A_194 : i32
      %lt3A_196 = arith.constant 250 : i32
      %lt3A_197 = arith.cmpi slt, %add3A_195, %lt3A_196 : i32
      %convert_element_type3A_198 = arith.extui %lt3A_197 : i1 to i32
      %cond3A_199 = arith.constant 0 : i32
      %cond3A_200 = arith.cmpi ne, %convert_element_type3A_198, %cond3A_199 : i32
      scf.if %cond3A_200 {
        %ge3A = arith.constant 5 : i32
        %ge3A_340 = arith.cmpi sge, %add3A_195, %ge3A : i32
        %convert_element_type3A_341 = arith.extui %ge3A_340 : i1 to i32
        %cond3A_342 = arith.constant 0 : i32
        %cond3A_343 = arith.cmpi ne, %convert_element_type3A_341, %cond3A_342 : i32
        scf.if %cond3A_343 {
          %sub3A = arith.constant 5 : i32
          %sub3A_358 = arith.subi %add3A_195, %sub3A : i32
          %dma_wait3A_359 = arith.constant 4 : i32
          %dma_wait3A_360 = arith.constant 4 : i32
          %dma_wait3A_361 = arith.constant 0 : i32
          %dma_wait3A_362 = arith.constant 0 : i32
          %dma_wait3A_363 = tpu.memref_slice %arg8[%dma_wait3A_359, %dma_wait3A_361, %dma_wait3A_362] : memref<5x40x128xf32, #tpu.memory_space<vmem>> -> memref<1x40x128xf32, #tpu.memory_space<vmem>>
          %dma_wait3A_364 = tpu.memref_squeeze %dma_wait3A_363 : memref<1x40x128xf32, #tpu.memory_space<vmem>> -> memref<40x128xf32, #tpu.memory_space<vmem>>
          %dma_wait3A_365 = arith.constant 0 : i32
          %dma_wait3A_366 = tpu.memref_slice %arg7[%sub3A_358, %dma_wait3A_365] : memref<250x40xi32, #tpu.memory_space<vmem>> -> memref<1x40xi32, #tpu.memory_space<vmem>>
          %dma_wait3A_367 = tpu.memref_squeeze %dma_wait3A_366 : memref<1x40xi32, #tpu.memory_space<vmem>> -> memref<40xi32, #tpu.memory_space<vmem>>
          %dma_wait3A_368 = arith.constant 0 : i32
          %dma_wait3A_369 = arith.constant 0 : i32
          %dma_wait3A_370 = tpu.memref_slice %arg10[%dma_wait3A_368, %dma_wait3A_369] : memref<10000x128xf32, #tpu.memory_space<vmem_shared>> -> memref<10000x128xf32, #tpu.memory_space<vmem_shared>>
          %dma_wait3A_371 = tpu.memref_slice %arg12[%dma_wait3A_360] : memref<5x!tpu.dma_semaphore, #tpu.memory_space<semaphore_mem>> -> memref<1x!tpu.dma_semaphore, #tpu.memory_space<semaphore_mem>>
          %dma_wait3A_372 = tpu.memref_squeeze %dma_wait3A_371 : memref<1x!tpu.dma_semaphore, #tpu.memory_space<semaphore_mem>> -> memref<!tpu.dma_semaphore, #tpu.memory_space<semaphore_mem>>
          tpu.wait_indirect_dma semaphore(%dma_wait3A_372 : memref<!tpu.dma_semaphore, #tpu.memory_space<semaphore_mem>>) src(%dma_wait3A_364 : memref<40x128xf32, #tpu.memory_space<vmem>>) dst(%dma_wait3A_370 : memref<10000x128xf32, #tpu.memory_space<vmem_shared>>)
        } else {
        }
        %dma_start3A_344 = arith.constant 4 : i32
        %dma_start3A_345 = arith.constant 4 : i32
        %dma_start3A_346 = arith.constant 0 : i32
        %dma_start3A_347 = arith.constant 0 : i32
        %dma_start3A_348 = tpu.memref_slice %arg8[%dma_start3A_344, %dma_start3A_346, %dma_start3A_347] : memref<5x40x128xf32, #tpu.memory_space<vmem>> -> memref<1x40x128xf32, #tpu.memory_space<vmem>>
        %dma_start3A_349 = tpu.memref_squeeze %dma_start3A_348 : memref<1x40x128xf32, #tpu.memory_space<vmem>> -> memref<40x128xf32, #tpu.memory_space<vmem>>
        %dma_start3A_350 = arith.constant 0 : i32
        %dma_start3A_351 = tpu.memref_slice %arg6[%add3A_195, %dma_start3A_350] : memref<250x40xi32, #tpu.memory_space<vmem>> -> memref<1x40xi32, #tpu.memory_space<vmem>>
        %dma_start3A_352 = tpu.memref_squeeze %dma_start3A_351 : memref<1x40xi32, #tpu.memory_space<vmem>> -> memref<40xi32, #tpu.memory_space<vmem>>
        %dma_start3A_353 = arith.constant 0 : i32
        %dma_start3A_354 = arith.constant 0 : i32
        %dma_start3A_355 = tpu.memref_slice %arg2[%dma_start3A_353, %dma_start3A_354] : memref<10000x128xf32, #tpu.memory_space<hbm>> -> memref<10000x128xf32, #tpu.memory_space<hbm>>
        %dma_start3A_356 = tpu.memref_slice %arg11[%dma_start3A_345] : memref<5x!tpu.dma_semaphore, #tpu.memory_space<semaphore_mem>> -> memref<1x!tpu.dma_semaphore, #tpu.memory_space<semaphore_mem>>
        %dma_start3A_357 = tpu.memref_squeeze %dma_start3A_356 : memref<1x!tpu.dma_semaphore, #tpu.memory_space<semaphore_mem>> -> memref<!tpu.dma_semaphore, #tpu.memory_space<semaphore_mem>>
        tpu.enqueue_indirect_dma source(%dma_start3A_355 : memref<10000x128xf32, #tpu.memory_space<hbm>>) target(%dma_start3A_349 : memref<40x128xf32, #tpu.memory_space<vmem>>) offsets(%dma_start3A_352 : memref<40xi32, #tpu.memory_space<vmem>>) semaphore(%dma_start3A_357 : memref<!tpu.dma_semaphore, #tpu.memory_space<semaphore_mem>>)
      } else {
      }
      %dma_wait3A_201 = arith.constant 1 : i32
      %dma_wait3A_202 = arith.constant 1 : i32
      %dma_wait3A_203 = arith.constant 0 : i32
      %dma_wait3A_204 = arith.constant 0 : i32
      %dma_wait3A_205 = tpu.memref_slice %arg8[%dma_wait3A_201, %dma_wait3A_203, %dma_wait3A_204] : memref<5x40x128xf32, #tpu.memory_space<vmem>> -> memref<1x40x128xf32, #tpu.memory_space<vmem>>
      %dma_wait3A_206 = tpu.memref_squeeze %dma_wait3A_205 : memref<1x40x128xf32, #tpu.memory_space<vmem>> -> memref<40x128xf32, #tpu.memory_space<vmem>>
      %dma_wait3A_207 = arith.constant 0 : i32
      %dma_wait3A_208 = tpu.memref_slice %arg6[%add3A_193, %dma_wait3A_207] : memref<250x40xi32, #tpu.memory_space<vmem>> -> memref<1x40xi32, #tpu.memory_space<vmem>>
      %dma_wait3A_209 = tpu.memref_squeeze %dma_wait3A_208 : memref<1x40xi32, #tpu.memory_space<vmem>> -> memref<40xi32, #tpu.memory_space<vmem>>
      %dma_wait3A_210 = arith.constant 0 : i32
      %dma_wait3A_211 = arith.constant 0 : i32
      %dma_wait3A_212 = tpu.memref_slice %arg2[%dma_wait3A_210, %dma_wait3A_211] : memref<10000x128xf32, #tpu.memory_space<hbm>> -> memref<10000x128xf32, #tpu.memory_space<hbm>>
      %dma_wait3A_213 = tpu.memref_slice %arg11[%dma_wait3A_202] : memref<5x!tpu.dma_semaphore, #tpu.memory_space<semaphore_mem>> -> memref<1x!tpu.dma_semaphore, #tpu.memory_space<semaphore_mem>>
      %dma_wait3A_214 = tpu.memref_squeeze %dma_wait3A_213 : memref<1x!tpu.dma_semaphore, #tpu.memory_space<semaphore_mem>> -> memref<!tpu.dma_semaphore, #tpu.memory_space<semaphore_mem>>
      tpu.wait_indirect_dma semaphore(%dma_wait3A_214 : memref<!tpu.dma_semaphore, #tpu.memory_space<semaphore_mem>>) src(%dma_wait3A_212 : memref<10000x128xf32, #tpu.memory_space<hbm>>) dst(%dma_wait3A_206 : memref<40x128xf32, #tpu.memory_space<vmem>>)
      %dma_start3A_215 = arith.constant 1 : i32
      %dma_start3A_216 = arith.constant 1 : i32
      %dma_start3A_217 = arith.constant 0 : i32
      %dma_start3A_218 = arith.constant 0 : i32
      %dma_start3A_219 = tpu.memref_slice %arg8[%dma_start3A_215, %dma_start3A_217, %dma_start3A_218] : memref<5x40x128xf32, #tpu.memory_space<vmem>> -> memref<1x40x128xf32, #tpu.memory_space<vmem>>
      %dma_start3A_220 = tpu.memref_squeeze %dma_start3A_219 : memref<1x40x128xf32, #tpu.memory_space<vmem>> -> memref<40x128xf32, #tpu.memory_space<vmem>>
      %dma_start3A_221 = arith.constant 0 : i32
      %dma_start3A_222 = tpu.memref_slice %arg7[%add3A_193, %dma_start3A_221] : memref<250x40xi32, #tpu.memory_space<vmem>> -> memref<1x40xi32, #tpu.memory_space<vmem>>
      %dma_start3A_223 = tpu.memref_squeeze %dma_start3A_222 : memref<1x40xi32, #tpu.memory_space<vmem>> -> memref<40xi32, #tpu.memory_space<vmem>>
      %dma_start3A_224 = arith.constant 0 : i32
      %dma_start3A_225 = arith.constant 0 : i32
      %dma_start3A_226 = tpu.memref_slice %arg10[%dma_start3A_224, %dma_start3A_225] : memref<10000x128xf32, #tpu.memory_space<vmem_shared>> -> memref<10000x128xf32, #tpu.memory_space<vmem_shared>>
      %dma_start3A_227 = tpu.memref_slice %arg12[%dma_start3A_216] : memref<5x!tpu.dma_semaphore, #tpu.memory_space<semaphore_mem>> -> memref<1x!tpu.dma_semaphore, #tpu.memory_space<semaphore_mem>>
      %dma_start3A_228 = tpu.memref_squeeze %dma_start3A_227 : memref<1x!tpu.dma_semaphore, #tpu.memory_space<semaphore_mem>> -> memref<!tpu.dma_semaphore, #tpu.memory_space<semaphore_mem>>
      tpu.enqueue_indirect_dma source(%dma_start3A_220 : memref<40x128xf32, #tpu.memory_space<vmem>>) target(%dma_start3A_226 : memref<10000x128xf32, #tpu.memory_space<vmem_shared>>) offsets(%dma_start3A_223 : memref<40xi32, #tpu.memory_space<vmem>>) semaphore(%dma_start3A_228 : memref<!tpu.dma_semaphore, #tpu.memory_space<semaphore_mem>>) {add = true}
      %add3A_229 = arith.constant 2 : i32
      %add3A_230 = arith.addi %add3A_156, %add3A_229 : i32
      %add3A_231 = arith.constant 3 : i32
      %add3A_232 = arith.addi %add3A_230, %add3A_231 : i32
      %lt3A_233 = arith.constant 250 : i32
      %lt3A_234 = arith.cmpi slt, %add3A_232, %lt3A_233 : i32
      %convert_element_type3A_235 = arith.extui %lt3A_234 : i1 to i32
      %cond3A_236 = arith.constant 0 : i32
      %cond3A_237 = arith.cmpi ne, %convert_element_type3A_235, %cond3A_236 : i32
      scf.if %cond3A_237 {
        %ge3A = arith.constant 5 : i32
        %ge3A_340 = arith.cmpi sge, %add3A_232, %ge3A : i32
        %convert_element_type3A_341 = arith.extui %ge3A_340 : i1 to i32
        %cond3A_342 = arith.constant 0 : i32
        %cond3A_343 = arith.cmpi ne, %convert_element_type3A_341, %cond3A_342 : i32
        scf.if %cond3A_343 {
          %sub3A = arith.constant 5 : i32
          %sub3A_358 = arith.subi %add3A_232, %sub3A : i32
          %dma_wait3A_359 = arith.constant 0 : i32
          %dma_wait3A_360 = arith.constant 0 : i32
          %dma_wait3A_361 = arith.constant 0 : i32
          %dma_wait3A_362 = arith.constant 0 : i32
          %dma_wait3A_363 = tpu.memref_slice %arg8[%dma_wait3A_359, %dma_wait3A_361, %dma_wait3A_362] : memref<5x40x128xf32, #tpu.memory_space<vmem>> -> memref<1x40x128xf32, #tpu.memory_space<vmem>>
          %dma_wait3A_364 = tpu.memref_squeeze %dma_wait3A_363 : memref<1x40x128xf32, #tpu.memory_space<vmem>> -> memref<40x128xf32, #tpu.memory_space<vmem>>
          %dma_wait3A_365 = arith.constant 0 : i32
          %dma_wait3A_366 = tpu.memref_slice %arg7[%sub3A_358, %dma_wait3A_365] : memref<250x40xi32, #tpu.memory_space<vmem>> -> memref<1x40xi32, #tpu.memory_space<vmem>>
          %dma_wait3A_367 = tpu.memref_squeeze %dma_wait3A_366 : memref<1x40xi32, #tpu.memory_space<vmem>> -> memref<40xi32, #tpu.memory_space<vmem>>
          %dma_wait3A_368 = arith.constant 0 : i32
          %dma_wait3A_369 = arith.constant 0 : i32
          %dma_wait3A_370 = tpu.memref_slice %arg10[%dma_wait3A_368, %dma_wait3A_369] : memref<10000x128xf32, #tpu.memory_space<vmem_shared>> -> memref<10000x128xf32, #tpu.memory_space<vmem_shared>>
          %dma_wait3A_371 = tpu.memref_slice %arg12[%dma_wait3A_360] : memref<5x!tpu.dma_semaphore, #tpu.memory_space<semaphore_mem>> -> memref<1x!tpu.dma_semaphore, #tpu.memory_space<semaphore_mem>>
          %dma_wait3A_372 = tpu.memref_squeeze %dma_wait3A_371 : memref<1x!tpu.dma_semaphore, #tpu.memory_space<semaphore_mem>> -> memref<!tpu.dma_semaphore, #tpu.memory_space<semaphore_mem>>
          tpu.wait_indirect_dma semaphore(%dma_wait3A_372 : memref<!tpu.dma_semaphore, #tpu.memory_space<semaphore_mem>>) src(%dma_wait3A_364 : memref<40x128xf32, #tpu.memory_space<vmem>>) dst(%dma_wait3A_370 : memref<10000x128xf32, #tpu.memory_space<vmem_shared>>)
        } else {
        }
        %dma_start3A_344 = arith.constant 0 : i32
        %dma_start3A_345 = arith.constant 0 : i32
        %dma_start3A_346 = arith.constant 0 : i32
        %dma_start3A_347 = arith.constant 0 : i32
        %dma_start3A_348 = tpu.memref_slice %arg8[%dma_start3A_344, %dma_start3A_346, %dma_start3A_347] : memref<5x40x128xf32, #tpu.memory_space<vmem>> -> memref<1x40x128xf32, #tpu.memory_space<vmem>>
        %dma_start3A_349 = tpu.memref_squeeze %dma_start3A_348 : memref<1x40x128xf32, #tpu.memory_space<vmem>> -> memref<40x128xf32, #tpu.memory_space<vmem>>
        %dma_start3A_350 = arith.constant 0 : i32
        %dma_start3A_351 = tpu.memref_slice %arg6[%add3A_232, %dma_start3A_350] : memref<250x40xi32, #tpu.memory_space<vmem>> -> memref<1x40xi32, #tpu.memory_space<vmem>>
        %dma_start3A_352 = tpu.memref_squeeze %dma_start3A_351 : memref<1x40xi32, #tpu.memory_space<vmem>> -> memref<40xi32, #tpu.memory_space<vmem>>
        %dma_start3A_353 = arith.constant 0 : i32
        %dma_start3A_354 = arith.constant 0 : i32
        %dma_start3A_355 = tpu.memref_slice %arg2[%dma_start3A_353, %dma_start3A_354] : memref<10000x128xf32, #tpu.memory_space<hbm>> -> memref<10000x128xf32, #tpu.memory_space<hbm>>
        %dma_start3A_356 = tpu.memref_slice %arg11[%dma_start3A_345] : memref<5x!tpu.dma_semaphore, #tpu.memory_space<semaphore_mem>> -> memref<1x!tpu.dma_semaphore, #tpu.memory_space<semaphore_mem>>
        %dma_start3A_357 = tpu.memref_squeeze %dma_start3A_356 : memref<1x!tpu.dma_semaphore, #tpu.memory_space<semaphore_mem>> -> memref<!tpu.dma_semaphore, #tpu.memory_space<semaphore_mem>>
        tpu.enqueue_indirect_dma source(%dma_start3A_355 : memref<10000x128xf32, #tpu.memory_space<hbm>>) target(%dma_start3A_349 : memref<40x128xf32, #tpu.memory_space<vmem>>) offsets(%dma_start3A_352 : memref<40xi32, #tpu.memory_space<vmem>>) semaphore(%dma_start3A_357 : memref<!tpu.dma_semaphore, #tpu.memory_space<semaphore_mem>>)
      } else {
      }
      %dma_wait3A_238 = arith.constant 2 : i32
      %dma_wait3A_239 = arith.constant 2 : i32
      %dma_wait3A_240 = arith.constant 0 : i32
      %dma_wait3A_241 = arith.constant 0 : i32
      %dma_wait3A_242 = tpu.memref_slice %arg8[%dma_wait3A_238, %dma_wait3A_240, %dma_wait3A_241] : memref<5x40x128xf32, #tpu.memory_space<vmem>> -> memref<1x40x128xf32, #tpu.memory_space<vmem>>
      %dma_wait3A_243 = tpu.memref_squeeze %dma_wait3A_242 : memref<1x40x128xf32, #tpu.memory_space<vmem>> -> memref<40x128xf32, #tpu.memory_space<vmem>>
      %dma_wait3A_244 = arith.constant 0 : i32
      %dma_wait3A_245 = tpu.memref_slice %arg6[%add3A_230, %dma_wait3A_244] : memref<250x40xi32, #tpu.memory_space<vmem>> -> memref<1x40xi32, #tpu.memory_space<vmem>>
      %dma_wait3A_246 = tpu.memref_squeeze %dma_wait3A_245 : memref<1x40xi32, #tpu.memory_space<vmem>> -> memref<40xi32, #tpu.memory_space<vmem>>
      %dma_wait3A_247 = arith.constant 0 : i32
      %dma_wait3A_248 = arith.constant 0 : i32
      %dma_wait3A_249 = tpu.memref_slice %arg2[%dma_wait3A_247, %dma_wait3A_248] : memref<10000x128xf32, #tpu.memory_space<hbm>> -> memref<10000x128xf32, #tpu.memory_space<hbm>>
      %dma_wait3A_250 = tpu.memref_slice %arg11[%dma_wait3A_239] : memref<5x!tpu.dma_semaphore, #tpu.memory_space<semaphore_mem>> -> memref<1x!tpu.dma_semaphore, #tpu.memory_space<semaphore_mem>>
      %dma_wait3A_251 = tpu.memref_squeeze %dma_wait3A_250 : memref<1x!tpu.dma_semaphore, #tpu.memory_space<semaphore_mem>> -> memref<!tpu.dma_semaphore, #tpu.memory_space<semaphore_mem>>
      tpu.wait_indirect_dma semaphore(%dma_wait3A_251 : memref<!tpu.dma_semaphore, #tpu.memory_space<semaphore_mem>>) src(%dma_wait3A_249 : memref<10000x128xf32, #tpu.memory_space<hbm>>) dst(%dma_wait3A_243 : memref<40x128xf32, #tpu.memory_space<vmem>>)
      %dma_start3A_252 = arith.constant 2 : i32
      %dma_start3A_253 = arith.constant 2 : i32
      %dma_start3A_254 = arith.constant 0 : i32
      %dma_start3A_255 = arith.constant 0 : i32
      %dma_start3A_256 = tpu.memref_slice %arg8[%dma_start3A_252, %dma_start3A_254, %dma_start3A_255] : memref<5x40x128xf32, #tpu.memory_space<vmem>> -> memref<1x40x128xf32, #tpu.memory_space<vmem>>
      %dma_start3A_257 = tpu.memref_squeeze %dma_start3A_256 : memref<1x40x128xf32, #tpu.memory_space<vmem>> -> memref<40x128xf32, #tpu.memory_space<vmem>>
      %dma_start3A_258 = arith.constant 0 : i32
      %dma_start3A_259 = tpu.memref_slice %arg7[%add3A_230, %dma_start3A_258] : memref<250x40xi32, #tpu.memory_space<vmem>> -> memref<1x40xi32, #tpu.memory_space<vmem>>
      %dma_start3A_260 = tpu.memref_squeeze %dma_start3A_259 : memref<1x40xi32, #tpu.memory_space<vmem>> -> memref<40xi32, #tpu.memory_space<vmem>>
      %dma_start3A_261 = arith.constant 0 : i32
      %dma_start3A_262 = arith.constant 0 : i32
      %dma_start3A_263 = tpu.memref_slice %arg10[%dma_start3A_261, %dma_start3A_262] : memref<10000x128xf32, #tpu.memory_space<vmem_shared>> -> memref<10000x128xf32, #tpu.memory_space<vmem_shared>>
      %dma_start3A_264 = tpu.memref_slice %arg12[%dma_start3A_253] : memref<5x!tpu.dma_semaphore, #tpu.memory_space<semaphore_mem>> -> memref<1x!tpu.dma_semaphore, #tpu.memory_space<semaphore_mem>>
      %dma_start3A_265 = tpu.memref_squeeze %dma_start3A_264 : memref<1x!tpu.dma_semaphore, #tpu.memory_space<semaphore_mem>> -> memref<!tpu.dma_semaphore, #tpu.memory_space<semaphore_mem>>
      tpu.enqueue_indirect_dma source(%dma_start3A_257 : memref<40x128xf32, #tpu.memory_space<vmem>>) target(%dma_start3A_263 : memref<10000x128xf32, #tpu.memory_space<vmem_shared>>) offsets(%dma_start3A_260 : memref<40xi32, #tpu.memory_space<vmem>>) semaphore(%dma_start3A_265 : memref<!tpu.dma_semaphore, #tpu.memory_space<semaphore_mem>>) {add = true}
      %add3A_266 = arith.constant 3 : i32
      %add3A_267 = arith.addi %add3A_156, %add3A_266 : i32
      %add3A_268 = arith.constant 3 : i32
      %add3A_269 = arith.addi %add3A_267, %add3A_268 : i32
      %lt3A_270 = arith.constant 250 : i32
      %lt3A_271 = arith.cmpi slt, %add3A_269, %lt3A_270 : i32
      %convert_element_type3A_272 = arith.extui %lt3A_271 : i1 to i32
      %cond3A_273 = arith.constant 0 : i32
      %cond3A_274 = arith.cmpi ne, %convert_element_type3A_272, %cond3A_273 : i32
      scf.if %cond3A_274 {
        %ge3A = arith.constant 5 : i32
        %ge3A_340 = arith.cmpi sge, %add3A_269, %ge3A : i32
        %convert_element_type3A_341 = arith.extui %ge3A_340 : i1 to i32
        %cond3A_342 = arith.constant 0 : i32
        %cond3A_343 = arith.cmpi ne, %convert_element_type3A_341, %cond3A_342 : i32
        scf.if %cond3A_343 {
          %sub3A = arith.constant 5 : i32
          %sub3A_358 = arith.subi %add3A_269, %sub3A : i32
          %dma_wait3A_359 = arith.constant 1 : i32
          %dma_wait3A_360 = arith.constant 1 : i32
          %dma_wait3A_361 = arith.constant 0 : i32
          %dma_wait3A_362 = arith.constant 0 : i32
          %dma_wait3A_363 = tpu.memref_slice %arg8[%dma_wait3A_359, %dma_wait3A_361, %dma_wait3A_362] : memref<5x40x128xf32, #tpu.memory_space<vmem>> -> memref<1x40x128xf32, #tpu.memory_space<vmem>>
          %dma_wait3A_364 = tpu.memref_squeeze %dma_wait3A_363 : memref<1x40x128xf32, #tpu.memory_space<vmem>> -> memref<40x128xf32, #tpu.memory_space<vmem>>
          %dma_wait3A_365 = arith.constant 0 : i32
          %dma_wait3A_366 = tpu.memref_slice %arg7[%sub3A_358, %dma_wait3A_365] : memref<250x40xi32, #tpu.memory_space<vmem>> -> memref<1x40xi32, #tpu.memory_space<vmem>>
          %dma_wait3A_367 = tpu.memref_squeeze %dma_wait3A_366 : memref<1x40xi32, #tpu.memory_space<vmem>> -> memref<40xi32, #tpu.memory_space<vmem>>
          %dma_wait3A_368 = arith.constant 0 : i32
          %dma_wait3A_369 = arith.constant 0 : i32
          %dma_wait3A_370 = tpu.memref_slice %arg10[%dma_wait3A_368, %dma_wait3A_369] : memref<10000x128xf32, #tpu.memory_space<vmem_shared>> -> memref<10000x128xf32, #tpu.memory_space<vmem_shared>>
          %dma_wait3A_371 = tpu.memref_slice %arg12[%dma_wait3A_360] : memref<5x!tpu.dma_semaphore, #tpu.memory_space<semaphore_mem>> -> memref<1x!tpu.dma_semaphore, #tpu.memory_space<semaphore_mem>>
          %dma_wait3A_372 = tpu.memref_squeeze %dma_wait3A_371 : memref<1x!tpu.dma_semaphore, #tpu.memory_space<semaphore_mem>> -> memref<!tpu.dma_semaphore, #tpu.memory_space<semaphore_mem>>
          tpu.wait_indirect_dma semaphore(%dma_wait3A_372 : memref<!tpu.dma_semaphore, #tpu.memory_space<semaphore_mem>>) src(%dma_wait3A_364 : memref<40x128xf32, #tpu.memory_space<vmem>>) dst(%dma_wait3A_370 : memref<10000x128xf32, #tpu.memory_space<vmem_shared>>)
        } else {
        }
        %dma_start3A_344 = arith.constant 1 : i32
        %dma_start3A_345 = arith.constant 1 : i32
        %dma_start3A_346 = arith.constant 0 : i32
        %dma_start3A_347 = arith.constant 0 : i32
        %dma_start3A_348 = tpu.memref_slice %arg8[%dma_start3A_344, %dma_start3A_346, %dma_start3A_347] : memref<5x40x128xf32, #tpu.memory_space<vmem>> -> memref<1x40x128xf32, #tpu.memory_space<vmem>>
        %dma_start3A_349 = tpu.memref_squeeze %dma_start3A_348 : memref<1x40x128xf32, #tpu.memory_space<vmem>> -> memref<40x128xf32, #tpu.memory_space<vmem>>
        %dma_start3A_350 = arith.constant 0 : i32
        %dma_start3A_351 = tpu.memref_slice %arg6[%add3A_269, %dma_start3A_350] : memref<250x40xi32, #tpu.memory_space<vmem>> -> memref<1x40xi32, #tpu.memory_space<vmem>>
        %dma_start3A_352 = tpu.memref_squeeze %dma_start3A_351 : memref<1x40xi32, #tpu.memory_space<vmem>> -> memref<40xi32, #tpu.memory_space<vmem>>
        %dma_start3A_353 = arith.constant 0 : i32
        %dma_start3A_354 = arith.constant 0 : i32
        %dma_start3A_355 = tpu.memref_slice %arg2[%dma_start3A_353, %dma_start3A_354] : memref<10000x128xf32, #tpu.memory_space<hbm>> -> memref<10000x128xf32, #tpu.memory_space<hbm>>
        %dma_start3A_356 = tpu.memref_slice %arg11[%dma_start3A_345] : memref<5x!tpu.dma_semaphore, #tpu.memory_space<semaphore_mem>> -> memref<1x!tpu.dma_semaphore, #tpu.memory_space<semaphore_mem>>
        %dma_start3A_357 = tpu.memref_squeeze %dma_start3A_356 : memref<1x!tpu.dma_semaphore, #tpu.memory_space<semaphore_mem>> -> memref<!tpu.dma_semaphore, #tpu.memory_space<semaphore_mem>>
        tpu.enqueue_indirect_dma source(%dma_start3A_355 : memref<10000x128xf32, #tpu.memory_space<hbm>>) target(%dma_start3A_349 : memref<40x128xf32, #tpu.memory_space<vmem>>) offsets(%dma_start3A_352 : memref<40xi32, #tpu.memory_space<vmem>>) semaphore(%dma_start3A_357 : memref<!tpu.dma_semaphore, #tpu.memory_space<semaphore_mem>>)
      } else {
      }
      %dma_wait3A_275 = arith.constant 3 : i32
      %dma_wait3A_276 = arith.constant 3 : i32
      %dma_wait3A_277 = arith.constant 0 : i32
      %dma_wait3A_278 = arith.constant 0 : i32
      %dma_wait3A_279 = tpu.memref_slice %arg8[%dma_wait3A_275, %dma_wait3A_277, %dma_wait3A_278] : memref<5x40x128xf32, #tpu.memory_space<vmem>> -> memref<1x40x128xf32, #tpu.memory_space<vmem>>
      %dma_wait3A_280 = tpu.memref_squeeze %dma_wait3A_279 : memref<1x40x128xf32, #tpu.memory_space<vmem>> -> memref<40x128xf32, #tpu.memory_space<vmem>>
      %dma_wait3A_281 = arith.constant 0 : i32
      %dma_wait3A_282 = tpu.memref_slice %arg6[%add3A_267, %dma_wait3A_281] : memref<250x40xi32, #tpu.memory_space<vmem>> -> memref<1x40xi32, #tpu.memory_space<vmem>>
      %dma_wait3A_283 = tpu.memref_squeeze %dma_wait3A_282 : memref<1x40xi32, #tpu.memory_space<vmem>> -> memref<40xi32, #tpu.memory_space<vmem>>
      %dma_wait3A_284 = arith.constant 0 : i32
      %dma_wait3A_285 = arith.constant 0 : i32
      %dma_wait3A_286 = tpu.memref_slice %arg2[%dma_wait3A_284, %dma_wait3A_285] : memref<10000x128xf32, #tpu.memory_space<hbm>> -> memref<10000x128xf32, #tpu.memory_space<hbm>>
      %dma_wait3A_287 = tpu.memref_slice %arg11[%dma_wait3A_276] : memref<5x!tpu.dma_semaphore, #tpu.memory_space<semaphore_mem>> -> memref<1x!tpu.dma_semaphore, #tpu.memory_space<semaphore_mem>>
      %dma_wait3A_288 = tpu.memref_squeeze %dma_wait3A_287 : memref<1x!tpu.dma_semaphore, #tpu.memory_space<semaphore_mem>> -> memref<!tpu.dma_semaphore, #tpu.memory_space<semaphore_mem>>
      tpu.wait_indirect_dma semaphore(%dma_wait3A_288 : memref<!tpu.dma_semaphore, #tpu.memory_space<semaphore_mem>>) src(%dma_wait3A_286 : memref<10000x128xf32, #tpu.memory_space<hbm>>) dst(%dma_wait3A_280 : memref<40x128xf32, #tpu.memory_space<vmem>>)
      %dma_start3A_289 = arith.constant 3 : i32
      %dma_start3A_290 = arith.constant 3 : i32
      %dma_start3A_291 = arith.constant 0 : i32
      %dma_start3A_292 = arith.constant 0 : i32
      %dma_start3A_293 = tpu.memref_slice %arg8[%dma_start3A_289, %dma_start3A_291, %dma_start3A_292] : memref<5x40x128xf32, #tpu.memory_space<vmem>> -> memref<1x40x128xf32, #tpu.memory_space<vmem>>
      %dma_start3A_294 = tpu.memref_squeeze %dma_start3A_293 : memref<1x40x128xf32, #tpu.memory_space<vmem>> -> memref<40x128xf32, #tpu.memory_space<vmem>>
      %dma_start3A_295 = arith.constant 0 : i32
      %dma_start3A_296 = tpu.memref_slice %arg7[%add3A_267, %dma_start3A_295] : memref<250x40xi32, #tpu.memory_space<vmem>> -> memref<1x40xi32, #tpu.memory_space<vmem>>
      %dma_start3A_297 = tpu.memref_squeeze %dma_start3A_296 : memref<1x40xi32, #tpu.memory_space<vmem>> -> memref<40xi32, #tpu.memory_space<vmem>>
      %dma_start3A_298 = arith.constant 0 : i32
      %dma_start3A_299 = arith.constant 0 : i32
      %dma_start3A_300 = tpu.memref_slice %arg10[%dma_start3A_298, %dma_start3A_299] : memref<10000x128xf32, #tpu.memory_space<vmem_shared>> -> memref<10000x128xf32, #tpu.memory_space<vmem_shared>>
      %dma_start3A_301 = tpu.memref_slice %arg12[%dma_start3A_290] : memref<5x!tpu.dma_semaphore, #tpu.memory_space<semaphore_mem>> -> memref<1x!tpu.dma_semaphore, #tpu.memory_space<semaphore_mem>>
      %dma_start3A_302 = tpu.memref_squeeze %dma_start3A_301 : memref<1x!tpu.dma_semaphore, #tpu.memory_space<semaphore_mem>> -> memref<!tpu.dma_semaphore, #tpu.memory_space<semaphore_mem>>
      tpu.enqueue_indirect_dma source(%dma_start3A_294 : memref<40x128xf32, #tpu.memory_space<vmem>>) target(%dma_start3A_300 : memref<10000x128xf32, #tpu.memory_space<vmem_shared>>) offsets(%dma_start3A_297 : memref<40xi32, #tpu.memory_space<vmem>>) semaphore(%dma_start3A_302 : memref<!tpu.dma_semaphore, #tpu.memory_space<semaphore_mem>>) {add = true}
      %add3A_303 = arith.constant 4 : i32
      %add3A_304 = arith.addi %add3A_156, %add3A_303 : i32
      %add3A_305 = arith.constant 3 : i32
      %add3A_306 = arith.addi %add3A_304, %add3A_305 : i32
      %lt3A_307 = arith.constant 250 : i32
      %lt3A_308 = arith.cmpi slt, %add3A_306, %lt3A_307 : i32
      %convert_element_type3A_309 = arith.extui %lt3A_308 : i1 to i32
      %cond3A_310 = arith.constant 0 : i32
      %cond3A_311 = arith.cmpi ne, %convert_element_type3A_309, %cond3A_310 : i32
      scf.if %cond3A_311 {
        %ge3A = arith.constant 5 : i32
        %ge3A_340 = arith.cmpi sge, %add3A_306, %ge3A : i32
        %convert_element_type3A_341 = arith.extui %ge3A_340 : i1 to i32
        %cond3A_342 = arith.constant 0 : i32
        %cond3A_343 = arith.cmpi ne, %convert_element_type3A_341, %cond3A_342 : i32
        scf.if %cond3A_343 {
          %sub3A = arith.constant 5 : i32
          %sub3A_358 = arith.subi %add3A_306, %sub3A : i32
          %dma_wait3A_359 = arith.constant 2 : i32
          %dma_wait3A_360 = arith.constant 2 : i32
          %dma_wait3A_361 = arith.constant 0 : i32
          %dma_wait3A_362 = arith.constant 0 : i32
          %dma_wait3A_363 = tpu.memref_slice %arg8[%dma_wait3A_359, %dma_wait3A_361, %dma_wait3A_362] : memref<5x40x128xf32, #tpu.memory_space<vmem>> -> memref<1x40x128xf32, #tpu.memory_space<vmem>>
          %dma_wait3A_364 = tpu.memref_squeeze %dma_wait3A_363 : memref<1x40x128xf32, #tpu.memory_space<vmem>> -> memref<40x128xf32, #tpu.memory_space<vmem>>
          %dma_wait3A_365 = arith.constant 0 : i32
          %dma_wait3A_366 = tpu.memref_slice %arg7[%sub3A_358, %dma_wait3A_365] : memref<250x40xi32, #tpu.memory_space<vmem>> -> memref<1x40xi32, #tpu.memory_space<vmem>>
          %dma_wait3A_367 = tpu.memref_squeeze %dma_wait3A_366 : memref<1x40xi32, #tpu.memory_space<vmem>> -> memref<40xi32, #tpu.memory_space<vmem>>
          %dma_wait3A_368 = arith.constant 0 : i32
          %dma_wait3A_369 = arith.constant 0 : i32
          %dma_wait3A_370 = tpu.memref_slice %arg10[%dma_wait3A_368, %dma_wait3A_369] : memref<10000x128xf32, #tpu.memory_space<vmem_shared>> -> memref<10000x128xf32, #tpu.memory_space<vmem_shared>>
          %dma_wait3A_371 = tpu.memref_slice %arg12[%dma_wait3A_360] : memref<5x!tpu.dma_semaphore, #tpu.memory_space<semaphore_mem>> -> memref<1x!tpu.dma_semaphore, #tpu.memory_space<semaphore_mem>>
          %dma_wait3A_372 = tpu.memref_squeeze %dma_wait3A_371 : memref<1x!tpu.dma_semaphore, #tpu.memory_space<semaphore_mem>> -> memref<!tpu.dma_semaphore, #tpu.memory_space<semaphore_mem>>
          tpu.wait_indirect_dma semaphore(%dma_wait3A_372 : memref<!tpu.dma_semaphore, #tpu.memory_space<semaphore_mem>>) src(%dma_wait3A_364 : memref<40x128xf32, #tpu.memory_space<vmem>>) dst(%dma_wait3A_370 : memref<10000x128xf32, #tpu.memory_space<vmem_shared>>)
        } else {
        }
        %dma_start3A_344 = arith.constant 2 : i32
        %dma_start3A_345 = arith.constant 2 : i32
        %dma_start3A_346 = arith.constant 0 : i32
        %dma_start3A_347 = arith.constant 0 : i32
        %dma_start3A_348 = tpu.memref_slice %arg8[%dma_start3A_344, %dma_start3A_346, %dma_start3A_347] : memref<5x40x128xf32, #tpu.memory_space<vmem>> -> memref<1x40x128xf32, #tpu.memory_space<vmem>>
        %dma_start3A_349 = tpu.memref_squeeze %dma_start3A_348 : memref<1x40x128xf32, #tpu.memory_space<vmem>> -> memref<40x128xf32, #tpu.memory_space<vmem>>
        %dma_start3A_350 = arith.constant 0 : i32
        %dma_start3A_351 = tpu.memref_slice %arg6[%add3A_306, %dma_start3A_350] : memref<250x40xi32, #tpu.memory_space<vmem>> -> memref<1x40xi32, #tpu.memory_space<vmem>>
        %dma_start3A_352 = tpu.memref_squeeze %dma_start3A_351 : memref<1x40xi32, #tpu.memory_space<vmem>> -> memref<40xi32, #tpu.memory_space<vmem>>
        %dma_start3A_353 = arith.constant 0 : i32
        %dma_start3A_354 = arith.constant 0 : i32
        %dma_start3A_355 = tpu.memref_slice %arg2[%dma_start3A_353, %dma_start3A_354] : memref<10000x128xf32, #tpu.memory_space<hbm>> -> memref<10000x128xf32, #tpu.memory_space<hbm>>
        %dma_start3A_356 = tpu.memref_slice %arg11[%dma_start3A_345] : memref<5x!tpu.dma_semaphore, #tpu.memory_space<semaphore_mem>> -> memref<1x!tpu.dma_semaphore, #tpu.memory_space<semaphore_mem>>
        %dma_start3A_357 = tpu.memref_squeeze %dma_start3A_356 : memref<1x!tpu.dma_semaphore, #tpu.memory_space<semaphore_mem>> -> memref<!tpu.dma_semaphore, #tpu.memory_space<semaphore_mem>>
        tpu.enqueue_indirect_dma source(%dma_start3A_355 : memref<10000x128xf32, #tpu.memory_space<hbm>>) target(%dma_start3A_349 : memref<40x128xf32, #tpu.memory_space<vmem>>) offsets(%dma_start3A_352 : memref<40xi32, #tpu.memory_space<vmem>>) semaphore(%dma_start3A_357 : memref<!tpu.dma_semaphore, #tpu.memory_space<semaphore_mem>>)
      } else {
      }
      %dma_wait3A_312 = arith.constant 4 : i32
      %dma_wait3A_313 = arith.constant 4 : i32
      %dma_wait3A_314 = arith.constant 0 : i32
      %dma_wait3A_315 = arith.constant 0 : i32
      %dma_wait3A_316 = tpu.memref_slice %arg8[%dma_wait3A_312, %dma_wait3A_314, %dma_wait3A_315] : memref<5x40x128xf32, #tpu.memory_space<vmem>> -> memref<1x40x128xf32, #tpu.memory_space<vmem>>
      %dma_wait3A_317 = tpu.memref_squeeze %dma_wait3A_316 : memref<1x40x128xf32, #tpu.memory_space<vmem>> -> memref<40x128xf32, #tpu.memory_space<vmem>>
      %dma_wait3A_318 = arith.constant 0 : i32
      %dma_wait3A_319 = tpu.memref_slice %arg6[%add3A_304, %dma_wait3A_318] : memref<250x40xi32, #tpu.memory_space<vmem>> -> memref<1x40xi32, #tpu.memory_space<vmem>>
      %dma_wait3A_320 = tpu.memref_squeeze %dma_wait3A_319 : memref<1x40xi32, #tpu.memory_space<vmem>> -> memref<40xi32, #tpu.memory_space<vmem>>
      %dma_wait3A_321 = arith.constant 0 : i32
      %dma_wait3A_322 = arith.constant 0 : i32
      %dma_wait3A_323 = tpu.memref_slice %arg2[%dma_wait3A_321, %dma_wait3A_322] : memref<10000x128xf32, #tpu.memory_space<hbm>> -> memref<10000x128xf32, #tpu.memory_space<hbm>>
      %dma_wait3A_324 = tpu.memref_slice %arg11[%dma_wait3A_313] : memref<5x!tpu.dma_semaphore, #tpu.memory_space<semaphore_mem>> -> memref<1x!tpu.dma_semaphore, #tpu.memory_space<semaphore_mem>>
      %dma_wait3A_325 = tpu.memref_squeeze %dma_wait3A_324 : memref<1x!tpu.dma_semaphore, #tpu.memory_space<semaphore_mem>> -> memref<!tpu.dma_semaphore, #tpu.memory_space<semaphore_mem>>
      tpu.wait_indirect_dma semaphore(%dma_wait3A_325 : memref<!tpu.dma_semaphore, #tpu.memory_space<semaphore_mem>>) src(%dma_wait3A_323 : memref<10000x128xf32, #tpu.memory_space<hbm>>) dst(%dma_wait3A_317 : memref<40x128xf32, #tpu.memory_space<vmem>>)
      %dma_start3A_326 = arith.constant 4 : i32
      %dma_start3A_327 = arith.constant 4 : i32
      %dma_start3A_328 = arith.constant 0 : i32
      %dma_start3A_329 = arith.constant 0 : i32
      %dma_start3A_330 = tpu.memref_slice %arg8[%dma_start3A_326, %dma_start3A_328, %dma_start3A_329] : memref<5x40x128xf32, #tpu.memory_space<vmem>> -> memref<1x40x128xf32, #tpu.memory_space<vmem>>
      %dma_start3A_331 = tpu.memref_squeeze %dma_start3A_330 : memref<1x40x128xf32, #tpu.memory_space<vmem>> -> memref<40x128xf32, #tpu.memory_space<vmem>>
      %dma_start3A_332 = arith.constant 0 : i32
      %dma_start3A_333 = tpu.memref_slice %arg7[%add3A_304, %dma_start3A_332] : memref<250x40xi32, #tpu.memory_space<vmem>> -> memref<1x40xi32, #tpu.memory_space<vmem>>
      %dma_start3A_334 = tpu.memref_squeeze %dma_start3A_333 : memref<1x40xi32, #tpu.memory_space<vmem>> -> memref<40xi32, #tpu.memory_space<vmem>>
      %dma_start3A_335 = arith.constant 0 : i32
      %dma_start3A_336 = arith.constant 0 : i32
      %dma_start3A_337 = tpu.memref_slice %arg10[%dma_start3A_335, %dma_start3A_336] : memref<10000x128xf32, #tpu.memory_space<vmem_shared>> -> memref<10000x128xf32, #tpu.memory_space<vmem_shared>>
      %dma_start3A_338 = tpu.memref_slice %arg12[%dma_start3A_327] : memref<5x!tpu.dma_semaphore, #tpu.memory_space<semaphore_mem>> -> memref<1x!tpu.dma_semaphore, #tpu.memory_space<semaphore_mem>>
      %dma_start3A_339 = tpu.memref_squeeze %dma_start3A_338 : memref<1x!tpu.dma_semaphore, #tpu.memory_space<semaphore_mem>> -> memref<!tpu.dma_semaphore, #tpu.memory_space<semaphore_mem>>
      tpu.enqueue_indirect_dma source(%dma_start3A_331 : memref<40x128xf32, #tpu.memory_space<vmem>>) target(%dma_start3A_337 : memref<10000x128xf32, #tpu.memory_space<vmem_shared>>) offsets(%dma_start3A_334 : memref<40xi32, #tpu.memory_space<vmem>>) semaphore(%dma_start3A_339 : memref<!tpu.dma_semaphore, #tpu.memory_space<semaphore_mem>>) {add = true}
    }
    %scan3A_66 = arith.constant 50 : i32
    %dma_wait3A = arith.constant 0 : i32
    %dma_wait3A_67 = arith.constant 245 : i32
    %dma_wait3A_68 = arith.constant 0 : i32
    %dma_wait3A_69 = arith.constant 0 : i32
    %dma_wait3A_70 = arith.constant 0 : i32
    %dma_wait3A_71 = tpu.memref_slice %arg8[%dma_wait3A, %dma_wait3A_69, %dma_wait3A_70] : memref<5x40x128xf32, #tpu.memory_space<vmem>> -> memref<1x40x128xf32, #tpu.memory_space<vmem>>
    %dma_wait3A_72 = tpu.memref_squeeze %dma_wait3A_71 : memref<1x40x128xf32, #tpu.memory_space<vmem>> -> memref<40x128xf32, #tpu.memory_space<vmem>>
    %dma_wait3A_73 = arith.constant 0 : i32
    %dma_wait3A_74 = tpu.memref_slice %arg7[%dma_wait3A_67, %dma_wait3A_73] : memref<250x40xi32, #tpu.memory_space<vmem>> -> memref<1x40xi32, #tpu.memory_space<vmem>>
    %dma_wait3A_75 = tpu.memref_squeeze %dma_wait3A_74 : memref<1x40xi32, #tpu.memory_space<vmem>> -> memref<40xi32, #tpu.memory_space<vmem>>
    %dma_wait3A_76 = arith.constant 0 : i32
    %dma_wait3A_77 = arith.constant 0 : i32
    %dma_wait3A_78 = tpu.memref_slice %arg10[%dma_wait3A_76, %dma_wait3A_77] : memref<10000x128xf32, #tpu.memory_space<vmem_shared>> -> memref<10000x128xf32, #tpu.memory_space<vmem_shared>>
    %dma_wait3A_79 = tpu.memref_slice %arg12[%dma_wait3A_68] : memref<5x!tpu.dma_semaphore, #tpu.memory_space<semaphore_mem>> -> memref<1x!tpu.dma_semaphore, #tpu.memory_space<semaphore_mem>>
    %dma_wait3A_80 = tpu.memref_squeeze %dma_wait3A_79 : memref<1x!tpu.dma_semaphore, #tpu.memory_space<semaphore_mem>> -> memref<!tpu.dma_semaphore, #tpu.memory_space<semaphore_mem>>
    tpu.wait_indirect_dma semaphore(%dma_wait3A_80 : memref<!tpu.dma_semaphore, #tpu.memory_space<semaphore_mem>>) src(%dma_wait3A_72 : memref<40x128xf32, #tpu.memory_space<vmem>>) dst(%dma_wait3A_78 : memref<10000x128xf32, #tpu.memory_space<vmem_shared>>)
    %dma_wait3A_81 = arith.constant 1 : i32
    %dma_wait3A_82 = arith.constant 246 : i32
    %dma_wait3A_83 = arith.constant 1 : i32
    %dma_wait3A_84 = arith.constant 0 : i32
    %dma_wait3A_85 = arith.constant 0 : i32
    %dma_wait3A_86 = tpu.memref_slice %arg8[%dma_wait3A_81, %dma_wait3A_84, %dma_wait3A_85] : memref<5x40x128xf32, #tpu.memory_space<vmem>> -> memref<1x40x128xf32, #tpu.memory_space<vmem>>
    %dma_wait3A_87 = tpu.memref_squeeze %dma_wait3A_86 : memref<1x40x128xf32, #tpu.memory_space<vmem>> -> memref<40x128xf32, #tpu.memory_space<vmem>>
    %dma_wait3A_88 = arith.constant 0 : i32
    %dma_wait3A_89 = tpu.memref_slice %arg7[%dma_wait3A_82, %dma_wait3A_88] : memref<250x40xi32, #tpu.memory_space<vmem>> -> memref<1x40xi32, #tpu.memory_space<vmem>>
    %dma_wait3A_90 = tpu.memref_squeeze %dma_wait3A_89 : memref<1x40xi32, #tpu.memory_space<vmem>> -> memref<40xi32, #tpu.memory_space<vmem>>
    %dma_wait3A_91 = arith.constant 0 : i32
    %dma_wait3A_92 = arith.constant 0 : i32
    %dma_wait3A_93 = tpu.memref_slice %arg10[%dma_wait3A_91, %dma_wait3A_92] : memref<10000x128xf32, #tpu.memory_space<vmem_shared>> -> memref<10000x128xf32, #tpu.memory_space<vmem_shared>>
    %dma_wait3A_94 = tpu.memref_slice %arg12[%dma_wait3A_83] : memref<5x!tpu.dma_semaphore, #tpu.memory_space<semaphore_mem>> -> memref<1x!tpu.dma_semaphore, #tpu.memory_space<semaphore_mem>>
    %dma_wait3A_95 = tpu.memref_squeeze %dma_wait3A_94 : memref<1x!tpu.dma_semaphore, #tpu.memory_space<semaphore_mem>> -> memref<!tpu.dma_semaphore, #tpu.memory_space<semaphore_mem>>
    tpu.wait_indirect_dma semaphore(%dma_wait3A_95 : memref<!tpu.dma_semaphore, #tpu.memory_space<semaphore_mem>>) src(%dma_wait3A_87 : memref<40x128xf32, #tpu.memory_space<vmem>>) dst(%dma_wait3A_93 : memref<10000x128xf32, #tpu.memory_space<vmem_shared>>)
    %dma_wait3A_96 = arith.constant 2 : i32
    %dma_wait3A_97 = arith.constant 247 : i32
    %dma_wait3A_98 = arith.constant 2 : i32
    %dma_wait3A_99 = arith.constant 0 : i32
    %dma_wait3A_100 = arith.constant 0 : i32
    %dma_wait3A_101 = tpu.memref_slice %arg8[%dma_wait3A_96, %dma_wait3A_99, %dma_wait3A_100] : memref<5x40x128xf32, #tpu.memory_space<vmem>> -> memref<1x40x128xf32, #tpu.memory_space<vmem>>
    %dma_wait3A_102 = tpu.memref_squeeze %dma_wait3A_101 : memref<1x40x128xf32, #tpu.memory_space<vmem>> -> memref<40x128xf32, #tpu.memory_space<vmem>>
    %dma_wait3A_103 = arith.constant 0 : i32
    %dma_wait3A_104 = tpu.memref_slice %arg7[%dma_wait3A_97, %dma_wait3A_103] : memref<250x40xi32, #tpu.memory_space<vmem>> -> memref<1x40xi32, #tpu.memory_space<vmem>>
    %dma_wait3A_105 = tpu.memref_squeeze %dma_wait3A_104 : memref<1x40xi32, #tpu.memory_space<vmem>> -> memref<40xi32, #tpu.memory_space<vmem>>
    %dma_wait3A_106 = arith.constant 0 : i32
    %dma_wait3A_107 = arith.constant 0 : i32
    %dma_wait3A_108 = tpu.memref_slice %arg10[%dma_wait3A_106, %dma_wait3A_107] : memref<10000x128xf32, #tpu.memory_space<vmem_shared>> -> memref<10000x128xf32, #tpu.memory_space<vmem_shared>>
    %dma_wait3A_109 = tpu.memref_slice %arg12[%dma_wait3A_98] : memref<5x!tpu.dma_semaphore, #tpu.memory_space<semaphore_mem>> -> memref<1x!tpu.dma_semaphore, #tpu.memory_space<semaphore_mem>>
    %dma_wait3A_110 = tpu.memref_squeeze %dma_wait3A_109 : memref<1x!tpu.dma_semaphore, #tpu.memory_space<semaphore_mem>> -> memref<!tpu.dma_semaphore, #tpu.memory_space<semaphore_mem>>
    tpu.wait_indirect_dma semaphore(%dma_wait3A_110 : memref<!tpu.dma_semaphore, #tpu.memory_space<semaphore_mem>>) src(%dma_wait3A_102 : memref<40x128xf32, #tpu.memory_space<vmem>>) dst(%dma_wait3A_108 : memref<10000x128xf32, #tpu.memory_space<vmem_shared>>)
    %dma_wait3A_111 = arith.constant 3 : i32
    %dma_wait3A_112 = arith.constant 248 : i32
    %dma_wait3A_113 = arith.constant 3 : i32
    %dma_wait3A_114 = arith.constant 0 : i32
    %dma_wait3A_115 = arith.constant 0 : i32
    %dma_wait3A_116 = tpu.memref_slice %arg8[%dma_wait3A_111, %dma_wait3A_114, %dma_wait3A_115] : memref<5x40x128xf32, #tpu.memory_space<vmem>> -> memref<1x40x128xf32, #tpu.memory_space<vmem>>
    %dma_wait3A_117 = tpu.memref_squeeze %dma_wait3A_116 : memref<1x40x128xf32, #tpu.memory_space<vmem>> -> memref<40x128xf32, #tpu.memory_space<vmem>>
    %dma_wait3A_118 = arith.constant 0 : i32
    %dma_wait3A_119 = tpu.memref_slice %arg7[%dma_wait3A_112, %dma_wait3A_118] : memref<250x40xi32, #tpu.memory_space<vmem>> -> memref<1x40xi32, #tpu.memory_space<vmem>>
    %dma_wait3A_120 = tpu.memref_squeeze %dma_wait3A_119 : memref<1x40xi32, #tpu.memory_space<vmem>> -> memref<40xi32, #tpu.memory_space<vmem>>
    %dma_wait3A_121 = arith.constant 0 : i32
    %dma_wait3A_122 = arith.constant 0 : i32
    %dma_wait3A_123 = tpu.memref_slice %arg10[%dma_wait3A_121, %dma_wait3A_122] : memref<10000x128xf32, #tpu.memory_space<vmem_shared>> -> memref<10000x128xf32, #tpu.memory_space<vmem_shared>>
    %dma_wait3A_124 = tpu.memref_slice %arg12[%dma_wait3A_113] : memref<5x!tpu.dma_semaphore, #tpu.memory_space<semaphore_mem>> -> memref<1x!tpu.dma_semaphore, #tpu.memory_space<semaphore_mem>>
    %dma_wait3A_125 = tpu.memref_squeeze %dma_wait3A_124 : memref<1x!tpu.dma_semaphore, #tpu.memory_space<semaphore_mem>> -> memref<!tpu.dma_semaphore, #tpu.memory_space<semaphore_mem>>
    tpu.wait_indirect_dma semaphore(%dma_wait3A_125 : memref<!tpu.dma_semaphore, #tpu.memory_space<semaphore_mem>>) src(%dma_wait3A_117 : memref<40x128xf32, #tpu.memory_space<vmem>>) dst(%dma_wait3A_123 : memref<10000x128xf32, #tpu.memory_space<vmem_shared>>)
    %dma_wait3A_126 = arith.constant 4 : i32
    %dma_wait3A_127 = arith.constant 249 : i32
    %dma_wait3A_128 = arith.constant 4 : i32
    %dma_wait3A_129 = arith.constant 0 : i32
    %dma_wait3A_130 = arith.constant 0 : i32
    %dma_wait3A_131 = tpu.memref_slice %arg8[%dma_wait3A_126, %dma_wait3A_129, %dma_wait3A_130] : memref<5x40x128xf32, #tpu.memory_space<vmem>> -> memref<1x40x128xf32, #tpu.memory_space<vmem>>
    %dma_wait3A_132 = tpu.memref_squeeze %dma_wait3A_131 : memref<1x40x128xf32, #tpu.memory_space<vmem>> -> memref<40x128xf32, #tpu.memory_space<vmem>>
    %dma_wait3A_133 = arith.constant 0 : i32
    %dma_wait3A_134 = tpu.memref_slice %arg7[%dma_wait3A_127, %dma_wait3A_133] : memref<250x40xi32, #tpu.memory_space<vmem>> -> memref<1x40xi32, #tpu.memory_space<vmem>>
    %dma_wait3A_135 = tpu.memref_squeeze %dma_wait3A_134 : memref<1x40xi32, #tpu.memory_space<vmem>> -> memref<40xi32, #tpu.memory_space<vmem>>
    %dma_wait3A_136 = arith.constant 0 : i32
    %dma_wait3A_137 = arith.constant 0 : i32
    %dma_wait3A_138 = tpu.memref_slice %arg10[%dma_wait3A_136, %dma_wait3A_137] : memref<10000x128xf32, #tpu.memory_space<vmem_shared>> -> memref<10000x128xf32, #tpu.memory_space<vmem_shared>>
    %dma_wait3A_139 = tpu.memref_slice %arg12[%dma_wait3A_128] : memref<5x!tpu.dma_semaphore, #tpu.memory_space<semaphore_mem>> -> memref<1x!tpu.dma_semaphore, #tpu.memory_space<semaphore_mem>>
    %dma_wait3A_140 = tpu.memref_squeeze %dma_wait3A_139 : memref<1x!tpu.dma_semaphore, #tpu.memory_space<semaphore_mem>> -> memref<!tpu.dma_semaphore, #tpu.memory_space<semaphore_mem>>
    tpu.wait_indirect_dma semaphore(%dma_wait3A_140 : memref<!tpu.dma_semaphore, #tpu.memory_space<semaphore_mem>>) src(%dma_wait3A_132 : memref<40x128xf32, #tpu.memory_space<vmem>>) dst(%dma_wait3A_138 : memref<10000x128xf32, #tpu.memory_space<vmem_shared>>)
    %barrier3A_141 = arith.constant 0 : index
    tpu.barrier barrier_id(%barrier3A_141)
    %while3A_142 = arith.constant 0 : i32
    %while3A_143 = arith.constant 0 : i32
    %while3A_144 = arith.subi %select_n3A, %while3A_143 : i32
    %while3A_145 = arith.addi %while3A_143, %while3A_144 : i32
    %while3A_146 = arith.constant 1 : i32
    %while3A_147 = arith.divsi %while3A_144, %while3A_146 : i32
    %while3A_148 = arith.muli %while3A_147, %while3A_146 : i32
    %while3A_149 = arith.addi %while3A_143, %while3A_148 : i32
    %while3A_150 = arith.constant 1 : i32
    scf.for %while3A_152 = %while3A_143 to %while3A_149 step %while3A_150  : i32 {
      %mul3A_153 = arith.constant 16 : i32
      %mul3A_154 = arith.muli %while3A_152, %mul3A_153 : i32
      %add3A_155 = arith.addi %arg1, %mul3A_154 : i32
      %mul3A_156 = arith.constant 40 : i32
      %mul3A_157 = arith.muli %add3A_155, %mul3A_156 : i32
      "tpu.region"() ({
        %run_scoped3A = tpu.sem_alloc : memref<!tpu.dma_semaphore, #tpu.memory_space<semaphore_mem>>
        %dma_start3A_158 = arith.constant 0 : i32
        %dma_start3A_159 = tpu.memref_slice %arg10[%mul3A_157, %dma_start3A_158] : memref<10000x128xf32, #tpu.memory_space<vmem_shared>> -> memref<40x128xf32, #tpu.memory_space<vmem_shared>>
        %dma_start3A_160 = arith.constant 0 : i32
        %dma_start3A_161 = tpu.memref_slice %arg10[%mul3A_157, %dma_start3A_160] : memref<10000x128xf32, #tpu.memory_space<vmem_shared>> -> memref<40x128xf32, #tpu.memory_space<vmem_shared>>
        tpu.enqueue_dma source(%dma_start3A_161 : memref<40x128xf32, #tpu.memory_space<vmem_shared>>) target(%arg9 : memref<40x128xf32, #tpu.memory_space<vmem>>) target_semaphore(%run_scoped3A : memref<!tpu.dma_semaphore, #tpu.memory_space<semaphore_mem>>)
        %dma_wait3A_162 = arith.constant 0 : i32
        %dma_wait3A_163 = tpu.memref_slice %arg10[%mul3A_157, %dma_wait3A_162] : memref<10000x128xf32, #tpu.memory_space<vmem_shared>> -> memref<40x128xf32, #tpu.memory_space<vmem_shared>>
        %dma_wait3A_164 = arith.constant 0 : i32
        %dma_wait3A_165 = tpu.memref_slice %arg10[%mul3A_157, %dma_wait3A_164] : memref<10000x128xf32, #tpu.memory_space<vmem_shared>> -> memref<40x128xf32, #tpu.memory_space<vmem_shared>>
        tpu.wait_dma2 semaphore(%run_scoped3A : memref<!tpu.dma_semaphore, #tpu.memory_space<semaphore_mem>>) src(%dma_wait3A_165 : memref<40x128xf32, #tpu.memory_space<vmem_shared>>) dst(%arg9 : memref<40x128xf32, #tpu.memory_space<vmem>>)
        tpu.yield
      }) : () -> ()
      "tpu.region"() ({
        %run_scoped3A = tpu.sem_alloc : memref<!tpu.dma_semaphore, #tpu.memory_space<semaphore_mem>>
        %dma_start3A_158 = arith.constant 0 : i32
        %dma_start3A_159 = tpu.memref_slice %arg5[%arg0, %mul3A_157, %dma_start3A_158] : memref<2x10000x128xf32, #tpu.memory_space<hbm>> -> memref<1x40x128xf32, #tpu.memory_space<hbm>>
        %dma_start3A_160 = tpu.memref_squeeze %dma_start3A_159 : memref<1x40x128xf32, #tpu.memory_space<hbm>> -> memref<40x128xf32, #tpu.memory_space<hbm>>
        %dma_start3A_161 = arith.constant 0 : i32
        %dma_start3A_162 = tpu.memref_slice %arg5[%arg0, %mul3A_157, %dma_start3A_161] : memref<2x10000x128xf32, #tpu.memory_space<hbm>> -> memref<1x40x128xf32, #tpu.memory_space<hbm>>
        %dma_start3A_163 = tpu.memref_squeeze %dma_start3A_162 : memref<1x40x128xf32, #tpu.memory_space<hbm>> -> memref<40x128xf32, #tpu.memory_space<hbm>>
        tpu.enqueue_dma source(%arg9 : memref<40x128xf32, #tpu.memory_space<vmem>>) target(%dma_start3A_163 : memref<40x128xf32, #tpu.memory_space<hbm>>) target_semaphore(%run_scoped3A : memref<!tpu.dma_semaphore, #tpu.memory_space<semaphore_mem>>)
        %dma_wait3A_164 = arith.constant 0 : i32
        %dma_wait3A_165 = tpu.memref_slice %arg5[%arg0, %mul3A_157, %dma_wait3A_164] : memref<2x10000x128xf32, #tpu.memory_space<hbm>> -> memref<1x40x128xf32, #tpu.memory_space<hbm>>
        %dma_wait3A_166 = tpu.memref_squeeze %dma_wait3A_165 : memref<1x40x128xf32, #tpu.memory_space<hbm>> -> memref<40x128xf32, #tpu.memory_space<hbm>>
        %dma_wait3A_167 = arith.constant 0 : i32
        %dma_wait3A_168 = tpu.memref_slice %arg5[%arg0, %mul3A_157, %dma_wait3A_167] : memref<2x10000x128xf32, #tpu.memory_space<hbm>> -> memref<1x40x128xf32, #tpu.memory_space<hbm>>
        %dma_wait3A_169 = tpu.memref_squeeze %dma_wait3A_168 : memref<1x40x128xf32, #tpu.memory_space<hbm>> -> memref<40x128xf32, #tpu.memory_space<hbm>>
        tpu.wait_dma2 semaphore(%run_scoped3A : memref<!tpu.dma_semaphore, #tpu.memory_space<semaphore_mem>>) src(%arg9 : memref<40x128xf32, #tpu.memory_space<vmem>>) dst(%dma_wait3A_169 : memref<40x128xf32, #tpu.memory_space<hbm>>)
        tpu.yield
      }) : () -> ()
    }
    %while3A_151 = arith.constant 1 : i32
    scf.for %while3A_152 = %while3A_149 to %while3A_145 step %while3A_151  : i32 {
      %mul3A_153 = arith.constant 16 : i32
      %mul3A_154 = arith.muli %while3A_152, %mul3A_153 : i32
      %add3A_155 = arith.addi %arg1, %mul3A_154 : i32
      %mul3A_156 = arith.constant 40 : i32
      %mul3A_157 = arith.muli %add3A_155, %mul3A_156 : i32
      "tpu.region"() ({
        %run_scoped3A = tpu.sem_alloc : memref<!tpu.dma_semaphore, #tpu.memory_space<semaphore_mem>>
        %dma_start3A_158 = arith.constant 0 : i32
        %dma_start3A_159 = tpu.memref_slice %arg10[%mul3A_157, %dma_start3A_158] : memref<10000x128xf32, #tpu.memory_space<vmem_shared>> -> memref<40x128xf32, #tpu.memory_space<vmem_shared>>
        %dma_start3A_160 = arith.constant 0 : i32
        %dma_start3A_161 = tpu.memref_slice %arg10[%mul3A_157, %dma_start3A_160] : memref<10000x128xf32, #tpu.memory_space<vmem_shared>> -> memref<40x128xf32, #tpu.memory_space<vmem_shared>>
        tpu.enqueue_dma source(%dma_start3A_161 : memref<40x128xf32, #tpu.memory_space<vmem_shared>>) target(%arg9 : memref<40x128xf32, #tpu.memory_space<vmem>>) target_semaphore(%run_scoped3A : memref<!tpu.dma_semaphore, #tpu.memory_space<semaphore_mem>>)
        %dma_wait3A_162 = arith.constant 0 : i32
        %dma_wait3A_163 = tpu.memref_slice %arg10[%mul3A_157, %dma_wait3A_162] : memref<10000x128xf32, #tpu.memory_space<vmem_shared>> -> memref<40x128xf32, #tpu.memory_space<vmem_shared>>
        %dma_wait3A_164 = arith.constant 0 : i32
        %dma_wait3A_165 = tpu.memref_slice %arg10[%mul3A_157, %dma_wait3A_164] : memref<10000x128xf32, #tpu.memory_space<vmem_shared>> -> memref<40x128xf32, #tpu.memory_space<vmem_shared>>
        tpu.wait_dma2 semaphore(%run_scoped3A : memref<!tpu.dma_semaphore, #tpu.memory_space<semaphore_mem>>) src(%dma_wait3A_165 : memref<40x128xf32, #tpu.memory_space<vmem_shared>>) dst(%arg9 : memref<40x128xf32, #tpu.memory_space<vmem>>)
        tpu.yield
      }) : () -> ()
      "tpu.region"() ({
        %run_scoped3A = tpu.sem_alloc : memref<!tpu.dma_semaphore, #tpu.memory_space<semaphore_mem>>
        %dma_start3A_158 = arith.constant 0 : i32
        %dma_start3A_159 = tpu.memref_slice %arg5[%arg0, %mul3A_157, %dma_start3A_158] : memref<2x10000x128xf32, #tpu.memory_space<hbm>> -> memref<1x40x128xf32, #tpu.memory_space<hbm>>
        %dma_start3A_160 = tpu.memref_squeeze %dma_start3A_159 : memref<1x40x128xf32, #tpu.memory_space<hbm>> -> memref<40x128xf32, #tpu.memory_space<hbm>>
        %dma_start3A_161 = arith.constant 0 : i32
        %dma_start3A_162 = tpu.memref_slice %arg5[%arg0, %mul3A_157, %dma_start3A_161] : memref<2x10000x128xf32, #tpu.memory_space<hbm>> -> memref<1x40x128xf32, #tpu.memory_space<hbm>>
        %dma_start3A_163 = tpu.memref_squeeze %dma_start3A_162 : memref<1x40x128xf32, #tpu.memory_space<hbm>> -> memref<40x128xf32, #tpu.memory_space<hbm>>
        tpu.enqueue_dma source(%arg9 : memref<40x128xf32, #tpu.memory_space<vmem>>) target(%dma_start3A_163 : memref<40x128xf32, #tpu.memory_space<hbm>>) target_semaphore(%run_scoped3A : memref<!tpu.dma_semaphore, #tpu.memory_space<semaphore_mem>>)
        %dma_wait3A_164 = arith.constant 0 : i32
        %dma_wait3A_165 = tpu.memref_slice %arg5[%arg0, %mul3A_157, %dma_wait3A_164] : memref<2x10000x128xf32, #tpu.memory_space<hbm>> -> memref<1x40x128xf32, #tpu.memory_space<hbm>>
        %dma_wait3A_166 = tpu.memref_squeeze %dma_wait3A_165 : memref<1x40x128xf32, #tpu.memory_space<hbm>> -> memref<40x128xf32, #tpu.memory_space<hbm>>
        %dma_wait3A_167 = arith.constant 0 : i32
        %dma_wait3A_168 = tpu.memref_slice %arg5[%arg0, %mul3A_157, %dma_wait3A_167] : memref<2x10000x128xf32, #tpu.memory_space<hbm>> -> memref<1x40x128xf32, #tpu.memory_space<hbm>>
        %dma_wait3A_169 = tpu.memref_squeeze %dma_wait3A_168 : memref<1x40x128xf32, #tpu.memory_space<hbm>> -> memref<40x128xf32, #tpu.memory_space<hbm>>
        tpu.wait_dma2 semaphore(%run_scoped3A : memref<!tpu.dma_semaphore, #tpu.memory_space<semaphore_mem>>) src(%arg9 : memref<40x128xf32, #tpu.memory_space<vmem>>) dst(%dma_wait3A_169 : memref<40x128xf32, #tpu.memory_space<hbm>>)
        tpu.yield
      }) : () -> ()
    }
    return
  }
}

#map = affine_map<(d0, d1) -> (0, 0)>
#map1 = affine_map<(d0, d1) -> (0, 0, 0)>
module attributes {stable_mosaic.version = 14 : i64} {
  func.func @_agg_kernel(%arg0: i32, %arg1: i32, %arg2: memref<10000x128xf32, #tpu.memory_space<hbm>>, %arg3: memref<32x250x40xi32, #tpu.memory_space<hbm>>, %arg4: memref<32x250x40xi32, #tpu.memory_space<hbm>>, %arg5: memref<2x10000x128xf32, #tpu.memory_space<hbm>>, %arg6: memref<250x40xi32, #tpu.memory_space<vmem>>, %arg7: memref<250x40xi32, #tpu.memory_space<vmem>>, %arg8: memref<5x40x128xf32, #tpu.memory_space<vmem>>, %arg9: memref<40x128xf32, #tpu.memory_space<vmem>>, %arg10: memref<10000x128xf32, #tpu.memory_space<vmem_shared>>, %arg11: memref<5x!tpu.dma_semaphore, #tpu.memory_space<semaphore_mem>>, %arg12: memref<5x!tpu.dma_semaphore, #tpu.memory_space<semaphore_mem>>) attributes {dimension_semantics = [#tpu.dimension_semantics<core_parallel>, #tpu.dimension_semantics<subcore_parallel>], iteration_bounds = array<i64: 2, 16>, scalar_prefetch = 0 : i64, scratch_operands = 7 : i64, tpu.core_type = #tpu.core_type<sc_vector_subcore>, window_params = [{transform_indices = #map}, {transform_indices = #map1}, {transform_indices = #map1}, {transform_indices = #map1}]} {
    %mul3A = arith.constant 2 : i32
    %mul3A_0 = arith.muli %arg1, %mul3A : i32
    %add3A = arith.addi %mul3A_0, %arg0 : i32
    "tpu.region"() ({
      %run_scoped3A = tpu.sem_alloc : memref<!tpu.dma_semaphore, #tpu.memory_space<semaphore_mem>>
      %dma_start3A_152 = arith.constant 0 : i32
      %dma_start3A_153 = arith.constant 0 : i32
      %dma_start3A_154 = tpu.memref_slice %arg3[%add3A, %dma_start3A_152, %dma_start3A_153] : memref<32x250x40xi32, #tpu.memory_space<hbm>> -> memref<1x250x40xi32, #tpu.memory_space<hbm>>
      %dma_start3A_155 = tpu.memref_squeeze %dma_start3A_154 : memref<1x250x40xi32, #tpu.memory_space<hbm>> -> memref<250x40xi32, #tpu.memory_space<hbm>>
      %dma_start3A_156 = arith.constant 0 : i32
      %dma_start3A_157 = arith.constant 0 : i32
      %dma_start3A_158 = tpu.memref_slice %arg3[%add3A, %dma_start3A_156, %dma_start3A_157] : memref<32x250x40xi32, #tpu.memory_space<hbm>> -> memref<1x250x40xi32, #tpu.memory_space<hbm>>
      %dma_start3A_159 = tpu.memref_squeeze %dma_start3A_158 : memref<1x250x40xi32, #tpu.memory_space<hbm>> -> memref<250x40xi32, #tpu.memory_space<hbm>>
      tpu.enqueue_dma source(%dma_start3A_159 : memref<250x40xi32, #tpu.memory_space<hbm>>) target(%arg6 : memref<250x40xi32, #tpu.memory_space<vmem>>) target_semaphore(%run_scoped3A : memref<!tpu.dma_semaphore, #tpu.memory_space<semaphore_mem>>)
      %dma_wait3A_160 = arith.constant 0 : i32
      %dma_wait3A_161 = arith.constant 0 : i32
      %dma_wait3A_162 = tpu.memref_slice %arg3[%add3A, %dma_wait3A_160, %dma_wait3A_161] : memref<32x250x40xi32, #tpu.memory_space<hbm>> -> memref<1x250x40xi32, #tpu.memory_space<hbm>>
      %dma_wait3A_163 = tpu.memref_squeeze %dma_wait3A_162 : memref<1x250x40xi32, #tpu.memory_space<hbm>> -> memref<250x40xi32, #tpu.memory_space<hbm>>
      %dma_wait3A_164 = arith.constant 0 : i32
      %dma_wait3A_165 = arith.constant 0 : i32
      %dma_wait3A_166 = tpu.memref_slice %arg3[%add3A, %dma_wait3A_164, %dma_wait3A_165] : memref<32x250x40xi32, #tpu.memory_space<hbm>> -> memref<1x250x40xi32, #tpu.memory_space<hbm>>
      %dma_wait3A_167 = tpu.memref_squeeze %dma_wait3A_166 : memref<1x250x40xi32, #tpu.memory_space<hbm>> -> memref<250x40xi32, #tpu.memory_space<hbm>>
      tpu.wait_dma2 semaphore(%run_scoped3A : memref<!tpu.dma_semaphore, #tpu.memory_space<semaphore_mem>>) src(%dma_wait3A_167 : memref<250x40xi32, #tpu.memory_space<hbm>>) dst(%arg6 : memref<250x40xi32, #tpu.memory_space<vmem>>)
      tpu.yield
    }) : () -> ()
    "tpu.region"() ({
      %run_scoped3A = tpu.sem_alloc : memref<!tpu.dma_semaphore, #tpu.memory_space<semaphore_mem>>
      %dma_start3A_152 = arith.constant 0 : i32
      %dma_start3A_153 = arith.constant 0 : i32
      %dma_start3A_154 = tpu.memref_slice %arg4[%add3A, %dma_start3A_152, %dma_start3A_153] : memref<32x250x40xi32, #tpu.memory_space<hbm>> -> memref<1x250x40xi32, #tpu.memory_space<hbm>>
      %dma_start3A_155 = tpu.memref_squeeze %dma_start3A_154 : memref<1x250x40xi32, #tpu.memory_space<hbm>> -> memref<250x40xi32, #tpu.memory_space<hbm>>
      %dma_start3A_156 = arith.constant 0 : i32
      %dma_start3A_157 = arith.constant 0 : i32
      %dma_start3A_158 = tpu.memref_slice %arg4[%add3A, %dma_start3A_156, %dma_start3A_157] : memref<32x250x40xi32, #tpu.memory_space<hbm>> -> memref<1x250x40xi32, #tpu.memory_space<hbm>>
      %dma_start3A_159 = tpu.memref_squeeze %dma_start3A_158 : memref<1x250x40xi32, #tpu.memory_space<hbm>> -> memref<250x40xi32, #tpu.memory_space<hbm>>
      tpu.enqueue_dma source(%dma_start3A_159 : memref<250x40xi32, #tpu.memory_space<hbm>>) target(%arg7 : memref<250x40xi32, #tpu.memory_space<vmem>>) target_semaphore(%run_scoped3A : memref<!tpu.dma_semaphore, #tpu.memory_space<semaphore_mem>>)
      %dma_wait3A_160 = arith.constant 0 : i32
      %dma_wait3A_161 = arith.constant 0 : i32
      %dma_wait3A_162 = tpu.memref_slice %arg4[%add3A, %dma_wait3A_160, %dma_wait3A_161] : memref<32x250x40xi32, #tpu.memory_space<hbm>> -> memref<1x250x40xi32, #tpu.memory_space<hbm>>
      %dma_wait3A_163 = tpu.memref_squeeze %dma_wait3A_162 : memref<1x250x40xi32, #tpu.memory_space<hbm>> -> memref<250x40xi32, #tpu.memory_space<hbm>>
      %dma_wait3A_164 = arith.constant 0 : i32
      %dma_wait3A_165 = arith.constant 0 : i32
      %dma_wait3A_166 = tpu.memref_slice %arg4[%add3A, %dma_wait3A_164, %dma_wait3A_165] : memref<32x250x40xi32, #tpu.memory_space<hbm>> -> memref<1x250x40xi32, #tpu.memory_space<hbm>>
      %dma_wait3A_167 = tpu.memref_squeeze %dma_wait3A_166 : memref<1x250x40xi32, #tpu.memory_space<hbm>> -> memref<250x40xi32, #tpu.memory_space<hbm>>
      tpu.wait_dma2 semaphore(%run_scoped3A : memref<!tpu.dma_semaphore, #tpu.memory_space<semaphore_mem>>) src(%dma_wait3A_167 : memref<250x40xi32, #tpu.memory_space<hbm>>) dst(%arg7 : memref<250x40xi32, #tpu.memory_space<vmem>>)
      tpu.yield
    }) : () -> ()
    %broadcast_in_dim3A = arith.constant 0.000000e+00 : f32
    %broadcast_in_dim3A_1 = vector.broadcast %broadcast_in_dim3A : f32 to vector<16xf32>
    %scan3A = arith.constant 0 : i32
    %scan3A_2 = arith.constant 0 : i32
    %scan3A_3 = arith.constant 40 : i32
    %scan3A_4 = arith.addi %scan3A_2, %scan3A_3 : i32
    %scan3A_5 = arith.constant 1 : i32
    scf.for %scan3A_152 = %scan3A_2 to %scan3A_4 step %scan3A_5  : i32 {
      %swap3A = arith.index_cast %scan3A_152 : i32 to index
      %swap3A_153 = arith.constant 0 : index
      %swap3A_154 = tpu.vector_load %arg9[%swap3A, %swap3A_153] {strides = array<i32>} : memref<40x128xf32, #tpu.memory_space<vmem>>, vector<1x16xf32>,
      %swap3A_155 = vector.shape_cast %swap3A_154 : vector<1x16xf32> to vector<16xf32>
      %swap3A_156 = vector.shape_cast %broadcast_in_dim3A_1 : vector<16xf32> to vector<1x16xf32>
      tpu.vector_store %arg9[%swap3A, %swap3A_153], %swap3A_156 {strides = array<i32>} : memref<40x128xf32, #tpu.memory_space<vmem>>, vector<1x16xf32>,
      %swap3A_157 = arith.index_cast %scan3A_152 : i32 to index
      %swap3A_158 = arith.constant 16 : index
      %swap3A_159 = tpu.vector_load %arg9[%swap3A_157, %swap3A_158] {strides = array<i32>} : memref<40x128xf32, #tpu.memory_space<vmem>>, vector<1x16xf32>,
      %swap3A_160 = vector.shape_cast %swap3A_159 : vector<1x16xf32> to vector<16xf32>
      %swap3A_161 = vector.shape_cast %broadcast_in_dim3A_1 : vector<16xf32> to vector<1x16xf32>
      tpu.vector_store %arg9[%swap3A_157, %swap3A_158], %swap3A_161 {strides = array<i32>} : memref<40x128xf32, #tpu.memory_space<vmem>>, vector<1x16xf32>,
      %swap3A_162 = arith.index_cast %scan3A_152 : i32 to index
      %swap3A_163 = arith.constant 32 : index
      %swap3A_164 = tpu.vector_load %arg9[%swap3A_162, %swap3A_163] {strides = array<i32>} : memref<40x128xf32, #tpu.memory_space<vmem>>, vector<1x16xf32>,
      %swap3A_165 = vector.shape_cast %swap3A_164 : vector<1x16xf32> to vector<16xf32>
      %swap3A_166 = vector.shape_cast %broadcast_in_dim3A_1 : vector<16xf32> to vector<1x16xf32>
      tpu.vector_store %arg9[%swap3A_162, %swap3A_163], %swap3A_166 {strides = array<i32>} : memref<40x128xf32, #tpu.memory_space<vmem>>, vector<1x16xf32>,
      %swap3A_167 = arith.index_cast %scan3A_152 : i32 to index
      %swap3A_168 = arith.constant 48 : index
      %swap3A_169 = tpu.vector_load %arg9[%swap3A_167, %swap3A_168] {strides = array<i32>} : memref<40x128xf32, #tpu.memory_space<vmem>>, vector<1x16xf32>,
      %swap3A_170 = vector.shape_cast %swap3A_169 : vector<1x16xf32> to vector<16xf32>
      %swap3A_171 = vector.shape_cast %broadcast_in_dim3A_1 : vector<16xf32> to vector<1x16xf32>
      tpu.vector_store %arg9[%swap3A_167, %swap3A_168], %swap3A_171 {strides = array<i32>} : memref<40x128xf32, #tpu.memory_space<vmem>>, vector<1x16xf32>,
      %swap3A_172 = arith.index_cast %scan3A_152 : i32 to index
      %swap3A_173 = arith.constant 64 : index
      %swap3A_174 = tpu.vector_load %arg9[%swap3A_172, %swap3A_173] {strides = array<i32>} : memref<40x128xf32, #tpu.memory_space<vmem>>, vector<1x16xf32>,
      %swap3A_175 = vector.shape_cast %swap3A_174 : vector<1x16xf32> to vector<16xf32>
      %swap3A_176 = vector.shape_cast %broadcast_in_dim3A_1 : vector<16xf32> to vector<1x16xf32>
      tpu.vector_store %arg9[%swap3A_172, %swap3A_173], %swap3A_176 {strides = array<i32>} : memref<40x128xf32, #tpu.memory_space<vmem>>, vector<1x16xf32>,
      %swap3A_177 = arith.index_cast %scan3A_152 : i32 to index
      %swap3A_178 = arith.constant 80 : index
      %swap3A_179 = tpu.vector_load %arg9[%swap3A_177, %swap3A_178] {strides = array<i32>} : memref<40x128xf32, #tpu.memory_space<vmem>>, vector<1x16xf32>,
      %swap3A_180 = vector.shape_cast %swap3A_179 : vector<1x16xf32> to vector<16xf32>
      %swap3A_181 = vector.shape_cast %broadcast_in_dim3A_1 : vector<16xf32> to vector<1x16xf32>
      tpu.vector_store %arg9[%swap3A_177, %swap3A_178], %swap3A_181 {strides = array<i32>} : memref<40x128xf32, #tpu.memory_space<vmem>>, vector<1x16xf32>,
      %swap3A_182 = arith.index_cast %scan3A_152 : i32 to index
      %swap3A_183 = arith.constant 96 : index
      %swap3A_184 = tpu.vector_load %arg9[%swap3A_182, %swap3A_183] {strides = array<i32>} : memref<40x128xf32, #tpu.memory_space<vmem>>, vector<1x16xf32>,
      %swap3A_185 = vector.shape_cast %swap3A_184 : vector<1x16xf32> to vector<16xf32>
      %swap3A_186 = vector.shape_cast %broadcast_in_dim3A_1 : vector<16xf32> to vector<1x16xf32>
      tpu.vector_store %arg9[%swap3A_182, %swap3A_183], %swap3A_186 {strides = array<i32>} : memref<40x128xf32, #tpu.memory_space<vmem>>, vector<1x16xf32>,
      %swap3A_187 = arith.index_cast %scan3A_152 : i32 to index
      %swap3A_188 = arith.constant 112 : index
      %swap3A_189 = tpu.vector_load %arg9[%swap3A_187, %swap3A_188] {strides = array<i32>} : memref<40x128xf32, #tpu.memory_space<vmem>>, vector<1x16xf32>,
      %swap3A_190 = vector.shape_cast %swap3A_189 : vector<1x16xf32> to vector<16xf32>
      %swap3A_191 = vector.shape_cast %broadcast_in_dim3A_1 : vector<16xf32> to vector<1x16xf32>
      tpu.vector_store %arg9[%swap3A_187, %swap3A_188], %swap3A_191 {strides = array<i32>} : memref<40x128xf32, #tpu.memory_space<vmem>>, vector<1x16xf32>,
    }
    %scan3A_6 = arith.constant 40 : i32
    %lt3A = arith.constant 10 : i32
    %lt3A_7 = arith.cmpi slt, %arg1, %lt3A : i32
    %jit3A = arith.constant 16 : i32
    %jit3A_8 = arith.constant 15 : i32
    %select_n3A = arith.select %lt3A_7, %jit3A, %jit3A_8 : i32
    %while3A = arith.constant 0 : i32
    %while3A_9 = arith.constant 0 : i32
    %while3A_10 = arith.subi %select_n3A, %while3A_9 : i32
    %while3A_11 = arith.addi %while3A_9, %while3A_10 : i32
    %while3A_12 = arith.constant 1 : i32
    %while3A_13 = arith.divsi %while3A_10, %while3A_12 : i32
    %while3A_14 = arith.muli %while3A_13, %while3A_12 : i32
    %while3A_15 = arith.addi %while3A_9, %while3A_14 : i32
    %while3A_16 = arith.constant 1 : i32
    scf.for %while3A_152 = %while3A_9 to %while3A_15 step %while3A_16  : i32 {
      %mul3A_153 = arith.constant 16 : i32
      %mul3A_154 = arith.muli %while3A_152, %mul3A_153 : i32
      %add3A_155 = arith.addi %arg1, %mul3A_154 : i32
      %mul3A_156 = arith.constant 40 : i32
      %mul3A_157 = arith.muli %add3A_155, %mul3A_156 : i32
      "tpu.region"() ({
        %run_scoped3A = tpu.sem_alloc : memref<!tpu.dma_semaphore, #tpu.memory_space<semaphore_mem>>
        %dma_start3A_158 = arith.constant 0 : i32
        %dma_start3A_159 = tpu.memref_slice %arg10[%mul3A_157, %dma_start3A_158] : memref<10000x128xf32, #tpu.memory_space<vmem_shared>> -> memref<40x128xf32, #tpu.memory_space<vmem_shared>>
        %dma_start3A_160 = arith.constant 0 : i32
        %dma_start3A_161 = tpu.memref_slice %arg10[%mul3A_157, %dma_start3A_160] : memref<10000x128xf32, #tpu.memory_space<vmem_shared>> -> memref<40x128xf32, #tpu.memory_space<vmem_shared>>
        tpu.enqueue_dma source(%arg9 : memref<40x128xf32, #tpu.memory_space<vmem>>) target(%dma_start3A_161 : memref<40x128xf32, #tpu.memory_space<vmem_shared>>) target_semaphore(%run_scoped3A : memref<!tpu.dma_semaphore, #tpu.memory_space<semaphore_mem>>)
        %dma_wait3A_162 = arith.constant 0 : i32
        %dma_wait3A_163 = tpu.memref_slice %arg10[%mul3A_157, %dma_wait3A_162] : memref<10000x128xf32, #tpu.memory_space<vmem_shared>> -> memref<40x128xf32, #tpu.memory_space<vmem_shared>>
        %dma_wait3A_164 = arith.constant 0 : i32
        %dma_wait3A_165 = tpu.memref_slice %arg10[%mul3A_157, %dma_wait3A_164] : memref<10000x128xf32, #tpu.memory_space<vmem_shared>> -> memref<40x128xf32, #tpu.memory_space<vmem_shared>>
        tpu.wait_dma2 semaphore(%run_scoped3A : memref<!tpu.dma_semaphore, #tpu.memory_space<semaphore_mem>>) src(%arg9 : memref<40x128xf32, #tpu.memory_space<vmem>>) dst(%dma_wait3A_165 : memref<40x128xf32, #tpu.memory_space<vmem_shared>>)
        tpu.yield
      }) : () -> ()
    }
    %while3A_17 = arith.constant 1 : i32
    scf.for %while3A_152 = %while3A_15 to %while3A_11 step %while3A_17  : i32 {
      %mul3A_153 = arith.constant 16 : i32
      %mul3A_154 = arith.muli %while3A_152, %mul3A_153 : i32
      %add3A_155 = arith.addi %arg1, %mul3A_154 : i32
      %mul3A_156 = arith.constant 40 : i32
      %mul3A_157 = arith.muli %add3A_155, %mul3A_156 : i32
      "tpu.region"() ({
        %run_scoped3A = tpu.sem_alloc : memref<!tpu.dma_semaphore, #tpu.memory_space<semaphore_mem>>
        %dma_start3A_158 = arith.constant 0 : i32
        %dma_start3A_159 = tpu.memref_slice %arg10[%mul3A_157, %dma_start3A_158] : memref<10000x128xf32, #tpu.memory_space<vmem_shared>> -> memref<40x128xf32, #tpu.memory_space<vmem_shared>>
        %dma_start3A_160 = arith.constant 0 : i32
        %dma_start3A_161 = tpu.memref_slice %arg10[%mul3A_157, %dma_start3A_160] : memref<10000x128xf32, #tpu.memory_space<vmem_shared>> -> memref<40x128xf32, #tpu.memory_space<vmem_shared>>
        tpu.enqueue_dma source(%arg9 : memref<40x128xf32, #tpu.memory_space<vmem>>) target(%dma_start3A_161 : memref<40x128xf32, #tpu.memory_space<vmem_shared>>) target_semaphore(%run_scoped3A : memref<!tpu.dma_semaphore, #tpu.memory_space<semaphore_mem>>)
        %dma_wait3A_162 = arith.constant 0 : i32
        %dma_wait3A_163 = tpu.memref_slice %arg10[%mul3A_157, %dma_wait3A_162] : memref<10000x128xf32, #tpu.memory_space<vmem_shared>> -> memref<40x128xf32, #tpu.memory_space<vmem_shared>>
        %dma_wait3A_164 = arith.constant 0 : i32
        %dma_wait3A_165 = tpu.memref_slice %arg10[%mul3A_157, %dma_wait3A_164] : memref<10000x128xf32, #tpu.memory_space<vmem_shared>> -> memref<40x128xf32, #tpu.memory_space<vmem_shared>>
        tpu.wait_dma2 semaphore(%run_scoped3A : memref<!tpu.dma_semaphore, #tpu.memory_space<semaphore_mem>>) src(%arg9 : memref<40x128xf32, #tpu.memory_space<vmem>>) dst(%dma_wait3A_165 : memref<40x128xf32, #tpu.memory_space<vmem_shared>>)
        tpu.yield
      }) : () -> ()
    }
    %barrier3A = arith.constant 0 : index
    tpu.barrier barrier_id(%barrier3A)
    %dma_start3A = arith.constant 0 : i32
    %dma_start3A_18 = arith.constant 0 : i32
    %dma_start3A_19 = arith.constant 0 : i32
    %dma_start3A_20 = arith.constant 0 : i32
    %dma_start3A_21 = arith.constant 0 : i32
    %dma_start3A_22 = tpu.memref_slice %arg8[%dma_start3A_18, %dma_start3A_20, %dma_start3A_21] : memref<5x40x128xf32, #tpu.memory_space<vmem>> -> memref<1x40x128xf32, #tpu.memory_space<vmem>>
    %dma_start3A_23 = tpu.memref_squeeze %dma_start3A_22 : memref<1x40x128xf32, #tpu.memory_space<vmem>> -> memref<40x128xf32, #tpu.memory_space<vmem>>
    %dma_start3A_24 = arith.constant 0 : i32
    %dma_start3A_25 = tpu.memref_slice %arg6[%dma_start3A, %dma_start3A_24] : memref<250x40xi32, #tpu.memory_space<vmem>> -> memref<1x40xi32, #tpu.memory_space<vmem>>
    %dma_start3A_26 = tpu.memref_squeeze %dma_start3A_25 : memref<1x40xi32, #tpu.memory_space<vmem>> -> memref<40xi32, #tpu.memory_space<vmem>>
    %dma_start3A_27 = arith.constant 0 : i32
    %dma_start3A_28 = arith.constant 0 : i32
    %dma_start3A_29 = tpu.memref_slice %arg2[%dma_start3A_27, %dma_start3A_28] : memref<10000x128xf32, #tpu.memory_space<hbm>> -> memref<10000x128xf32, #tpu.memory_space<hbm>>
    %dma_start3A_30 = tpu.memref_slice %arg11[%dma_start3A_19] : memref<5x!tpu.dma_semaphore, #tpu.memory_space<semaphore_mem>> -> memref<1x!tpu.dma_semaphore, #tpu.memory_space<semaphore_mem>>
    %dma_start3A_31 = tpu.memref_squeeze %dma_start3A_30 : memref<1x!tpu.dma_semaphore, #tpu.memory_space<semaphore_mem>> -> memref<!tpu.dma_semaphore, #tpu.memory_space<semaphore_mem>>
    tpu.enqueue_indirect_dma source(%dma_start3A_29 : memref<10000x128xf32, #tpu.memory_space<hbm>>) target(%dma_start3A_23 : memref<40x128xf32, #tpu.memory_space<vmem>>) offsets(%dma_start3A_26 : memref<40xi32, #tpu.memory_space<vmem>>) semaphore(%dma_start3A_31 : memref<!tpu.dma_semaphore, #tpu.memory_space<semaphore_mem>>)
    %dma_start3A_32 = arith.constant 1 : i32
    %dma_start3A_33 = arith.constant 1 : i32
    %dma_start3A_34 = arith.constant 1 : i32
    %dma_start3A_35 = arith.constant 0 : i32
    %dma_start3A_36 = arith.constant 0 : i32
    %dma_start3A_37 = tpu.memref_slice %arg8[%dma_start3A_33, %dma_start3A_35, %dma_start3A_36] : memref<5x40x128xf32, #tpu.memory_space<vmem>> -> memref<1x40x128xf32, #tpu.memory_space<vmem>>
    %dma_start3A_38 = tpu.memref_squeeze %dma_start3A_37 : memref<1x40x128xf32, #tpu.memory_space<vmem>> -> memref<40x128xf32, #tpu.memory_space<vmem>>
    %dma_start3A_39 = arith.constant 0 : i32
    %dma_start3A_40 = tpu.memref_slice %arg6[%dma_start3A_32, %dma_start3A_39] : memref<250x40xi32, #tpu.memory_space<vmem>> -> memref<1x40xi32, #tpu.memory_space<vmem>>
    %dma_start3A_41 = tpu.memref_squeeze %dma_start3A_40 : memref<1x40xi32, #tpu.memory_space<vmem>> -> memref<40xi32, #tpu.memory_space<vmem>>
    %dma_start3A_42 = arith.constant 0 : i32
    %dma_start3A_43 = arith.constant 0 : i32
    %dma_start3A_44 = tpu.memref_slice %arg2[%dma_start3A_42, %dma_start3A_43] : memref<10000x128xf32, #tpu.memory_space<hbm>> -> memref<10000x128xf32, #tpu.memory_space<hbm>>
    %dma_start3A_45 = tpu.memref_slice %arg11[%dma_start3A_34] : memref<5x!tpu.dma_semaphore, #tpu.memory_space<semaphore_mem>> -> memref<1x!tpu.dma_semaphore, #tpu.memory_space<semaphore_mem>>
    %dma_start3A_46 = tpu.memref_squeeze %dma_start3A_45 : memref<1x!tpu.dma_semaphore, #tpu.memory_space<semaphore_mem>> -> memref<!tpu.dma_semaphore, #tpu.memory_space<semaphore_mem>>
    tpu.enqueue_indirect_dma source(%dma_start3A_44 : memref<10000x128xf32, #tpu.memory_space<hbm>>) target(%dma_start3A_38 : memref<40x128xf32, #tpu.memory_space<vmem>>) offsets(%dma_start3A_41 : memref<40xi32, #tpu.memory_space<vmem>>) semaphore(%dma_start3A_46 : memref<!tpu.dma_semaphore, #tpu.memory_space<semaphore_mem>>)
    %dma_start3A_47 = arith.constant 2 : i32
    %dma_start3A_48 = arith.constant 2 : i32
    %dma_start3A_49 = arith.constant 2 : i32
    %dma_start3A_50 = arith.constant 0 : i32
    %dma_start3A_51 = arith.constant 0 : i32
    %dma_start3A_52 = tpu.memref_slice %arg8[%dma_start3A_48, %dma_start3A_50, %dma_start3A_51] : memref<5x40x128xf32, #tpu.memory_space<vmem>> -> memref<1x40x128xf32, #tpu.memory_space<vmem>>
    %dma_start3A_53 = tpu.memref_squeeze %dma_start3A_52 : memref<1x40x128xf32, #tpu.memory_space<vmem>> -> memref<40x128xf32, #tpu.memory_space<vmem>>
    %dma_start3A_54 = arith.constant 0 : i32
    %dma_start3A_55 = tpu.memref_slice %arg6[%dma_start3A_47, %dma_start3A_54] : memref<250x40xi32, #tpu.memory_space<vmem>> -> memref<1x40xi32, #tpu.memory_space<vmem>>
    %dma_start3A_56 = tpu.memref_squeeze %dma_start3A_55 : memref<1x40xi32, #tpu.memory_space<vmem>> -> memref<40xi32, #tpu.memory_space<vmem>>
    %dma_start3A_57 = arith.constant 0 : i32
    %dma_start3A_58 = arith.constant 0 : i32
    %dma_start3A_59 = tpu.memref_slice %arg2[%dma_start3A_57, %dma_start3A_58] : memref<10000x128xf32, #tpu.memory_space<hbm>> -> memref<10000x128xf32, #tpu.memory_space<hbm>>
    %dma_start3A_60 = tpu.memref_slice %arg11[%dma_start3A_49] : memref<5x!tpu.dma_semaphore, #tpu.memory_space<semaphore_mem>> -> memref<1x!tpu.dma_semaphore, #tpu.memory_space<semaphore_mem>>
    %dma_start3A_61 = tpu.memref_squeeze %dma_start3A_60 : memref<1x!tpu.dma_semaphore, #tpu.memory_space<semaphore_mem>> -> memref<!tpu.dma_semaphore, #tpu.memory_space<semaphore_mem>>
    tpu.enqueue_indirect_dma source(%dma_start3A_59 : memref<10000x128xf32, #tpu.memory_space<hbm>>) target(%dma_start3A_53 : memref<40x128xf32, #tpu.memory_space<vmem>>) offsets(%dma_start3A_56 : memref<40xi32, #tpu.memory_space<vmem>>) semaphore(%dma_start3A_61 : memref<!tpu.dma_semaphore, #tpu.memory_space<semaphore_mem>>)
    %scan3A_62 = arith.constant 0 : i32
    %scan3A_63 = arith.constant 50 : i32
    %scan3A_64 = arith.addi %scan3A_62, %scan3A_63 : i32
    %scan3A_65 = arith.constant 1 : i32
    scf.for %scan3A_152 = %scan3A_62 to %scan3A_64 step %scan3A_65  : i32 {
      %mul3A_153 = arith.constant 5 : i32
      %mul3A_154 = arith.muli %scan3A_152, %mul3A_153 : i32
      %add3A_155 = arith.constant 0 : i32
      %add3A_156 = arith.addi %add3A_155, %mul3A_154 : i32
      %add3A_157 = arith.constant 0 : i32
      %add3A_158 = arith.addi %add3A_156, %add3A_157 : i32
      %add3A_159 = arith.constant 3 : i32
      %add3A_160 = arith.addi %add3A_158, %add3A_159 : i32
      %lt3A_161 = arith.constant 250 : i32
      %lt3A_162 = arith.cmpi slt, %add3A_160, %lt3A_161 : i32
      %convert_element_type3A = arith.extui %lt3A_162 : i1 to i32
      %cond3A = arith.constant 0 : i32
      %cond3A_163 = arith.cmpi ne, %convert_element_type3A, %cond3A : i32
      scf.if %cond3A_163 {
        %ge3A = arith.constant 5 : i32
        %ge3A_340 = arith.cmpi sge, %add3A_160, %ge3A : i32
        %convert_element_type3A_341 = arith.extui %ge3A_340 : i1 to i32
        %cond3A_342 = arith.constant 0 : i32
        %cond3A_343 = arith.cmpi ne, %convert_element_type3A_341, %cond3A_342 : i32
        scf.if %cond3A_343 {
          %sub3A = arith.constant 5 : i32
          %sub3A_358 = arith.subi %add3A_160, %sub3A : i32
          %dma_wait3A_359 = arith.constant 3 : i32
          %dma_wait3A_360 = arith.constant 3 : i32
          %dma_wait3A_361 = arith.constant 0 : i32
          %dma_wait3A_362 = arith.constant 0 : i32
          %dma_wait3A_363 = tpu.memref_slice %arg8[%dma_wait3A_359, %dma_wait3A_361, %dma_wait3A_362] : memref<5x40x128xf32, #tpu.memory_space<vmem>> -> memref<1x40x128xf32, #tpu.memory_space<vmem>>
          %dma_wait3A_364 = tpu.memref_squeeze %dma_wait3A_363 : memref<1x40x128xf32, #tpu.memory_space<vmem>> -> memref<40x128xf32, #tpu.memory_space<vmem>>
          %dma_wait3A_365 = arith.constant 0 : i32
          %dma_wait3A_366 = tpu.memref_slice %arg7[%sub3A_358, %dma_wait3A_365] : memref<250x40xi32, #tpu.memory_space<vmem>> -> memref<1x40xi32, #tpu.memory_space<vmem>>
          %dma_wait3A_367 = tpu.memref_squeeze %dma_wait3A_366 : memref<1x40xi32, #tpu.memory_space<vmem>> -> memref<40xi32, #tpu.memory_space<vmem>>
          %dma_wait3A_368 = arith.constant 0 : i32
          %dma_wait3A_369 = arith.constant 0 : i32
          %dma_wait3A_370 = tpu.memref_slice %arg10[%dma_wait3A_368, %dma_wait3A_369] : memref<10000x128xf32, #tpu.memory_space<vmem_shared>> -> memref<10000x128xf32, #tpu.memory_space<vmem_shared>>
          %dma_wait3A_371 = tpu.memref_slice %arg12[%dma_wait3A_360] : memref<5x!tpu.dma_semaphore, #tpu.memory_space<semaphore_mem>> -> memref<1x!tpu.dma_semaphore, #tpu.memory_space<semaphore_mem>>
          %dma_wait3A_372 = tpu.memref_squeeze %dma_wait3A_371 : memref<1x!tpu.dma_semaphore, #tpu.memory_space<semaphore_mem>> -> memref<!tpu.dma_semaphore, #tpu.memory_space<semaphore_mem>>
          tpu.wait_indirect_dma semaphore(%dma_wait3A_372 : memref<!tpu.dma_semaphore, #tpu.memory_space<semaphore_mem>>) src(%dma_wait3A_364 : memref<40x128xf32, #tpu.memory_space<vmem>>) dst(%dma_wait3A_370 : memref<10000x128xf32, #tpu.memory_space<vmem_shared>>)
        } else {
        }
        %dma_start3A_344 = arith.constant 3 : i32
        %dma_start3A_345 = arith.constant 3 : i32
        %dma_start3A_346 = arith.constant 0 : i32
        %dma_start3A_347 = arith.constant 0 : i32
        %dma_start3A_348 = tpu.memref_slice %arg8[%dma_start3A_344, %dma_start3A_346, %dma_start3A_347] : memref<5x40x128xf32, #tpu.memory_space<vmem>> -> memref<1x40x128xf32, #tpu.memory_space<vmem>>
        %dma_start3A_349 = tpu.memref_squeeze %dma_start3A_348 : memref<1x40x128xf32, #tpu.memory_space<vmem>> -> memref<40x128xf32, #tpu.memory_space<vmem>>
        %dma_start3A_350 = arith.constant 0 : i32
        %dma_start3A_351 = tpu.memref_slice %arg6[%add3A_160, %dma_start3A_350] : memref<250x40xi32, #tpu.memory_space<vmem>> -> memref<1x40xi32, #tpu.memory_space<vmem>>
        %dma_start3A_352 = tpu.memref_squeeze %dma_start3A_351 : memref<1x40xi32, #tpu.memory_space<vmem>> -> memref<40xi32, #tpu.memory_space<vmem>>
        %dma_start3A_353 = arith.constant 0 : i32
        %dma_start3A_354 = arith.constant 0 : i32
        %dma_start3A_355 = tpu.memref_slice %arg2[%dma_start3A_353, %dma_start3A_354] : memref<10000x128xf32, #tpu.memory_space<hbm>> -> memref<10000x128xf32, #tpu.memory_space<hbm>>
        %dma_start3A_356 = tpu.memref_slice %arg11[%dma_start3A_345] : memref<5x!tpu.dma_semaphore, #tpu.memory_space<semaphore_mem>> -> memref<1x!tpu.dma_semaphore, #tpu.memory_space<semaphore_mem>>
        %dma_start3A_357 = tpu.memref_squeeze %dma_start3A_356 : memref<1x!tpu.dma_semaphore, #tpu.memory_space<semaphore_mem>> -> memref<!tpu.dma_semaphore, #tpu.memory_space<semaphore_mem>>
        tpu.enqueue_indirect_dma source(%dma_start3A_355 : memref<10000x128xf32, #tpu.memory_space<hbm>>) target(%dma_start3A_349 : memref<40x128xf32, #tpu.memory_space<vmem>>) offsets(%dma_start3A_352 : memref<40xi32, #tpu.memory_space<vmem>>) semaphore(%dma_start3A_357 : memref<!tpu.dma_semaphore, #tpu.memory_space<semaphore_mem>>)
      } else {
      }
      %dma_wait3A_164 = arith.constant 0 : i32
      %dma_wait3A_165 = arith.constant 0 : i32
      %dma_wait3A_166 = arith.constant 0 : i32
      %dma_wait3A_167 = arith.constant 0 : i32
      %dma_wait3A_168 = tpu.memref_slice %arg8[%dma_wait3A_164, %dma_wait3A_166, %dma_wait3A_167] : memref<5x40x128xf32, #tpu.memory_space<vmem>> -> memref<1x40x128xf32, #tpu.memory_space<vmem>>
      %dma_wait3A_169 = tpu.memref_squeeze %dma_wait3A_168 : memref<1x40x128xf32, #tpu.memory_space<vmem>> -> memref<40x128xf32, #tpu.memory_space<vmem>>
      %dma_wait3A_170 = arith.constant 0 : i32
      %dma_wait3A_171 = tpu.memref_slice %arg6[%add3A_158, %dma_wait3A_170] : memref<250x40xi32, #tpu.memory_space<vmem>> -> memref<1x40xi32, #tpu.memory_space<vmem>>
      %dma_wait3A_172 = tpu.memref_squeeze %dma_wait3A_171 : memref<1x40xi32, #tpu.memory_space<vmem>> -> memref<40xi32, #tpu.memory_space<vmem>>
      %dma_wait3A_173 = arith.constant 0 : i32
      %dma_wait3A_174 = arith.constant 0 : i32
      %dma_wait3A_175 = tpu.memref_slice %arg2[%dma_wait3A_173, %dma_wait3A_174] : memref<10000x128xf32, #tpu.memory_space<hbm>> -> memref<10000x128xf32, #tpu.memory_space<hbm>>
      %dma_wait3A_176 = tpu.memref_slice %arg11[%dma_wait3A_165] : memref<5x!tpu.dma_semaphore, #tpu.memory_space<semaphore_mem>> -> memref<1x!tpu.dma_semaphore, #tpu.memory_space<semaphore_mem>>
      %dma_wait3A_177 = tpu.memref_squeeze %dma_wait3A_176 : memref<1x!tpu.dma_semaphore, #tpu.memory_space<semaphore_mem>> -> memref<!tpu.dma_semaphore, #tpu.memory_space<semaphore_mem>>
      tpu.wait_indirect_dma semaphore(%dma_wait3A_177 : memref<!tpu.dma_semaphore, #tpu.memory_space<semaphore_mem>>) src(%dma_wait3A_175 : memref<10000x128xf32, #tpu.memory_space<hbm>>) dst(%dma_wait3A_169 : memref<40x128xf32, #tpu.memory_space<vmem>>)
      %dma_start3A_178 = arith.constant 0 : i32
      %dma_start3A_179 = arith.constant 0 : i32
      %dma_start3A_180 = arith.constant 0 : i32
      %dma_start3A_181 = arith.constant 0 : i32
      %dma_start3A_182 = tpu.memref_slice %arg8[%dma_start3A_178, %dma_start3A_180, %dma_start3A_181] : memref<5x40x128xf32, #tpu.memory_space<vmem>> -> memref<1x40x128xf32, #tpu.memory_space<vmem>>
      %dma_start3A_183 = tpu.memref_squeeze %dma_start3A_182 : memref<1x40x128xf32, #tpu.memory_space<vmem>> -> memref<40x128xf32, #tpu.memory_space<vmem>>
      %dma_start3A_184 = arith.constant 0 : i32
      %dma_start3A_185 = tpu.memref_slice %arg7[%add3A_158, %dma_start3A_184] : memref<250x40xi32, #tpu.memory_space<vmem>> -> memref<1x40xi32, #tpu.memory_space<vmem>>
      %dma_start3A_186 = tpu.memref_squeeze %dma_start3A_185 : memref<1x40xi32, #tpu.memory_space<vmem>> -> memref<40xi32, #tpu.memory_space<vmem>>
      %dma_start3A_187 = arith.constant 0 : i32
      %dma_start3A_188 = arith.constant 0 : i32
      %dma_start3A_189 = tpu.memref_slice %arg10[%dma_start3A_187, %dma_start3A_188] : memref<10000x128xf32, #tpu.memory_space<vmem_shared>> -> memref<10000x128xf32, #tpu.memory_space<vmem_shared>>
      %dma_start3A_190 = tpu.memref_slice %arg12[%dma_start3A_179] : memref<5x!tpu.dma_semaphore, #tpu.memory_space<semaphore_mem>> -> memref<1x!tpu.dma_semaphore, #tpu.memory_space<semaphore_mem>>
      %dma_start3A_191 = tpu.memref_squeeze %dma_start3A_190 : memref<1x!tpu.dma_semaphore, #tpu.memory_space<semaphore_mem>> -> memref<!tpu.dma_semaphore, #tpu.memory_space<semaphore_mem>>
      tpu.enqueue_indirect_dma source(%dma_start3A_183 : memref<40x128xf32, #tpu.memory_space<vmem>>) target(%dma_start3A_189 : memref<10000x128xf32, #tpu.memory_space<vmem_shared>>) offsets(%dma_start3A_186 : memref<40xi32, #tpu.memory_space<vmem>>) semaphore(%dma_start3A_191 : memref<!tpu.dma_semaphore, #tpu.memory_space<semaphore_mem>>) {add = true}
      %add3A_192 = arith.constant 1 : i32
      %add3A_193 = arith.addi %add3A_156, %add3A_192 : i32
      %add3A_194 = arith.constant 3 : i32
      %add3A_195 = arith.addi %add3A_193, %add3A_194 : i32
      %lt3A_196 = arith.constant 250 : i32
      %lt3A_197 = arith.cmpi slt, %add3A_195, %lt3A_196 : i32
      %convert_element_type3A_198 = arith.extui %lt3A_197 : i1 to i32
      %cond3A_199 = arith.constant 0 : i32
      %cond3A_200 = arith.cmpi ne, %convert_element_type3A_198, %cond3A_199 : i32
      scf.if %cond3A_200 {
        %ge3A = arith.constant 5 : i32
        %ge3A_340 = arith.cmpi sge, %add3A_195, %ge3A : i32
        %convert_element_type3A_341 = arith.extui %ge3A_340 : i1 to i32
        %cond3A_342 = arith.constant 0 : i32
        %cond3A_343 = arith.cmpi ne, %convert_element_type3A_341, %cond3A_342 : i32
        scf.if %cond3A_343 {
          %sub3A = arith.constant 5 : i32
          %sub3A_358 = arith.subi %add3A_195, %sub3A : i32
          %dma_wait3A_359 = arith.constant 4 : i32
          %dma_wait3A_360 = arith.constant 4 : i32
          %dma_wait3A_361 = arith.constant 0 : i32
          %dma_wait3A_362 = arith.constant 0 : i32
          %dma_wait3A_363 = tpu.memref_slice %arg8[%dma_wait3A_359, %dma_wait3A_361, %dma_wait3A_362] : memref<5x40x128xf32, #tpu.memory_space<vmem>> -> memref<1x40x128xf32, #tpu.memory_space<vmem>>
          %dma_wait3A_364 = tpu.memref_squeeze %dma_wait3A_363 : memref<1x40x128xf32, #tpu.memory_space<vmem>> -> memref<40x128xf32, #tpu.memory_space<vmem>>
          %dma_wait3A_365 = arith.constant 0 : i32
          %dma_wait3A_366 = tpu.memref_slice %arg7[%sub3A_358, %dma_wait3A_365] : memref<250x40xi32, #tpu.memory_space<vmem>> -> memref<1x40xi32, #tpu.memory_space<vmem>>
          %dma_wait3A_367 = tpu.memref_squeeze %dma_wait3A_366 : memref<1x40xi32, #tpu.memory_space<vmem>> -> memref<40xi32, #tpu.memory_space<vmem>>
          %dma_wait3A_368 = arith.constant 0 : i32
          %dma_wait3A_369 = arith.constant 0 : i32
          %dma_wait3A_370 = tpu.memref_slice %arg10[%dma_wait3A_368, %dma_wait3A_369] : memref<10000x128xf32, #tpu.memory_space<vmem_shared>> -> memref<10000x128xf32, #tpu.memory_space<vmem_shared>>
          %dma_wait3A_371 = tpu.memref_slice %arg12[%dma_wait3A_360] : memref<5x!tpu.dma_semaphore, #tpu.memory_space<semaphore_mem>> -> memref<1x!tpu.dma_semaphore, #tpu.memory_space<semaphore_mem>>
          %dma_wait3A_372 = tpu.memref_squeeze %dma_wait3A_371 : memref<1x!tpu.dma_semaphore, #tpu.memory_space<semaphore_mem>> -> memref<!tpu.dma_semaphore, #tpu.memory_space<semaphore_mem>>
          tpu.wait_indirect_dma semaphore(%dma_wait3A_372 : memref<!tpu.dma_semaphore, #tpu.memory_space<semaphore_mem>>) src(%dma_wait3A_364 : memref<40x128xf32, #tpu.memory_space<vmem>>) dst(%dma_wait3A_370 : memref<10000x128xf32, #tpu.memory_space<vmem_shared>>)
        } else {
        }
        %dma_start3A_344 = arith.constant 4 : i32
        %dma_start3A_345 = arith.constant 4 : i32
        %dma_start3A_346 = arith.constant 0 : i32
        %dma_start3A_347 = arith.constant 0 : i32
        %dma_start3A_348 = tpu.memref_slice %arg8[%dma_start3A_344, %dma_start3A_346, %dma_start3A_347] : memref<5x40x128xf32, #tpu.memory_space<vmem>> -> memref<1x40x128xf32, #tpu.memory_space<vmem>>
        %dma_start3A_349 = tpu.memref_squeeze %dma_start3A_348 : memref<1x40x128xf32, #tpu.memory_space<vmem>> -> memref<40x128xf32, #tpu.memory_space<vmem>>
        %dma_start3A_350 = arith.constant 0 : i32
        %dma_start3A_351 = tpu.memref_slice %arg6[%add3A_195, %dma_start3A_350] : memref<250x40xi32, #tpu.memory_space<vmem>> -> memref<1x40xi32, #tpu.memory_space<vmem>>
        %dma_start3A_352 = tpu.memref_squeeze %dma_start3A_351 : memref<1x40xi32, #tpu.memory_space<vmem>> -> memref<40xi32, #tpu.memory_space<vmem>>
        %dma_start3A_353 = arith.constant 0 : i32
        %dma_start3A_354 = arith.constant 0 : i32
        %dma_start3A_355 = tpu.memref_slice %arg2[%dma_start3A_353, %dma_start3A_354] : memref<10000x128xf32, #tpu.memory_space<hbm>> -> memref<10000x128xf32, #tpu.memory_space<hbm>>
        %dma_start3A_356 = tpu.memref_slice %arg11[%dma_start3A_345] : memref<5x!tpu.dma_semaphore, #tpu.memory_space<semaphore_mem>> -> memref<1x!tpu.dma_semaphore, #tpu.memory_space<semaphore_mem>>
        %dma_start3A_357 = tpu.memref_squeeze %dma_start3A_356 : memref<1x!tpu.dma_semaphore, #tpu.memory_space<semaphore_mem>> -> memref<!tpu.dma_semaphore, #tpu.memory_space<semaphore_mem>>
        tpu.enqueue_indirect_dma source(%dma_start3A_355 : memref<10000x128xf32, #tpu.memory_space<hbm>>) target(%dma_start3A_349 : memref<40x128xf32, #tpu.memory_space<vmem>>) offsets(%dma_start3A_352 : memref<40xi32, #tpu.memory_space<vmem>>) semaphore(%dma_start3A_357 : memref<!tpu.dma_semaphore, #tpu.memory_space<semaphore_mem>>)
      } else {
      }
      %dma_wait3A_201 = arith.constant 1 : i32
      %dma_wait3A_202 = arith.constant 1 : i32
      %dma_wait3A_203 = arith.constant 0 : i32
      %dma_wait3A_204 = arith.constant 0 : i32
      %dma_wait3A_205 = tpu.memref_slice %arg8[%dma_wait3A_201, %dma_wait3A_203, %dma_wait3A_204] : memref<5x40x128xf32, #tpu.memory_space<vmem>> -> memref<1x40x128xf32, #tpu.memory_space<vmem>>
      %dma_wait3A_206 = tpu.memref_squeeze %dma_wait3A_205 : memref<1x40x128xf32, #tpu.memory_space<vmem>> -> memref<40x128xf32, #tpu.memory_space<vmem>>
      %dma_wait3A_207 = arith.constant 0 : i32
      %dma_wait3A_208 = tpu.memref_slice %arg6[%add3A_193, %dma_wait3A_207] : memref<250x40xi32, #tpu.memory_space<vmem>> -> memref<1x40xi32, #tpu.memory_space<vmem>>
      %dma_wait3A_209 = tpu.memref_squeeze %dma_wait3A_208 : memref<1x40xi32, #tpu.memory_space<vmem>> -> memref<40xi32, #tpu.memory_space<vmem>>
      %dma_wait3A_210 = arith.constant 0 : i32
      %dma_wait3A_211 = arith.constant 0 : i32
      %dma_wait3A_212 = tpu.memref_slice %arg2[%dma_wait3A_210, %dma_wait3A_211] : memref<10000x128xf32, #tpu.memory_space<hbm>> -> memref<10000x128xf32, #tpu.memory_space<hbm>>
      %dma_wait3A_213 = tpu.memref_slice %arg11[%dma_wait3A_202] : memref<5x!tpu.dma_semaphore, #tpu.memory_space<semaphore_mem>> -> memref<1x!tpu.dma_semaphore, #tpu.memory_space<semaphore_mem>>
      %dma_wait3A_214 = tpu.memref_squeeze %dma_wait3A_213 : memref<1x!tpu.dma_semaphore, #tpu.memory_space<semaphore_mem>> -> memref<!tpu.dma_semaphore, #tpu.memory_space<semaphore_mem>>
      tpu.wait_indirect_dma semaphore(%dma_wait3A_214 : memref<!tpu.dma_semaphore, #tpu.memory_space<semaphore_mem>>) src(%dma_wait3A_212 : memref<10000x128xf32, #tpu.memory_space<hbm>>) dst(%dma_wait3A_206 : memref<40x128xf32, #tpu.memory_space<vmem>>)
      %dma_start3A_215 = arith.constant 1 : i32
      %dma_start3A_216 = arith.constant 1 : i32
      %dma_start3A_217 = arith.constant 0 : i32
      %dma_start3A_218 = arith.constant 0 : i32
      %dma_start3A_219 = tpu.memref_slice %arg8[%dma_start3A_215, %dma_start3A_217, %dma_start3A_218] : memref<5x40x128xf32, #tpu.memory_space<vmem>> -> memref<1x40x128xf32, #tpu.memory_space<vmem>>
      %dma_start3A_220 = tpu.memref_squeeze %dma_start3A_219 : memref<1x40x128xf32, #tpu.memory_space<vmem>> -> memref<40x128xf32, #tpu.memory_space<vmem>>
      %dma_start3A_221 = arith.constant 0 : i32
      %dma_start3A_222 = tpu.memref_slice %arg7[%add3A_193, %dma_start3A_221] : memref<250x40xi32, #tpu.memory_space<vmem>> -> memref<1x40xi32, #tpu.memory_space<vmem>>
      %dma_start3A_223 = tpu.memref_squeeze %dma_start3A_222 : memref<1x40xi32, #tpu.memory_space<vmem>> -> memref<40xi32, #tpu.memory_space<vmem>>
      %dma_start3A_224 = arith.constant 0 : i32
      %dma_start3A_225 = arith.constant 0 : i32
      %dma_start3A_226 = tpu.memref_slice %arg10[%dma_start3A_224, %dma_start3A_225] : memref<10000x128xf32, #tpu.memory_space<vmem_shared>> -> memref<10000x128xf32, #tpu.memory_space<vmem_shared>>
      %dma_start3A_227 = tpu.memref_slice %arg12[%dma_start3A_216] : memref<5x!tpu.dma_semaphore, #tpu.memory_space<semaphore_mem>> -> memref<1x!tpu.dma_semaphore, #tpu.memory_space<semaphore_mem>>
      %dma_start3A_228 = tpu.memref_squeeze %dma_start3A_227 : memref<1x!tpu.dma_semaphore, #tpu.memory_space<semaphore_mem>> -> memref<!tpu.dma_semaphore, #tpu.memory_space<semaphore_mem>>
      tpu.enqueue_indirect_dma source(%dma_start3A_220 : memref<40x128xf32, #tpu.memory_space<vmem>>) target(%dma_start3A_226 : memref<10000x128xf32, #tpu.memory_space<vmem_shared>>) offsets(%dma_start3A_223 : memref<40xi32, #tpu.memory_space<vmem>>) semaphore(%dma_start3A_228 : memref<!tpu.dma_semaphore, #tpu.memory_space<semaphore_mem>>) {add = true}
      %add3A_229 = arith.constant 2 : i32
      %add3A_230 = arith.addi %add3A_156, %add3A_229 : i32
      %add3A_231 = arith.constant 3 : i32
      %add3A_232 = arith.addi %add3A_230, %add3A_231 : i32
      %lt3A_233 = arith.constant 250 : i32
      %lt3A_234 = arith.cmpi slt, %add3A_232, %lt3A_233 : i32
      %convert_element_type3A_235 = arith.extui %lt3A_234 : i1 to i32
      %cond3A_236 = arith.constant 0 : i32
      %cond3A_237 = arith.cmpi ne, %convert_element_type3A_235, %cond3A_236 : i32
      scf.if %cond3A_237 {
        %ge3A = arith.constant 5 : i32
        %ge3A_340 = arith.cmpi sge, %add3A_232, %ge3A : i32
        %convert_element_type3A_341 = arith.extui %ge3A_340 : i1 to i32
        %cond3A_342 = arith.constant 0 : i32
        %cond3A_343 = arith.cmpi ne, %convert_element_type3A_341, %cond3A_342 : i32
        scf.if %cond3A_343 {
          %sub3A = arith.constant 5 : i32
          %sub3A_358 = arith.subi %add3A_232, %sub3A : i32
          %dma_wait3A_359 = arith.constant 0 : i32
          %dma_wait3A_360 = arith.constant 0 : i32
          %dma_wait3A_361 = arith.constant 0 : i32
          %dma_wait3A_362 = arith.constant 0 : i32
          %dma_wait3A_363 = tpu.memref_slice %arg8[%dma_wait3A_359, %dma_wait3A_361, %dma_wait3A_362] : memref<5x40x128xf32, #tpu.memory_space<vmem>> -> memref<1x40x128xf32, #tpu.memory_space<vmem>>
          %dma_wait3A_364 = tpu.memref_squeeze %dma_wait3A_363 : memref<1x40x128xf32, #tpu.memory_space<vmem>> -> memref<40x128xf32, #tpu.memory_space<vmem>>
          %dma_wait3A_365 = arith.constant 0 : i32
          %dma_wait3A_366 = tpu.memref_slice %arg7[%sub3A_358, %dma_wait3A_365] : memref<250x40xi32, #tpu.memory_space<vmem>> -> memref<1x40xi32, #tpu.memory_space<vmem>>
          %dma_wait3A_367 = tpu.memref_squeeze %dma_wait3A_366 : memref<1x40xi32, #tpu.memory_space<vmem>> -> memref<40xi32, #tpu.memory_space<vmem>>
          %dma_wait3A_368 = arith.constant 0 : i32
          %dma_wait3A_369 = arith.constant 0 : i32
          %dma_wait3A_370 = tpu.memref_slice %arg10[%dma_wait3A_368, %dma_wait3A_369] : memref<10000x128xf32, #tpu.memory_space<vmem_shared>> -> memref<10000x128xf32, #tpu.memory_space<vmem_shared>>
          %dma_wait3A_371 = tpu.memref_slice %arg12[%dma_wait3A_360] : memref<5x!tpu.dma_semaphore, #tpu.memory_space<semaphore_mem>> -> memref<1x!tpu.dma_semaphore, #tpu.memory_space<semaphore_mem>>
          %dma_wait3A_372 = tpu.memref_squeeze %dma_wait3A_371 : memref<1x!tpu.dma_semaphore, #tpu.memory_space<semaphore_mem>> -> memref<!tpu.dma_semaphore, #tpu.memory_space<semaphore_mem>>
          tpu.wait_indirect_dma semaphore(%dma_wait3A_372 : memref<!tpu.dma_semaphore, #tpu.memory_space<semaphore_mem>>) src(%dma_wait3A_364 : memref<40x128xf32, #tpu.memory_space<vmem>>) dst(%dma_wait3A_370 : memref<10000x128xf32, #tpu.memory_space<vmem_shared>>)
        } else {
        }
        %dma_start3A_344 = arith.constant 0 : i32
        %dma_start3A_345 = arith.constant 0 : i32
        %dma_start3A_346 = arith.constant 0 : i32
        %dma_start3A_347 = arith.constant 0 : i32
        %dma_start3A_348 = tpu.memref_slice %arg8[%dma_start3A_344, %dma_start3A_346, %dma_start3A_347] : memref<5x40x128xf32, #tpu.memory_space<vmem>> -> memref<1x40x128xf32, #tpu.memory_space<vmem>>
        %dma_start3A_349 = tpu.memref_squeeze %dma_start3A_348 : memref<1x40x128xf32, #tpu.memory_space<vmem>> -> memref<40x128xf32, #tpu.memory_space<vmem>>
        %dma_start3A_350 = arith.constant 0 : i32
        %dma_start3A_351 = tpu.memref_slice %arg6[%add3A_232, %dma_start3A_350] : memref<250x40xi32, #tpu.memory_space<vmem>> -> memref<1x40xi32, #tpu.memory_space<vmem>>
        %dma_start3A_352 = tpu.memref_squeeze %dma_start3A_351 : memref<1x40xi32, #tpu.memory_space<vmem>> -> memref<40xi32, #tpu.memory_space<vmem>>
        %dma_start3A_353 = arith.constant 0 : i32
        %dma_start3A_354 = arith.constant 0 : i32
        %dma_start3A_355 = tpu.memref_slice %arg2[%dma_start3A_353, %dma_start3A_354] : memref<10000x128xf32, #tpu.memory_space<hbm>> -> memref<10000x128xf32, #tpu.memory_space<hbm>>
        %dma_start3A_356 = tpu.memref_slice %arg11[%dma_start3A_345] : memref<5x!tpu.dma_semaphore, #tpu.memory_space<semaphore_mem>> -> memref<1x!tpu.dma_semaphore, #tpu.memory_space<semaphore_mem>>
        %dma_start3A_357 = tpu.memref_squeeze %dma_start3A_356 : memref<1x!tpu.dma_semaphore, #tpu.memory_space<semaphore_mem>> -> memref<!tpu.dma_semaphore, #tpu.memory_space<semaphore_mem>>
        tpu.enqueue_indirect_dma source(%dma_start3A_355 : memref<10000x128xf32, #tpu.memory_space<hbm>>) target(%dma_start3A_349 : memref<40x128xf32, #tpu.memory_space<vmem>>) offsets(%dma_start3A_352 : memref<40xi32, #tpu.memory_space<vmem>>) semaphore(%dma_start3A_357 : memref<!tpu.dma_semaphore, #tpu.memory_space<semaphore_mem>>)
      } else {
      }
      %dma_wait3A_238 = arith.constant 2 : i32
      %dma_wait3A_239 = arith.constant 2 : i32
      %dma_wait3A_240 = arith.constant 0 : i32
      %dma_wait3A_241 = arith.constant 0 : i32
      %dma_wait3A_242 = tpu.memref_slice %arg8[%dma_wait3A_238, %dma_wait3A_240, %dma_wait3A_241] : memref<5x40x128xf32, #tpu.memory_space<vmem>> -> memref<1x40x128xf32, #tpu.memory_space<vmem>>
      %dma_wait3A_243 = tpu.memref_squeeze %dma_wait3A_242 : memref<1x40x128xf32, #tpu.memory_space<vmem>> -> memref<40x128xf32, #tpu.memory_space<vmem>>
      %dma_wait3A_244 = arith.constant 0 : i32
      %dma_wait3A_245 = tpu.memref_slice %arg6[%add3A_230, %dma_wait3A_244] : memref<250x40xi32, #tpu.memory_space<vmem>> -> memref<1x40xi32, #tpu.memory_space<vmem>>
      %dma_wait3A_246 = tpu.memref_squeeze %dma_wait3A_245 : memref<1x40xi32, #tpu.memory_space<vmem>> -> memref<40xi32, #tpu.memory_space<vmem>>
      %dma_wait3A_247 = arith.constant 0 : i32
      %dma_wait3A_248 = arith.constant 0 : i32
      %dma_wait3A_249 = tpu.memref_slice %arg2[%dma_wait3A_247, %dma_wait3A_248] : memref<10000x128xf32, #tpu.memory_space<hbm>> -> memref<10000x128xf32, #tpu.memory_space<hbm>>
      %dma_wait3A_250 = tpu.memref_slice %arg11[%dma_wait3A_239] : memref<5x!tpu.dma_semaphore, #tpu.memory_space<semaphore_mem>> -> memref<1x!tpu.dma_semaphore, #tpu.memory_space<semaphore_mem>>
      %dma_wait3A_251 = tpu.memref_squeeze %dma_wait3A_250 : memref<1x!tpu.dma_semaphore, #tpu.memory_space<semaphore_mem>> -> memref<!tpu.dma_semaphore, #tpu.memory_space<semaphore_mem>>
      tpu.wait_indirect_dma semaphore(%dma_wait3A_251 : memref<!tpu.dma_semaphore, #tpu.memory_space<semaphore_mem>>) src(%dma_wait3A_249 : memref<10000x128xf32, #tpu.memory_space<hbm>>) dst(%dma_wait3A_243 : memref<40x128xf32, #tpu.memory_space<vmem>>)
      %dma_start3A_252 = arith.constant 2 : i32
      %dma_start3A_253 = arith.constant 2 : i32
      %dma_start3A_254 = arith.constant 0 : i32
      %dma_start3A_255 = arith.constant 0 : i32
      %dma_start3A_256 = tpu.memref_slice %arg8[%dma_start3A_252, %dma_start3A_254, %dma_start3A_255] : memref<5x40x128xf32, #tpu.memory_space<vmem>> -> memref<1x40x128xf32, #tpu.memory_space<vmem>>
      %dma_start3A_257 = tpu.memref_squeeze %dma_start3A_256 : memref<1x40x128xf32, #tpu.memory_space<vmem>> -> memref<40x128xf32, #tpu.memory_space<vmem>>
      %dma_start3A_258 = arith.constant 0 : i32
      %dma_start3A_259 = tpu.memref_slice %arg7[%add3A_230, %dma_start3A_258] : memref<250x40xi32, #tpu.memory_space<vmem>> -> memref<1x40xi32, #tpu.memory_space<vmem>>
      %dma_start3A_260 = tpu.memref_squeeze %dma_start3A_259 : memref<1x40xi32, #tpu.memory_space<vmem>> -> memref<40xi32, #tpu.memory_space<vmem>>
      %dma_start3A_261 = arith.constant 0 : i32
      %dma_start3A_262 = arith.constant 0 : i32
      %dma_start3A_263 = tpu.memref_slice %arg10[%dma_start3A_261, %dma_start3A_262] : memref<10000x128xf32, #tpu.memory_space<vmem_shared>> -> memref<10000x128xf32, #tpu.memory_space<vmem_shared>>
      %dma_start3A_264 = tpu.memref_slice %arg12[%dma_start3A_253] : memref<5x!tpu.dma_semaphore, #tpu.memory_space<semaphore_mem>> -> memref<1x!tpu.dma_semaphore, #tpu.memory_space<semaphore_mem>>
      %dma_start3A_265 = tpu.memref_squeeze %dma_start3A_264 : memref<1x!tpu.dma_semaphore, #tpu.memory_space<semaphore_mem>> -> memref<!tpu.dma_semaphore, #tpu.memory_space<semaphore_mem>>
      tpu.enqueue_indirect_dma source(%dma_start3A_257 : memref<40x128xf32, #tpu.memory_space<vmem>>) target(%dma_start3A_263 : memref<10000x128xf32, #tpu.memory_space<vmem_shared>>) offsets(%dma_start3A_260 : memref<40xi32, #tpu.memory_space<vmem>>) semaphore(%dma_start3A_265 : memref<!tpu.dma_semaphore, #tpu.memory_space<semaphore_mem>>) {add = true}
      %add3A_266 = arith.constant 3 : i32
      %add3A_267 = arith.addi %add3A_156, %add3A_266 : i32
      %add3A_268 = arith.constant 3 : i32
      %add3A_269 = arith.addi %add3A_267, %add3A_268 : i32
      %lt3A_270 = arith.constant 250 : i32
      %lt3A_271 = arith.cmpi slt, %add3A_269, %lt3A_270 : i32
      %convert_element_type3A_272 = arith.extui %lt3A_271 : i1 to i32
      %cond3A_273 = arith.constant 0 : i32
      %cond3A_274 = arith.cmpi ne, %convert_element_type3A_272, %cond3A_273 : i32
      scf.if %cond3A_274 {
        %ge3A = arith.constant 5 : i32
        %ge3A_340 = arith.cmpi sge, %add3A_269, %ge3A : i32
        %convert_element_type3A_341 = arith.extui %ge3A_340 : i1 to i32
        %cond3A_342 = arith.constant 0 : i32
        %cond3A_343 = arith.cmpi ne, %convert_element_type3A_341, %cond3A_342 : i32
        scf.if %cond3A_343 {
          %sub3A = arith.constant 5 : i32
          %sub3A_358 = arith.subi %add3A_269, %sub3A : i32
          %dma_wait3A_359 = arith.constant 1 : i32
          %dma_wait3A_360 = arith.constant 1 : i32
          %dma_wait3A_361 = arith.constant 0 : i32
          %dma_wait3A_362 = arith.constant 0 : i32
          %dma_wait3A_363 = tpu.memref_slice %arg8[%dma_wait3A_359, %dma_wait3A_361, %dma_wait3A_362] : memref<5x40x128xf32, #tpu.memory_space<vmem>> -> memref<1x40x128xf32, #tpu.memory_space<vmem>>
          %dma_wait3A_364 = tpu.memref_squeeze %dma_wait3A_363 : memref<1x40x128xf32, #tpu.memory_space<vmem>> -> memref<40x128xf32, #tpu.memory_space<vmem>>
          %dma_wait3A_365 = arith.constant 0 : i32
          %dma_wait3A_366 = tpu.memref_slice %arg7[%sub3A_358, %dma_wait3A_365] : memref<250x40xi32, #tpu.memory_space<vmem>> -> memref<1x40xi32, #tpu.memory_space<vmem>>
          %dma_wait3A_367 = tpu.memref_squeeze %dma_wait3A_366 : memref<1x40xi32, #tpu.memory_space<vmem>> -> memref<40xi32, #tpu.memory_space<vmem>>
          %dma_wait3A_368 = arith.constant 0 : i32
          %dma_wait3A_369 = arith.constant 0 : i32
          %dma_wait3A_370 = tpu.memref_slice %arg10[%dma_wait3A_368, %dma_wait3A_369] : memref<10000x128xf32, #tpu.memory_space<vmem_shared>> -> memref<10000x128xf32, #tpu.memory_space<vmem_shared>>
          %dma_wait3A_371 = tpu.memref_slice %arg12[%dma_wait3A_360] : memref<5x!tpu.dma_semaphore, #tpu.memory_space<semaphore_mem>> -> memref<1x!tpu.dma_semaphore, #tpu.memory_space<semaphore_mem>>
          %dma_wait3A_372 = tpu.memref_squeeze %dma_wait3A_371 : memref<1x!tpu.dma_semaphore, #tpu.memory_space<semaphore_mem>> -> memref<!tpu.dma_semaphore, #tpu.memory_space<semaphore_mem>>
          tpu.wait_indirect_dma semaphore(%dma_wait3A_372 : memref<!tpu.dma_semaphore, #tpu.memory_space<semaphore_mem>>) src(%dma_wait3A_364 : memref<40x128xf32, #tpu.memory_space<vmem>>) dst(%dma_wait3A_370 : memref<10000x128xf32, #tpu.memory_space<vmem_shared>>)
        } else {
        }
        %dma_start3A_344 = arith.constant 1 : i32
        %dma_start3A_345 = arith.constant 1 : i32
        %dma_start3A_346 = arith.constant 0 : i32
        %dma_start3A_347 = arith.constant 0 : i32
        %dma_start3A_348 = tpu.memref_slice %arg8[%dma_start3A_344, %dma_start3A_346, %dma_start3A_347] : memref<5x40x128xf32, #tpu.memory_space<vmem>> -> memref<1x40x128xf32, #tpu.memory_space<vmem>>
        %dma_start3A_349 = tpu.memref_squeeze %dma_start3A_348 : memref<1x40x128xf32, #tpu.memory_space<vmem>> -> memref<40x128xf32, #tpu.memory_space<vmem>>
        %dma_start3A_350 = arith.constant 0 : i32
        %dma_start3A_351 = tpu.memref_slice %arg6[%add3A_269, %dma_start3A_350] : memref<250x40xi32, #tpu.memory_space<vmem>> -> memref<1x40xi32, #tpu.memory_space<vmem>>
        %dma_start3A_352 = tpu.memref_squeeze %dma_start3A_351 : memref<1x40xi32, #tpu.memory_space<vmem>> -> memref<40xi32, #tpu.memory_space<vmem>>
        %dma_start3A_353 = arith.constant 0 : i32
        %dma_start3A_354 = arith.constant 0 : i32
        %dma_start3A_355 = tpu.memref_slice %arg2[%dma_start3A_353, %dma_start3A_354] : memref<10000x128xf32, #tpu.memory_space<hbm>> -> memref<10000x128xf32, #tpu.memory_space<hbm>>
        %dma_start3A_356 = tpu.memref_slice %arg11[%dma_start3A_345] : memref<5x!tpu.dma_semaphore, #tpu.memory_space<semaphore_mem>> -> memref<1x!tpu.dma_semaphore, #tpu.memory_space<semaphore_mem>>
        %dma_start3A_357 = tpu.memref_squeeze %dma_start3A_356 : memref<1x!tpu.dma_semaphore, #tpu.memory_space<semaphore_mem>> -> memref<!tpu.dma_semaphore, #tpu.memory_space<semaphore_mem>>
        tpu.enqueue_indirect_dma source(%dma_start3A_355 : memref<10000x128xf32, #tpu.memory_space<hbm>>) target(%dma_start3A_349 : memref<40x128xf32, #tpu.memory_space<vmem>>) offsets(%dma_start3A_352 : memref<40xi32, #tpu.memory_space<vmem>>) semaphore(%dma_start3A_357 : memref<!tpu.dma_semaphore, #tpu.memory_space<semaphore_mem>>)
      } else {
      }
      %dma_wait3A_275 = arith.constant 3 : i32
      %dma_wait3A_276 = arith.constant 3 : i32
      %dma_wait3A_277 = arith.constant 0 : i32
      %dma_wait3A_278 = arith.constant 0 : i32
      %dma_wait3A_279 = tpu.memref_slice %arg8[%dma_wait3A_275, %dma_wait3A_277, %dma_wait3A_278] : memref<5x40x128xf32, #tpu.memory_space<vmem>> -> memref<1x40x128xf32, #tpu.memory_space<vmem>>
      %dma_wait3A_280 = tpu.memref_squeeze %dma_wait3A_279 : memref<1x40x128xf32, #tpu.memory_space<vmem>> -> memref<40x128xf32, #tpu.memory_space<vmem>>
      %dma_wait3A_281 = arith.constant 0 : i32
      %dma_wait3A_282 = tpu.memref_slice %arg6[%add3A_267, %dma_wait3A_281] : memref<250x40xi32, #tpu.memory_space<vmem>> -> memref<1x40xi32, #tpu.memory_space<vmem>>
      %dma_wait3A_283 = tpu.memref_squeeze %dma_wait3A_282 : memref<1x40xi32, #tpu.memory_space<vmem>> -> memref<40xi32, #tpu.memory_space<vmem>>
      %dma_wait3A_284 = arith.constant 0 : i32
      %dma_wait3A_285 = arith.constant 0 : i32
      %dma_wait3A_286 = tpu.memref_slice %arg2[%dma_wait3A_284, %dma_wait3A_285] : memref<10000x128xf32, #tpu.memory_space<hbm>> -> memref<10000x128xf32, #tpu.memory_space<hbm>>
      %dma_wait3A_287 = tpu.memref_slice %arg11[%dma_wait3A_276] : memref<5x!tpu.dma_semaphore, #tpu.memory_space<semaphore_mem>> -> memref<1x!tpu.dma_semaphore, #tpu.memory_space<semaphore_mem>>
      %dma_wait3A_288 = tpu.memref_squeeze %dma_wait3A_287 : memref<1x!tpu.dma_semaphore, #tpu.memory_space<semaphore_mem>> -> memref<!tpu.dma_semaphore, #tpu.memory_space<semaphore_mem>>
      tpu.wait_indirect_dma semaphore(%dma_wait3A_288 : memref<!tpu.dma_semaphore, #tpu.memory_space<semaphore_mem>>) src(%dma_wait3A_286 : memref<10000x128xf32, #tpu.memory_space<hbm>>) dst(%dma_wait3A_280 : memref<40x128xf32, #tpu.memory_space<vmem>>)
      %dma_start3A_289 = arith.constant 3 : i32
      %dma_start3A_290 = arith.constant 3 : i32
      %dma_start3A_291 = arith.constant 0 : i32
      %dma_start3A_292 = arith.constant 0 : i32
      %dma_start3A_293 = tpu.memref_slice %arg8[%dma_start3A_289, %dma_start3A_291, %dma_start3A_292] : memref<5x40x128xf32, #tpu.memory_space<vmem>> -> memref<1x40x128xf32, #tpu.memory_space<vmem>>
      %dma_start3A_294 = tpu.memref_squeeze %dma_start3A_293 : memref<1x40x128xf32, #tpu.memory_space<vmem>> -> memref<40x128xf32, #tpu.memory_space<vmem>>
      %dma_start3A_295 = arith.constant 0 : i32
      %dma_start3A_296 = tpu.memref_slice %arg7[%add3A_267, %dma_start3A_295] : memref<250x40xi32, #tpu.memory_space<vmem>> -> memref<1x40xi32, #tpu.memory_space<vmem>>
      %dma_start3A_297 = tpu.memref_squeeze %dma_start3A_296 : memref<1x40xi32, #tpu.memory_space<vmem>> -> memref<40xi32, #tpu.memory_space<vmem>>
      %dma_start3A_298 = arith.constant 0 : i32
      %dma_start3A_299 = arith.constant 0 : i32
      %dma_start3A_300 = tpu.memref_slice %arg10[%dma_start3A_298, %dma_start3A_299] : memref<10000x128xf32, #tpu.memory_space<vmem_shared>> -> memref<10000x128xf32, #tpu.memory_space<vmem_shared>>
      %dma_start3A_301 = tpu.memref_slice %arg12[%dma_start3A_290] : memref<5x!tpu.dma_semaphore, #tpu.memory_space<semaphore_mem>> -> memref<1x!tpu.dma_semaphore, #tpu.memory_space<semaphore_mem>>
      %dma_start3A_302 = tpu.memref_squeeze %dma_start3A_301 : memref<1x!tpu.dma_semaphore, #tpu.memory_space<semaphore_mem>> -> memref<!tpu.dma_semaphore, #tpu.memory_space<semaphore_mem>>
      tpu.enqueue_indirect_dma source(%dma_start3A_294 : memref<40x128xf32, #tpu.memory_space<vmem>>) target(%dma_start3A_300 : memref<10000x128xf32, #tpu.memory_space<vmem_shared>>) offsets(%dma_start3A_297 : memref<40xi32, #tpu.memory_space<vmem>>) semaphore(%dma_start3A_302 : memref<!tpu.dma_semaphore, #tpu.memory_space<semaphore_mem>>) {add = true}
      %add3A_303 = arith.constant 4 : i32
      %add3A_304 = arith.addi %add3A_156, %add3A_303 : i32
      %add3A_305 = arith.constant 3 : i32
      %add3A_306 = arith.addi %add3A_304, %add3A_305 : i32
      %lt3A_307 = arith.constant 250 : i32
      %lt3A_308 = arith.cmpi slt, %add3A_306, %lt3A_307 : i32
      %convert_element_type3A_309 = arith.extui %lt3A_308 : i1 to i32
      %cond3A_310 = arith.constant 0 : i32
      %cond3A_311 = arith.cmpi ne, %convert_element_type3A_309, %cond3A_310 : i32
      scf.if %cond3A_311 {
        %ge3A = arith.constant 5 : i32
        %ge3A_340 = arith.cmpi sge, %add3A_306, %ge3A : i32
        %convert_element_type3A_341 = arith.extui %ge3A_340 : i1 to i32
        %cond3A_342 = arith.constant 0 : i32
        %cond3A_343 = arith.cmpi ne, %convert_element_type3A_341, %cond3A_342 : i32
        scf.if %cond3A_343 {
          %sub3A = arith.constant 5 : i32
          %sub3A_358 = arith.subi %add3A_306, %sub3A : i32
          %dma_wait3A_359 = arith.constant 2 : i32
          %dma_wait3A_360 = arith.constant 2 : i32
          %dma_wait3A_361 = arith.constant 0 : i32
          %dma_wait3A_362 = arith.constant 0 : i32
          %dma_wait3A_363 = tpu.memref_slice %arg8[%dma_wait3A_359, %dma_wait3A_361, %dma_wait3A_362] : memref<5x40x128xf32, #tpu.memory_space<vmem>> -> memref<1x40x128xf32, #tpu.memory_space<vmem>>
          %dma_wait3A_364 = tpu.memref_squeeze %dma_wait3A_363 : memref<1x40x128xf32, #tpu.memory_space<vmem>> -> memref<40x128xf32, #tpu.memory_space<vmem>>
          %dma_wait3A_365 = arith.constant 0 : i32
          %dma_wait3A_366 = tpu.memref_slice %arg7[%sub3A_358, %dma_wait3A_365] : memref<250x40xi32, #tpu.memory_space<vmem>> -> memref<1x40xi32, #tpu.memory_space<vmem>>
          %dma_wait3A_367 = tpu.memref_squeeze %dma_wait3A_366 : memref<1x40xi32, #tpu.memory_space<vmem>> -> memref<40xi32, #tpu.memory_space<vmem>>
          %dma_wait3A_368 = arith.constant 0 : i32
          %dma_wait3A_369 = arith.constant 0 : i32
          %dma_wait3A_370 = tpu.memref_slice %arg10[%dma_wait3A_368, %dma_wait3A_369] : memref<10000x128xf32, #tpu.memory_space<vmem_shared>> -> memref<10000x128xf32, #tpu.memory_space<vmem_shared>>
          %dma_wait3A_371 = tpu.memref_slice %arg12[%dma_wait3A_360] : memref<5x!tpu.dma_semaphore, #tpu.memory_space<semaphore_mem>> -> memref<1x!tpu.dma_semaphore, #tpu.memory_space<semaphore_mem>>
          %dma_wait3A_372 = tpu.memref_squeeze %dma_wait3A_371 : memref<1x!tpu.dma_semaphore, #tpu.memory_space<semaphore_mem>> -> memref<!tpu.dma_semaphore, #tpu.memory_space<semaphore_mem>>
          tpu.wait_indirect_dma semaphore(%dma_wait3A_372 : memref<!tpu.dma_semaphore, #tpu.memory_space<semaphore_mem>>) src(%dma_wait3A_364 : memref<40x128xf32, #tpu.memory_space<vmem>>) dst(%dma_wait3A_370 : memref<10000x128xf32, #tpu.memory_space<vmem_shared>>)
        } else {
        }
        %dma_start3A_344 = arith.constant 2 : i32
        %dma_start3A_345 = arith.constant 2 : i32
        %dma_start3A_346 = arith.constant 0 : i32
        %dma_start3A_347 = arith.constant 0 : i32
        %dma_start3A_348 = tpu.memref_slice %arg8[%dma_start3A_344, %dma_start3A_346, %dma_start3A_347] : memref<5x40x128xf32, #tpu.memory_space<vmem>> -> memref<1x40x128xf32, #tpu.memory_space<vmem>>
        %dma_start3A_349 = tpu.memref_squeeze %dma_start3A_348 : memref<1x40x128xf32, #tpu.memory_space<vmem>> -> memref<40x128xf32, #tpu.memory_space<vmem>>
        %dma_start3A_350 = arith.constant 0 : i32
        %dma_start3A_351 = tpu.memref_slice %arg6[%add3A_306, %dma_start3A_350] : memref<250x40xi32, #tpu.memory_space<vmem>> -> memref<1x40xi32, #tpu.memory_space<vmem>>
        %dma_start3A_352 = tpu.memref_squeeze %dma_start3A_351 : memref<1x40xi32, #tpu.memory_space<vmem>> -> memref<40xi32, #tpu.memory_space<vmem>>
        %dma_start3A_353 = arith.constant 0 : i32
        %dma_start3A_354 = arith.constant 0 : i32
        %dma_start3A_355 = tpu.memref_slice %arg2[%dma_start3A_353, %dma_start3A_354] : memref<10000x128xf32, #tpu.memory_space<hbm>> -> memref<10000x128xf32, #tpu.memory_space<hbm>>
        %dma_start3A_356 = tpu.memref_slice %arg11[%dma_start3A_345] : memref<5x!tpu.dma_semaphore, #tpu.memory_space<semaphore_mem>> -> memref<1x!tpu.dma_semaphore, #tpu.memory_space<semaphore_mem>>
        %dma_start3A_357 = tpu.memref_squeeze %dma_start3A_356 : memref<1x!tpu.dma_semaphore, #tpu.memory_space<semaphore_mem>> -> memref<!tpu.dma_semaphore, #tpu.memory_space<semaphore_mem>>
        tpu.enqueue_indirect_dma source(%dma_start3A_355 : memref<10000x128xf32, #tpu.memory_space<hbm>>) target(%dma_start3A_349 : memref<40x128xf32, #tpu.memory_space<vmem>>) offsets(%dma_start3A_352 : memref<40xi32, #tpu.memory_space<vmem>>) semaphore(%dma_start3A_357 : memref<!tpu.dma_semaphore, #tpu.memory_space<semaphore_mem>>)
      } else {
      }
      %dma_wait3A_312 = arith.constant 4 : i32
      %dma_wait3A_313 = arith.constant 4 : i32
      %dma_wait3A_314 = arith.constant 0 : i32
      %dma_wait3A_315 = arith.constant 0 : i32
      %dma_wait3A_316 = tpu.memref_slice %arg8[%dma_wait3A_312, %dma_wait3A_314, %dma_wait3A_315] : memref<5x40x128xf32, #tpu.memory_space<vmem>> -> memref<1x40x128xf32, #tpu.memory_space<vmem>>
      %dma_wait3A_317 = tpu.memref_squeeze %dma_wait3A_316 : memref<1x40x128xf32, #tpu.memory_space<vmem>> -> memref<40x128xf32, #tpu.memory_space<vmem>>
      %dma_wait3A_318 = arith.constant 0 : i32
      %dma_wait3A_319 = tpu.memref_slice %arg6[%add3A_304, %dma_wait3A_318] : memref<250x40xi32, #tpu.memory_space<vmem>> -> memref<1x40xi32, #tpu.memory_space<vmem>>
      %dma_wait3A_320 = tpu.memref_squeeze %dma_wait3A_319 : memref<1x40xi32, #tpu.memory_space<vmem>> -> memref<40xi32, #tpu.memory_space<vmem>>
      %dma_wait3A_321 = arith.constant 0 : i32
      %dma_wait3A_322 = arith.constant 0 : i32
      %dma_wait3A_323 = tpu.memref_slice %arg2[%dma_wait3A_321, %dma_wait3A_322] : memref<10000x128xf32, #tpu.memory_space<hbm>> -> memref<10000x128xf32, #tpu.memory_space<hbm>>
      %dma_wait3A_324 = tpu.memref_slice %arg11[%dma_wait3A_313] : memref<5x!tpu.dma_semaphore, #tpu.memory_space<semaphore_mem>> -> memref<1x!tpu.dma_semaphore, #tpu.memory_space<semaphore_mem>>
      %dma_wait3A_325 = tpu.memref_squeeze %dma_wait3A_324 : memref<1x!tpu.dma_semaphore, #tpu.memory_space<semaphore_mem>> -> memref<!tpu.dma_semaphore, #tpu.memory_space<semaphore_mem>>
      tpu.wait_indirect_dma semaphore(%dma_wait3A_325 : memref<!tpu.dma_semaphore, #tpu.memory_space<semaphore_mem>>) src(%dma_wait3A_323 : memref<10000x128xf32, #tpu.memory_space<hbm>>) dst(%dma_wait3A_317 : memref<40x128xf32, #tpu.memory_space<vmem>>)
      %dma_start3A_326 = arith.constant 4 : i32
      %dma_start3A_327 = arith.constant 4 : i32
      %dma_start3A_328 = arith.constant 0 : i32
      %dma_start3A_329 = arith.constant 0 : i32
      %dma_start3A_330 = tpu.memref_slice %arg8[%dma_start3A_326, %dma_start3A_328, %dma_start3A_329] : memref<5x40x128xf32, #tpu.memory_space<vmem>> -> memref<1x40x128xf32, #tpu.memory_space<vmem>>
      %dma_start3A_331 = tpu.memref_squeeze %dma_start3A_330 : memref<1x40x128xf32, #tpu.memory_space<vmem>> -> memref<40x128xf32, #tpu.memory_space<vmem>>
      %dma_start3A_332 = arith.constant 0 : i32
      %dma_start3A_333 = tpu.memref_slice %arg7[%add3A_304, %dma_start3A_332] : memref<250x40xi32, #tpu.memory_space<vmem>> -> memref<1x40xi32, #tpu.memory_space<vmem>>
      %dma_start3A_334 = tpu.memref_squeeze %dma_start3A_333 : memref<1x40xi32, #tpu.memory_space<vmem>> -> memref<40xi32, #tpu.memory_space<vmem>>
      %dma_start3A_335 = arith.constant 0 : i32
      %dma_start3A_336 = arith.constant 0 : i32
      %dma_start3A_337 = tpu.memref_slice %arg10[%dma_start3A_335, %dma_start3A_336] : memref<10000x128xf32, #tpu.memory_space<vmem_shared>> -> memref<10000x128xf32, #tpu.memory_space<vmem_shared>>
      %dma_start3A_338 = tpu.memref_slice %arg12[%dma_start3A_327] : memref<5x!tpu.dma_semaphore, #tpu.memory_space<semaphore_mem>> -> memref<1x!tpu.dma_semaphore, #tpu.memory_space<semaphore_mem>>
      %dma_start3A_339 = tpu.memref_squeeze %dma_start3A_338 : memref<1x!tpu.dma_semaphore, #tpu.memory_space<semaphore_mem>> -> memref<!tpu.dma_semaphore, #tpu.memory_space<semaphore_mem>>
      tpu.enqueue_indirect_dma source(%dma_start3A_331 : memref<40x128xf32, #tpu.memory_space<vmem>>) target(%dma_start3A_337 : memref<10000x128xf32, #tpu.memory_space<vmem_shared>>) offsets(%dma_start3A_334 : memref<40xi32, #tpu.memory_space<vmem>>) semaphore(%dma_start3A_339 : memref<!tpu.dma_semaphore, #tpu.memory_space<semaphore_mem>>) {add = true}
    }
    %scan3A_66 = arith.constant 50 : i32
    %dma_wait3A = arith.constant 0 : i32
    %dma_wait3A_67 = arith.constant 245 : i32
    %dma_wait3A_68 = arith.constant 0 : i32
    %dma_wait3A_69 = arith.constant 0 : i32
    %dma_wait3A_70 = arith.constant 0 : i32
    %dma_wait3A_71 = tpu.memref_slice %arg8[%dma_wait3A, %dma_wait3A_69, %dma_wait3A_70] : memref<5x40x128xf32, #tpu.memory_space<vmem>> -> memref<1x40x128xf32, #tpu.memory_space<vmem>>
    %dma_wait3A_72 = tpu.memref_squeeze %dma_wait3A_71 : memref<1x40x128xf32, #tpu.memory_space<vmem>> -> memref<40x128xf32, #tpu.memory_space<vmem>>
    %dma_wait3A_73 = arith.constant 0 : i32
    %dma_wait3A_74 = tpu.memref_slice %arg7[%dma_wait3A_67, %dma_wait3A_73] : memref<250x40xi32, #tpu.memory_space<vmem>> -> memref<1x40xi32, #tpu.memory_space<vmem>>
    %dma_wait3A_75 = tpu.memref_squeeze %dma_wait3A_74 : memref<1x40xi32, #tpu.memory_space<vmem>> -> memref<40xi32, #tpu.memory_space<vmem>>
    %dma_wait3A_76 = arith.constant 0 : i32
    %dma_wait3A_77 = arith.constant 0 : i32
    %dma_wait3A_78 = tpu.memref_slice %arg10[%dma_wait3A_76, %dma_wait3A_77] : memref<10000x128xf32, #tpu.memory_space<vmem_shared>> -> memref<10000x128xf32, #tpu.memory_space<vmem_shared>>
    %dma_wait3A_79 = tpu.memref_slice %arg12[%dma_wait3A_68] : memref<5x!tpu.dma_semaphore, #tpu.memory_space<semaphore_mem>> -> memref<1x!tpu.dma_semaphore, #tpu.memory_space<semaphore_mem>>
    %dma_wait3A_80 = tpu.memref_squeeze %dma_wait3A_79 : memref<1x!tpu.dma_semaphore, #tpu.memory_space<semaphore_mem>> -> memref<!tpu.dma_semaphore, #tpu.memory_space<semaphore_mem>>
    tpu.wait_indirect_dma semaphore(%dma_wait3A_80 : memref<!tpu.dma_semaphore, #tpu.memory_space<semaphore_mem>>) src(%dma_wait3A_72 : memref<40x128xf32, #tpu.memory_space<vmem>>) dst(%dma_wait3A_78 : memref<10000x128xf32, #tpu.memory_space<vmem_shared>>)
    %dma_wait3A_81 = arith.constant 1 : i32
    %dma_wait3A_82 = arith.constant 246 : i32
    %dma_wait3A_83 = arith.constant 1 : i32
    %dma_wait3A_84 = arith.constant 0 : i32
    %dma_wait3A_85 = arith.constant 0 : i32
    %dma_wait3A_86 = tpu.memref_slice %arg8[%dma_wait3A_81, %dma_wait3A_84, %dma_wait3A_85] : memref<5x40x128xf32, #tpu.memory_space<vmem>> -> memref<1x40x128xf32, #tpu.memory_space<vmem>>
    %dma_wait3A_87 = tpu.memref_squeeze %dma_wait3A_86 : memref<1x40x128xf32, #tpu.memory_space<vmem>> -> memref<40x128xf32, #tpu.memory_space<vmem>>
    %dma_wait3A_88 = arith.constant 0 : i32
    %dma_wait3A_89 = tpu.memref_slice %arg7[%dma_wait3A_82, %dma_wait3A_88] : memref<250x40xi32, #tpu.memory_space<vmem>> -> memref<1x40xi32, #tpu.memory_space<vmem>>
    %dma_wait3A_90 = tpu.memref_squeeze %dma_wait3A_89 : memref<1x40xi32, #tpu.memory_space<vmem>> -> memref<40xi32, #tpu.memory_space<vmem>>
    %dma_wait3A_91 = arith.constant 0 : i32
    %dma_wait3A_92 = arith.constant 0 : i32
    %dma_wait3A_93 = tpu.memref_slice %arg10[%dma_wait3A_91, %dma_wait3A_92] : memref<10000x128xf32, #tpu.memory_space<vmem_shared>> -> memref<10000x128xf32, #tpu.memory_space<vmem_shared>>
    %dma_wait3A_94 = tpu.memref_slice %arg12[%dma_wait3A_83] : memref<5x!tpu.dma_semaphore, #tpu.memory_space<semaphore_mem>> -> memref<1x!tpu.dma_semaphore, #tpu.memory_space<semaphore_mem>>
    %dma_wait3A_95 = tpu.memref_squeeze %dma_wait3A_94 : memref<1x!tpu.dma_semaphore, #tpu.memory_space<semaphore_mem>> -> memref<!tpu.dma_semaphore, #tpu.memory_space<semaphore_mem>>
    tpu.wait_indirect_dma semaphore(%dma_wait3A_95 : memref<!tpu.dma_semaphore, #tpu.memory_space<semaphore_mem>>) src(%dma_wait3A_87 : memref<40x128xf32, #tpu.memory_space<vmem>>) dst(%dma_wait3A_93 : memref<10000x128xf32, #tpu.memory_space<vmem_shared>>)
    %dma_wait3A_96 = arith.constant 2 : i32
    %dma_wait3A_97 = arith.constant 247 : i32
    %dma_wait3A_98 = arith.constant 2 : i32
    %dma_wait3A_99 = arith.constant 0 : i32
    %dma_wait3A_100 = arith.constant 0 : i32
    %dma_wait3A_101 = tpu.memref_slice %arg8[%dma_wait3A_96, %dma_wait3A_99, %dma_wait3A_100] : memref<5x40x128xf32, #tpu.memory_space<vmem>> -> memref<1x40x128xf32, #tpu.memory_space<vmem>>
    %dma_wait3A_102 = tpu.memref_squeeze %dma_wait3A_101 : memref<1x40x128xf32, #tpu.memory_space<vmem>> -> memref<40x128xf32, #tpu.memory_space<vmem>>
    %dma_wait3A_103 = arith.constant 0 : i32
    %dma_wait3A_104 = tpu.memref_slice %arg7[%dma_wait3A_97, %dma_wait3A_103] : memref<250x40xi32, #tpu.memory_space<vmem>> -> memref<1x40xi32, #tpu.memory_space<vmem>>
    %dma_wait3A_105 = tpu.memref_squeeze %dma_wait3A_104 : memref<1x40xi32, #tpu.memory_space<vmem>> -> memref<40xi32, #tpu.memory_space<vmem>>
    %dma_wait3A_106 = arith.constant 0 : i32
    %dma_wait3A_107 = arith.constant 0 : i32
    %dma_wait3A_108 = tpu.memref_slice %arg10[%dma_wait3A_106, %dma_wait3A_107] : memref<10000x128xf32, #tpu.memory_space<vmem_shared>> -> memref<10000x128xf32, #tpu.memory_space<vmem_shared>>
    %dma_wait3A_109 = tpu.memref_slice %arg12[%dma_wait3A_98] : memref<5x!tpu.dma_semaphore, #tpu.memory_space<semaphore_mem>> -> memref<1x!tpu.dma_semaphore, #tpu.memory_space<semaphore_mem>>
    %dma_wait3A_110 = tpu.memref_squeeze %dma_wait3A_109 : memref<1x!tpu.dma_semaphore, #tpu.memory_space<semaphore_mem>> -> memref<!tpu.dma_semaphore, #tpu.memory_space<semaphore_mem>>
    tpu.wait_indirect_dma semaphore(%dma_wait3A_110 : memref<!tpu.dma_semaphore, #tpu.memory_space<semaphore_mem>>) src(%dma_wait3A_102 : memref<40x128xf32, #tpu.memory_space<vmem>>) dst(%dma_wait3A_108 : memref<10000x128xf32, #tpu.memory_space<vmem_shared>>)
    %dma_wait3A_111 = arith.constant 3 : i32
    %dma_wait3A_112 = arith.constant 248 : i32
    %dma_wait3A_113 = arith.constant 3 : i32
    %dma_wait3A_114 = arith.constant 0 : i32
    %dma_wait3A_115 = arith.constant 0 : i32
    %dma_wait3A_116 = tpu.memref_slice %arg8[%dma_wait3A_111, %dma_wait3A_114, %dma_wait3A_115] : memref<5x40x128xf32, #tpu.memory_space<vmem>> -> memref<1x40x128xf32, #tpu.memory_space<vmem>>
    %dma_wait3A_117 = tpu.memref_squeeze %dma_wait3A_116 : memref<1x40x128xf32, #tpu.memory_space<vmem>> -> memref<40x128xf32, #tpu.memory_space<vmem>>
    %dma_wait3A_118 = arith.constant 0 : i32
    %dma_wait3A_119 = tpu.memref_slice %arg7[%dma_wait3A_112, %dma_wait3A_118] : memref<250x40xi32, #tpu.memory_space<vmem>> -> memref<1x40xi32, #tpu.memory_space<vmem>>
    %dma_wait3A_120 = tpu.memref_squeeze %dma_wait3A_119 : memref<1x40xi32, #tpu.memory_space<vmem>> -> memref<40xi32, #tpu.memory_space<vmem>>
    %dma_wait3A_121 = arith.constant 0 : i32
    %dma_wait3A_122 = arith.constant 0 : i32
    %dma_wait3A_123 = tpu.memref_slice %arg10[%dma_wait3A_121, %dma_wait3A_122] : memref<10000x128xf32, #tpu.memory_space<vmem_shared>> -> memref<10000x128xf32, #tpu.memory_space<vmem_shared>>
    %dma_wait3A_124 = tpu.memref_slice %arg12[%dma_wait3A_113] : memref<5x!tpu.dma_semaphore, #tpu.memory_space<semaphore_mem>> -> memref<1x!tpu.dma_semaphore, #tpu.memory_space<semaphore_mem>>
    %dma_wait3A_125 = tpu.memref_squeeze %dma_wait3A_124 : memref<1x!tpu.dma_semaphore, #tpu.memory_space<semaphore_mem>> -> memref<!tpu.dma_semaphore, #tpu.memory_space<semaphore_mem>>
    tpu.wait_indirect_dma semaphore(%dma_wait3A_125 : memref<!tpu.dma_semaphore, #tpu.memory_space<semaphore_mem>>) src(%dma_wait3A_117 : memref<40x128xf32, #tpu.memory_space<vmem>>) dst(%dma_wait3A_123 : memref<10000x128xf32, #tpu.memory_space<vmem_shared>>)
    %dma_wait3A_126 = arith.constant 4 : i32
    %dma_wait3A_127 = arith.constant 249 : i32
    %dma_wait3A_128 = arith.constant 4 : i32
    %dma_wait3A_129 = arith.constant 0 : i32
    %dma_wait3A_130 = arith.constant 0 : i32
    %dma_wait3A_131 = tpu.memref_slice %arg8[%dma_wait3A_126, %dma_wait3A_129, %dma_wait3A_130] : memref<5x40x128xf32, #tpu.memory_space<vmem>> -> memref<1x40x128xf32, #tpu.memory_space<vmem>>
    %dma_wait3A_132 = tpu.memref_squeeze %dma_wait3A_131 : memref<1x40x128xf32, #tpu.memory_space<vmem>> -> memref<40x128xf32, #tpu.memory_space<vmem>>
    %dma_wait3A_133 = arith.constant 0 : i32
    %dma_wait3A_134 = tpu.memref_slice %arg7[%dma_wait3A_127, %dma_wait3A_133] : memref<250x40xi32, #tpu.memory_space<vmem>> -> memref<1x40xi32, #tpu.memory_space<vmem>>
    %dma_wait3A_135 = tpu.memref_squeeze %dma_wait3A_134 : memref<1x40xi32, #tpu.memory_space<vmem>> -> memref<40xi32, #tpu.memory_space<vmem>>
    %dma_wait3A_136 = arith.constant 0 : i32
    %dma_wait3A_137 = arith.constant 0 : i32
    %dma_wait3A_138 = tpu.memref_slice %arg10[%dma_wait3A_136, %dma_wait3A_137] : memref<10000x128xf32, #tpu.memory_space<vmem_shared>> -> memref<10000x128xf32, #tpu.memory_space<vmem_shared>>
    %dma_wait3A_139 = tpu.memref_slice %arg12[%dma_wait3A_128] : memref<5x!tpu.dma_semaphore, #tpu.memory_space<semaphore_mem>> -> memref<1x!tpu.dma_semaphore, #tpu.memory_space<semaphore_mem>>
    %dma_wait3A_140 = tpu.memref_squeeze %dma_wait3A_139 : memref<1x!tpu.dma_semaphore, #tpu.memory_space<semaphore_mem>> -> memref<!tpu.dma_semaphore, #tpu.memory_space<semaphore_mem>>
    tpu.wait_indirect_dma semaphore(%dma_wait3A_140 : memref<!tpu.dma_semaphore, #tpu.memory_space<semaphore_mem>>) src(%dma_wait3A_132 : memref<40x128xf32, #tpu.memory_space<vmem>>) dst(%dma_wait3A_138 : memref<10000x128xf32, #tpu.memory_space<vmem_shared>>)
    %barrier3A_141 = arith.constant 0 : index
    tpu.barrier barrier_id(%barrier3A_141)
    %while3A_142 = arith.constant 0 : i32
    %while3A_143 = arith.constant 0 : i32
    %while3A_144 = arith.subi %select_n3A, %while3A_143 : i32
    %while3A_145 = arith.addi %while3A_143, %while3A_144 : i32
    %while3A_146 = arith.constant 1 : i32
    %while3A_147 = arith.divsi %while3A_144, %while3A_146 : i32
    %while3A_148 = arith.muli %while3A_147, %while3A_146 : i32
    %while3A_149 = arith.addi %while3A_143, %while3A_148 : i32
    %while3A_150 = arith.constant 1 : i32
    scf.for %while3A_152 = %while3A_143 to %while3A_149 step %while3A_150  : i32 {
      %mul3A_153 = arith.constant 16 : i32
      %mul3A_154 = arith.muli %while3A_152, %mul3A_153 : i32
      %add3A_155 = arith.addi %arg1, %mul3A_154 : i32
      %mul3A_156 = arith.constant 40 : i32
      %mul3A_157 = arith.muli %add3A_155, %mul3A_156 : i32
      "tpu.region"() ({
        %run_scoped3A = tpu.sem_alloc : memref<!tpu.dma_semaphore, #tpu.memory_space<semaphore_mem>>
        %dma_start3A_158 = arith.constant 0 : i32
        %dma_start3A_159 = tpu.memref_slice %arg10[%mul3A_157, %dma_start3A_158] : memref<10000x128xf32, #tpu.memory_space<vmem_shared>> -> memref<40x128xf32, #tpu.memory_space<vmem_shared>>
        %dma_start3A_160 = arith.constant 0 : i32
        %dma_start3A_161 = tpu.memref_slice %arg10[%mul3A_157, %dma_start3A_160] : memref<10000x128xf32, #tpu.memory_space<vmem_shared>> -> memref<40x128xf32, #tpu.memory_space<vmem_shared>>
        tpu.enqueue_dma source(%dma_start3A_161 : memref<40x128xf32, #tpu.memory_space<vmem_shared>>) target(%arg9 : memref<40x128xf32, #tpu.memory_space<vmem>>) target_semaphore(%run_scoped3A : memref<!tpu.dma_semaphore, #tpu.memory_space<semaphore_mem>>)
        %dma_wait3A_162 = arith.constant 0 : i32
        %dma_wait3A_163 = tpu.memref_slice %arg10[%mul3A_157, %dma_wait3A_162] : memref<10000x128xf32, #tpu.memory_space<vmem_shared>> -> memref<40x128xf32, #tpu.memory_space<vmem_shared>>
        %dma_wait3A_164 = arith.constant 0 : i32
        %dma_wait3A_165 = tpu.memref_slice %arg10[%mul3A_157, %dma_wait3A_164] : memref<10000x128xf32, #tpu.memory_space<vmem_shared>> -> memref<40x128xf32, #tpu.memory_space<vmem_shared>>
        tpu.wait_dma2 semaphore(%run_scoped3A : memref<!tpu.dma_semaphore, #tpu.memory_space<semaphore_mem>>) src(%dma_wait3A_165 : memref<40x128xf32, #tpu.memory_space<vmem_shared>>) dst(%arg9 : memref<40x128xf32, #tpu.memory_space<vmem>>)
        tpu.yield
      }) : () -> ()
      "tpu.region"() ({
        %run_scoped3A = tpu.sem_alloc : memref<!tpu.dma_semaphore, #tpu.memory_space<semaphore_mem>>
        %dma_start3A_158 = arith.constant 0 : i32
        %dma_start3A_159 = tpu.memref_slice %arg5[%arg0, %mul3A_157, %dma_start3A_158] : memref<2x10000x128xf32, #tpu.memory_space<hbm>> -> memref<1x40x128xf32, #tpu.memory_space<hbm>>
        %dma_start3A_160 = tpu.memref_squeeze %dma_start3A_159 : memref<1x40x128xf32, #tpu.memory_space<hbm>> -> memref<40x128xf32, #tpu.memory_space<hbm>>
        %dma_start3A_161 = arith.constant 0 : i32
        %dma_start3A_162 = tpu.memref_slice %arg5[%arg0, %mul3A_157, %dma_start3A_161] : memref<2x10000x128xf32, #tpu.memory_space<hbm>> -> memref<1x40x128xf32, #tpu.memory_space<hbm>>
        %dma_start3A_163 = tpu.memref_squeeze %dma_start3A_162 : memref<1x40x128xf32, #tpu.memory_space<hbm>> -> memref<40x128xf32, #tpu.memory_space<hbm>>
        tpu.enqueue_dma source(%arg9 : memref<40x128xf32, #tpu.memory_space<vmem>>) target(%dma_start3A_163 : memref<40x128xf32, #tpu.memory_space<hbm>>) target_semaphore(%run_scoped3A : memref<!tpu.dma_semaphore, #tpu.memory_space<semaphore_mem>>)
        %dma_wait3A_164 = arith.constant 0 : i32
        %dma_wait3A_165 = tpu.memref_slice %arg5[%arg0, %mul3A_157, %dma_wait3A_164] : memref<2x10000x128xf32, #tpu.memory_space<hbm>> -> memref<1x40x128xf32, #tpu.memory_space<hbm>>
        %dma_wait3A_166 = tpu.memref_squeeze %dma_wait3A_165 : memref<1x40x128xf32, #tpu.memory_space<hbm>> -> memref<40x128xf32, #tpu.memory_space<hbm>>
        %dma_wait3A_167 = arith.constant 0 : i32
        %dma_wait3A_168 = tpu.memref_slice %arg5[%arg0, %mul3A_157, %dma_wait3A_167] : memref<2x10000x128xf32, #tpu.memory_space<hbm>> -> memref<1x40x128xf32, #tpu.memory_space<hbm>>
        %dma_wait3A_169 = tpu.memref_squeeze %dma_wait3A_168 : memref<1x40x128xf32, #tpu.memory_space<hbm>> -> memref<40x128xf32, #tpu.memory_space<hbm>>
        tpu.wait_dma2 semaphore(%run_scoped3A : memref<!tpu.dma_semaphore, #tpu.memory_space<semaphore_mem>>) src(%arg9 : memref<40x128xf32, #tpu.memory_space<vmem>>) dst(%dma_wait3A_169 : memref<40x128xf32, #tpu.memory_space<hbm>>)
        tpu.yield
      }) : () -> ()
    }
    %while3A_151 = arith.constant 1 : i32
    scf.for %while3A_152 = %while3A_149 to %while3A_145 step %while3A_151  : i32 {
      %mul3A_153 = arith.constant 16 : i32
      %mul3A_154 = arith.muli %while3A_152, %mul3A_153 : i32
      %add3A_155 = arith.addi %arg1, %mul3A_154 : i32
      %mul3A_156 = arith.constant 40 : i32
      %mul3A_157 = arith.muli %add3A_155, %mul3A_156 : i32
      "tpu.region"() ({
        %run_scoped3A = tpu.sem_alloc : memref<!tpu.dma_semaphore, #tpu.memory_space<semaphore_mem>>
        %dma_start3A_158 = arith.constant 0 : i32
        %dma_start3A_159 = tpu.memref_slice %arg10[%mul3A_157, %dma_start3A_158] : memref<10000x128xf32, #tpu.memory_space<vmem_shared>> -> memref<40x128xf32, #tpu.memory_space<vmem_shared>>
        %dma_start3A_160 = arith.constant 0 : i32
        %dma_start3A_161 = tpu.memref_slice %arg10[%mul3A_157, %dma_start3A_160] : memref<10000x128xf32, #tpu.memory_space<vmem_shared>> -> memref<40x128xf32, #tpu.memory_space<vmem_shared>>
        tpu.enqueue_dma source(%dma_start3A_161 : memref<40x128xf32, #tpu.memory_space<vmem_shared>>) target(%arg9 : memref<40x128xf32, #tpu.memory_space<vmem>>) target_semaphore(%run_scoped3A : memref<!tpu.dma_semaphore, #tpu.memory_space<semaphore_mem>>)
        %dma_wait3A_162 = arith.constant 0 : i32
        %dma_wait3A_163 = tpu.memref_slice %arg10[%mul3A_157, %dma_wait3A_162] : memref<10000x128xf32, #tpu.memory_space<vmem_shared>> -> memref<40x128xf32, #tpu.memory_space<vmem_shared>>
        %dma_wait3A_164 = arith.constant 0 : i32
        %dma_wait3A_165 = tpu.memref_slice %arg10[%mul3A_157, %dma_wait3A_164] : memref<10000x128xf32, #tpu.memory_space<vmem_shared>> -> memref<40x128xf32, #tpu.memory_space<vmem_shared>>
        tpu.wait_dma2 semaphore(%run_scoped3A : memref<!tpu.dma_semaphore, #tpu.memory_space<semaphore_mem>>) src(%dma_wait3A_165 : memref<40x128xf32, #tpu.memory_space<vmem_shared>>) dst(%arg9 : memref<40x128xf32, #tpu.memory_space<vmem>>)
        tpu.yield
      }) : () -> ()
      "tpu.region"() ({
        %run_scoped3A = tpu.sem_alloc : memref<!tpu.dma_semaphore, #tpu.memory_space<semaphore_mem>>
        %dma_start3A_158 = arith.constant 0 : i32
        %dma_start3A_159 = tpu.memref_slice %arg5[%arg0, %mul3A_157, %dma_start3A_158] : memref<2x10000x128xf32, #tpu.memory_space<hbm>> -> memref<1x40x128xf32, #tpu.memory_space<hbm>>
        %dma_start3A_160 = tpu.memref_squeeze %dma_start3A_159 : memref<1x40x128xf32, #tpu.memory_space<hbm>> -> memref<40x128xf32, #tpu.memory_space<hbm>>
        %dma_start3A_161 = arith.constant 0 : i32
        %dma_start3A_162 = tpu.memref_slice %arg5[%arg0, %mul3A_157, %dma_start3A_161] : memref<2x10000x128xf32, #tpu.memory_space<hbm>> -> memref<1x40x128xf32, #tpu.memory_space<hbm>>
        %dma_start3A_163 = tpu.memref_squeeze %dma_start3A_162 : memref<1x40x128xf32, #tpu.memory_space<hbm>> -> memref<40x128xf32, #tpu.memory_space<hbm>>
        tpu.enqueue_dma source(%arg9 : memref<40x128xf32, #tpu.memory_space<vmem>>) target(%dma_start3A_163 : memref<40x128xf32, #tpu.memory_space<hbm>>) target_semaphore(%run_scoped3A : memref<!tpu.dma_semaphore, #tpu.memory_space<semaphore_mem>>)
        %dma_wait3A_164 = arith.constant 0 : i32
        %dma_wait3A_165 = tpu.memref_slice %arg5[%arg0, %mul3A_157, %dma_wait3A_164] : memref<2x10000x128xf32, #tpu.memory_space<hbm>> -> memref<1x40x128xf32, #tpu.memory_space<hbm>>
        %dma_wait3A_166 = tpu.memref_squeeze %dma_wait3A_165 : memref<1x40x128xf32, #tpu.memory_space<hbm>> -> memref<40x128xf32, #tpu.memory_space<hbm>>
        %dma_wait3A_167 = arith.constant 0 : i32
        %dma_wait3A_168 = tpu.memref_slice %arg5[%arg0, %mul3A_157, %dma_wait3A_167] : memref<2x10000x128xf32, #tpu.memory_space<hbm>> -> memref<1x40x128xf32, #tpu.memory_space<hbm>>
        %dma_wait3A_169 = tpu.memref_squeeze %dma_wait3A_168 : memref<1x40x128xf32, #tpu.memory_space<hbm>> -> memref<40x128xf32, #tpu.memory_space<hbm>>
        tpu.wait_dma2 semaphore(%run_scoped3A : memref<!tpu.dma_semaphore, #tpu.memory_space<semaphore_mem>>) src(%arg9 : memref<40x128xf32, #tpu.memory_space<vmem>>) dst(%dma_wait3A_169 : memref<40x128xf32, #tpu.memory_space<hbm>>)
        tpu.yield
      }) : () -> ()
    }
    return
  }
}

module attributes {stable_mosaic.version = 14 : i64} {
  func.func @_mm1_body(%arg0: i32, %arg1: memref<5000x128xf32, #tpu.memory_space<vmem>>, %arg2: memref<128x128xf32, #tpu.memory_space<vmem>>, %arg3: memref<5000x128xf32, #tpu.memory_space<vmem>>) attributes {dimension_semantics = [#tpu.dimension_semantics<arbitrary>], iteration_bounds = array<i64: 2>, scalar_prefetch = 0 : i64, scratch_operands = 0 : i64, tpu.core_type = #tpu.core_type<tc>, window_params = [{transform_indices = @transform_0, window_bounds = array<i64: 5000, 128>}, {pipeline_mode = #tpu.pipeline_mode<synchronous>, transform_indices = @transform_1, window_bounds = array<i64: 128, 128>}, {transform_indices = @transform_2, window_bounds = array<i64: 5000, 128>}]} {
    %get3A = arith.constant 0 : index
    %get3A_0 = arith.constant 0 : index
    %get3A_1 = vector.load %arg1[%get3A, %get3A_0] : memref<5000x128xf32, #tpu.memory_space<vmem>>, vector<5000x128xf32>
    %get3A_2 = arith.constant 0 : index
    %get3A_3 = arith.constant 0 : index
    %get3A_4 = vector.load %arg2[%get3A_2, %get3A_3] : memref<128x128xf32, #tpu.memory_space<vmem>>, vector<128x128xf32>
    %dot_general3A = arith.constant dense<0.000000e+00> : vector<5000x128xf32>
    %dot_general3A_5 = tpu.matmul %get3A_1, %get3A_4, %dot_general3A {dimension_numbers = #tpu.dot_dimension_numbers<[1], [0], [0], [1], [0, 0, 1, 1], [], []>, transpose_lhs_hint = false} : vector<5000x128xf32>, vector<128x128xf32>, vector<5000x128xf32> -> vector<5000x128xf32>
    %swap3A = arith.constant 0 : index
    %swap3A_6 = arith.constant 0 : index
    %swap3A_7 = vector.load %arg3[%swap3A, %swap3A_6] : memref<5000x128xf32, #tpu.memory_space<vmem>>, vector<5000x128xf32>
    tpu.vector_store %arg3[%swap3A, %swap3A_6], %dot_general3A_5 {strides = array<i32>} : memref<5000x128xf32, #tpu.memory_space<vmem>>, vector<5000x128xf32>,
    return
  }
  func.func @transform_0(%arg0: i32) -> (i32, i32) {
    %c0_i32 = arith.constant 0 : i32
    %c0_i32_0 = arith.constant 0 : i32
    return %arg0, %c0_i32 : i32, i32
  }
  func.func @transform_1(%arg0: i32) -> (i32, i32) {
    %c0_i32 = arith.constant 0 : i32
    %c0_i32_0 = arith.constant 0 : i32
    %c0_i32_1 = arith.constant 0 : i32
    return %c0_i32, %c0_i32_0 : i32, i32
  }
  func.func @transform_2(%arg0: i32) -> (i32, i32) {
    %c0_i32 = arith.constant 0 : i32
    %c0_i32_0 = arith.constant 0 : i32
    return %arg0, %c0_i32 : i32, i32
  }
}

module attributes {stable_mosaic.version = 14 : i64} {
  func.func @_scale1_body(%arg0: i32, %arg1: memref<2x5000x1xf32, #tpu.memory_space<vmem>>, %arg2: memref<5000x128xf32, #tpu.memory_space<vmem>>, %arg3: memref<5000x128xf32, #tpu.memory_space<vmem>>, %arg4: memref<5000x1xf32, #tpu.memory_space<vmem>>) attributes {dimension_semantics = [#tpu.dimension_semantics<arbitrary>], iteration_bounds = array<i64: 2>, scalar_prefetch = 0 : i64, scratch_operands = 0 : i64, tpu.core_type = #tpu.core_type<tc>, window_params = [{transform_indices = @transform_0, window_bounds = array<i64: 2, 5000, 1>}, {transform_indices = @transform_1, window_bounds = array<i64: 5000, 128>}, {transform_indices = @transform_2, window_bounds = array<i64: 5000, 128>}, {transform_indices = @transform_3, window_bounds = array<i64: 5000, 1>}]} {
    %get3A = arith.constant 0 : index
    %get3A_0 = arith.constant 0 : index
    %get3A_1 = arith.constant 0 : index
    %get3A_2 = vector.load %arg1[%get3A, %get3A_0, %get3A_1] : memref<2x5000x1xf32, #tpu.memory_space<vmem>>, vector<2x5000x1xf32>
    %reduce_sum3A = arith.constant dense<0.000000e+00> : vector<5000x1xf32>
    %reduce_sum3A_3 = vector.multi_reduction <add>, %get3A_2, %reduce_sum3A [0] : vector<2x5000x1xf32> to vector<5000x1xf32>
    %max3A = arith.constant 1.000000e+00 : f32
    %max3A_4 = vector.broadcast %max3A : f32 to vector<5000x1xf32>
    %max3A_5 = arith.maximumf %reduce_sum3A_3, %max3A_4 : vector<5000x1xf32>
    %rsqrt3A = math.rsqrt %max3A_5 : vector<5000x1xf32>
    %swap3A = arith.constant 0 : index
    %swap3A_6 = arith.constant 0 : index
    %swap3A_7 = vector.load %arg4[%swap3A, %swap3A_6] : memref<5000x1xf32, #tpu.memory_space<vmem>>, vector<5000x1xf32>
    tpu.vector_store %arg4[%swap3A, %swap3A_6], %rsqrt3A {strides = array<i32>} : memref<5000x1xf32, #tpu.memory_space<vmem>>, vector<5000x1xf32>,
    %get3A_8 = arith.constant 0 : index
    %get3A_9 = arith.constant 0 : index
    %get3A_10 = vector.load %arg2[%get3A_8, %get3A_9] : memref<5000x128xf32, #tpu.memory_space<vmem>>, vector<5000x128xf32>
    %mul3A = vector.broadcast %rsqrt3A : vector<5000x1xf32> to vector<5000x128xf32>
    %mul3A_11 = arith.mulf %get3A_10, %mul3A : vector<5000x128xf32>
    %swap3A_12 = arith.constant 0 : index
    %swap3A_13 = arith.constant 0 : index
    %swap3A_14 = vector.load %arg3[%swap3A_12, %swap3A_13] : memref<5000x128xf32, #tpu.memory_space<vmem>>, vector<5000x128xf32>
    tpu.vector_store %arg3[%swap3A_12, %swap3A_13], %mul3A_11 {strides = array<i32>} : memref<5000x128xf32, #tpu.memory_space<vmem>>, vector<5000x128xf32>,
    return
  }
  func.func @transform_0(%arg0: i32) -> (i32, i32, i32) {
    %c0_i32 = arith.constant 0 : i32
    %c0_i32_0 = arith.constant 0 : i32
    %c0_i32_1 = arith.constant 0 : i32
    return %c0_i32, %arg0, %c0_i32_0 : i32, i32, i32
  }
  func.func @transform_1(%arg0: i32) -> (i32, i32) {
    %c0_i32 = arith.constant 0 : i32
    %c0_i32_0 = arith.constant 0 : i32
    return %arg0, %c0_i32 : i32, i32
  }
  func.func @transform_2(%arg0: i32) -> (i32, i32) {
    %c0_i32 = arith.constant 0 : i32
    %c0_i32_0 = arith.constant 0 : i32
    return %arg0, %c0_i32 : i32, i32
  }
  func.func @transform_3(%arg0: i32) -> (i32, i32) {
    %c0_i32 = arith.constant 0 : i32
    %c0_i32_0 = arith.constant 0 : i32
    return %arg0, %c0_i32 : i32, i32
  }
}

module attributes {stable_mosaic.version = 14 : i64} {
  func.func @_enc2_body(%arg0: i32, %arg1: memref<2x5000x128xf32, #tpu.memory_space<vmem>>, %arg2: memref<5000x1xf32, #tpu.memory_space<vmem>>, %arg3: memref<128x128xf32, #tpu.memory_space<vmem>>, %arg4: memref<5000x128xf32, #tpu.memory_space<vmem>>) attributes {dimension_semantics = [#tpu.dimension_semantics<arbitrary>], iteration_bounds = array<i64: 2>, scalar_prefetch = 0 : i64, scratch_operands = 0 : i64, tpu.core_type = #tpu.core_type<tc>, window_params = [{transform_indices = @transform_0, window_bounds = array<i64: 2, 5000, 128>}, {transform_indices = @transform_1, window_bounds = array<i64: 5000, 1>}, {pipeline_mode = #tpu.pipeline_mode<synchronous>, transform_indices = @transform_2, window_bounds = array<i64: 128, 128>}, {transform_indices = @transform_3, window_bounds = array<i64: 5000, 128>}]} {
    %get3A = arith.constant 0 : index
    %get3A_0 = arith.constant 0 : index
    %get3A_1 = vector.load %arg2[%get3A, %get3A_0] : memref<5000x1xf32, #tpu.memory_space<vmem>>, vector<5000x1xf32>
    %get3A_2 = arith.constant 0 : index
    %get3A_3 = arith.constant 0 : index
    %get3A_4 = arith.constant 0 : index
    %get3A_5 = vector.load %arg1[%get3A_2, %get3A_3, %get3A_4] : memref<2x5000x128xf32, #tpu.memory_space<vmem>>, vector<1x5000x128xf32>
    %get3A_6 = vector.shape_cast %get3A_5 : vector<1x5000x128xf32> to vector<5000x128xf32>
    %get3A_7 = arith.constant 1 : index
    %get3A_8 = arith.constant 0 : index
    %get3A_9 = arith.constant 0 : index
    %get3A_10 = vector.load %arg1[%get3A_7, %get3A_8, %get3A_9] : memref<2x5000x128xf32, #tpu.memory_space<vmem>>, vector<1x5000x128xf32>
    %get3A_11 = vector.shape_cast %get3A_10 : vector<1x5000x128xf32> to vector<5000x128xf32>
    %add3A = arith.addf %get3A_6, %get3A_11 : vector<5000x128xf32>
    %mul3A = vector.broadcast %get3A_1 : vector<5000x1xf32> to vector<5000x128xf32>
    %mul3A_12 = arith.mulf %add3A, %mul3A : vector<5000x128xf32>
    %max3A = arith.constant 0.000000e+00 : f32
    %max3A_13 = vector.broadcast %max3A : f32 to vector<5000x128xf32>
    %max3A_14 = arith.maximumf %mul3A_12, %max3A_13 : vector<5000x128xf32>
    %get3A_15 = arith.constant 0 : index
    %get3A_16 = arith.constant 0 : index
    %get3A_17 = vector.load %arg3[%get3A_15, %get3A_16] : memref<128x128xf32, #tpu.memory_space<vmem>>, vector<128x128xf32>
    %dot_general3A = arith.constant dense<0.000000e+00> : vector<5000x128xf32>
    %dot_general3A_18 = tpu.matmul %max3A_14, %get3A_17, %dot_general3A {dimension_numbers = #tpu.dot_dimension_numbers<[1], [0], [0], [1], [0, 0, 1, 1], [], []>, transpose_lhs_hint = false} : vector<5000x128xf32>, vector<128x128xf32>, vector<5000x128xf32> -> vector<5000x128xf32>
    %mul3A_19 = vector.broadcast %get3A_1 : vector<5000x1xf32> to vector<5000x128xf32>
    %mul3A_20 = arith.mulf %dot_general3A_18, %mul3A_19 : vector<5000x128xf32>
    %swap3A = arith.constant 0 : index
    %swap3A_21 = arith.constant 0 : index
    %swap3A_22 = vector.load %arg4[%swap3A, %swap3A_21] : memref<5000x128xf32, #tpu.memory_space<vmem>>, vector<5000x128xf32>
    tpu.vector_store %arg4[%swap3A, %swap3A_21], %mul3A_20 {strides = array<i32>} : memref<5000x128xf32, #tpu.memory_space<vmem>>, vector<5000x128xf32>,
    return
  }
  func.func @transform_0(%arg0: i32) -> (i32, i32, i32) {
    %c0_i32 = arith.constant 0 : i32
    %c0_i32_0 = arith.constant 0 : i32
    %c0_i32_1 = arith.constant 0 : i32
    return %c0_i32, %arg0, %c0_i32_0 : i32, i32, i32
  }
  func.func @transform_1(%arg0: i32) -> (i32, i32) {
    %c0_i32 = arith.constant 0 : i32
    %c0_i32_0 = arith.constant 0 : i32
    return %arg0, %c0_i32 : i32, i32
  }
  func.func @transform_2(%arg0: i32) -> (i32, i32) {
    %c0_i32 = arith.constant 0 : i32
    %c0_i32_0 = arith.constant 0 : i32
    %c0_i32_1 = arith.constant 0 : i32
    return %c0_i32, %c0_i32_0 : i32, i32
  }
  func.func @transform_3(%arg0: i32) -> (i32, i32) {
    %c0_i32 = arith.constant 0 : i32
    %c0_i32_0 = arith.constant 0 : i32
    return %arg0, %c0_i32 : i32, i32
  }
}

module attributes {stable_mosaic.version = 14 : i64} {
  func.func @_dec_body(%arg0: i32, %arg1: memref<2x5000x128xf32, #tpu.memory_space<vmem>>, %arg2: memref<5000x1xf32, #tpu.memory_space<vmem>>, %arg3: memref<5000x64xf32, #tpu.memory_space<vmem>>, %arg4: memref<64x64xf32, #tpu.memory_space<vmem>>, %arg5: memref<1x64xf32, #tpu.memory_space<vmem>>, %arg6: memref<5000x64xf32, #tpu.memory_space<vmem>>) attributes {dimension_semantics = [#tpu.dimension_semantics<arbitrary>], iteration_bounds = array<i64: 2>, scalar_prefetch = 0 : i64, scratch_operands = 0 : i64, tpu.core_type = #tpu.core_type<tc>, window_params = [{transform_indices = @transform_0, window_bounds = array<i64: 2, 5000, 128>}, {transform_indices = @transform_1, window_bounds = array<i64: 5000, 1>}, {transform_indices = @transform_2, window_bounds = array<i64: 5000, 64>}, {pipeline_mode = #tpu.pipeline_mode<synchronous>, transform_indices = @transform_3, window_bounds = array<i64: 64, 64>}, {pipeline_mode = #tpu.pipeline_mode<synchronous>, transform_indices = @transform_4, window_bounds = array<i64: 1, 64>}, {transform_indices = @transform_5, window_bounds = array<i64: 5000, 64>}]} {
    %get3A = arith.constant 0 : index
    %get3A_0 = arith.constant 0 : index
    %get3A_1 = arith.constant 0 : index
    %get3A_2 = vector.load %arg1[%get3A, %get3A_0, %get3A_1] : memref<2x5000x128xf32, #tpu.memory_space<vmem>>, vector<1x5000x128xf32>
    %get3A_3 = vector.shape_cast %get3A_2 : vector<1x5000x128xf32> to vector<5000x128xf32>
    %get3A_4 = arith.constant 1 : index
    %get3A_5 = arith.constant 0 : index
    %get3A_6 = arith.constant 0 : index
    %get3A_7 = vector.load %arg1[%get3A_4, %get3A_5, %get3A_6] : memref<2x5000x128xf32, #tpu.memory_space<vmem>>, vector<1x5000x128xf32>
    %get3A_8 = vector.shape_cast %get3A_7 : vector<1x5000x128xf32> to vector<5000x128xf32>
    %add3A = arith.addf %get3A_3, %get3A_8 : vector<5000x128xf32>
    %get3A_9 = arith.constant 0 : index
    %get3A_10 = arith.constant 0 : index
    %get3A_11 = vector.load %arg2[%get3A_9, %get3A_10] : memref<5000x1xf32, #tpu.memory_space<vmem>>, vector<5000x1xf32>
    %mul3A = vector.broadcast %get3A_11 : vector<5000x1xf32> to vector<5000x128xf32>
    %mul3A_12 = arith.mulf %add3A, %mul3A : vector<5000x128xf32>
    %slice3A = vector.extract_strided_slice %mul3A_12 {offsets = [0, 0], sizes = [5000, 64], strides = [1, 1]} : vector<5000x128xf32> to vector<5000x64xf32>
    %get3A_13 = arith.constant 0 : index
    %get3A_14 = arith.constant 0 : index
    %get3A_15 = vector.load %arg3[%get3A_13, %get3A_14] : memref<5000x64xf32, #tpu.memory_space<vmem>>, vector<5000x64xf32>
    %slice3A_16 = vector.extract_strided_slice %mul3A_12 {offsets = [0, 64], sizes = [5000, 64], strides = [1, 1]} : vector<5000x128xf32> to vector<5000x64xf32>
    %min3A = arith.constant 1.000000e+01 : f32
    %min3A_17 = vector.broadcast %min3A : f32 to vector<5000x64xf32>
    %min3A_18 = arith.minimumf %slice3A_16, %min3A_17 : vector<5000x64xf32>
    %exp3A = math.exp %min3A_18 : vector<5000x64xf32>
    %mul3A_19 = arith.mulf %get3A_15, %exp3A : vector<5000x64xf32>
    %add3A_20 = arith.addf %slice3A, %mul3A_19 : vector<5000x64xf32>
    %get3A_21 = arith.constant 0 : index
    %get3A_22 = arith.constant 0 : index
    %get3A_23 = vector.load %arg4[%get3A_21, %get3A_22] : memref<64x64xf32, #tpu.memory_space<vmem>>, vector<64x64xf32>
    %dot_general3A = arith.constant dense<0.000000e+00> : vector<5000x64xf32>
    %dot_general3A_24 = tpu.matmul %add3A_20, %get3A_23, %dot_general3A {dimension_numbers = #tpu.dot_dimension_numbers<[1], [0], [0], [1], [0, 0, 1, 1], [], []>, transpose_lhs_hint = false} : vector<5000x64xf32>, vector<64x64xf32>, vector<5000x64xf32> -> vector<5000x64xf32>
    %get3A_25 = arith.constant 0 : index
    %get3A_26 = arith.constant 0 : index
    %get3A_27 = vector.load %arg5[%get3A_25, %get3A_26] : memref<1x64xf32, #tpu.memory_space<vmem>>, vector<1x64xf32>
    %add3A_28 = vector.broadcast %get3A_27 : vector<1x64xf32> to vector<5000x64xf32>
    %add3A_29 = arith.addf %dot_general3A_24, %add3A_28 : vector<5000x64xf32>
    %swap3A = arith.constant 0 : index
    %swap3A_30 = arith.constant 0 : index
    %swap3A_31 = vector.load %arg6[%swap3A, %swap3A_30] : memref<5000x64xf32, #tpu.memory_space<vmem>>, vector<5000x64xf32>
    tpu.vector_store %arg6[%swap3A, %swap3A_30], %add3A_29 {strides = array<i32>} : memref<5000x64xf32, #tpu.memory_space<vmem>>, vector<5000x64xf32>,
    return
  }
  func.func @transform_0(%arg0: i32) -> (i32, i32, i32) {
    %c0_i32 = arith.constant 0 : i32
    %c0_i32_0 = arith.constant 0 : i32
    %c0_i32_1 = arith.constant 0 : i32
    return %c0_i32, %arg0, %c0_i32_0 : i32, i32, i32
  }
  func.func @transform_1(%arg0: i32) -> (i32, i32) {
    %c0_i32 = arith.constant 0 : i32
    %c0_i32_0 = arith.constant 0 : i32
    return %arg0, %c0_i32 : i32, i32
  }
  func.func @transform_2(%arg0: i32) -> (i32, i32) {
    %c0_i32 = arith.constant 0 : i32
    %c0_i32_0 = arith.constant 0 : i32
    return %arg0, %c0_i32 : i32, i32
  }
  func.func @transform_3(%arg0: i32) -> (i32, i32) {
    %c0_i32 = arith.constant 0 : i32
    %c0_i32_0 = arith.constant 0 : i32
    %c0_i32_1 = arith.constant 0 : i32
    return %c0_i32, %c0_i32_0 : i32, i32
  }
  func.func @transform_4(%arg0: i32) -> (i32, i32) {
    %c0_i32 = arith.constant 0 : i32
    %c0_i32_0 = arith.constant 0 : i32
    %c0_i32_1 = arith.constant 0 : i32
    return %c0_i32, %c0_i32_0 : i32, i32
  }
  func.func @transform_5(%arg0: i32) -> (i32, i32) {
    %c0_i32 = arith.constant 0 : i32
    %c0_i32_0 = arith.constant 0 : i32
    return %arg0, %c0_i32 : i32, i32
  }
}

</mosaic_0001>

<sc_bundles>
// kernel: kernel.12.cloned.1.call-start
scs
__scs_entry_jumppad:
0x0: {  	(pc) =	sbr.rel $0x88, $3  }
0x1: {  	(tag) =	ssettag $0x0;
	lr =	simm.s32 $0x1  }
0x2: {  	[smem:$0x3F97] =	sst lr;
	_ =	strace $0xD0000000  }
0x3: {  	_ = 	snop  }
0x4: {  	_ = 	snop  }
0x5: {  	_ = 	snop  }
0x6: {  	_ = 	snop  }
0x7: {  	_ = 	snop  }
__scs_overlays_trampoline_lowered:
0x8: {  	[smem:$0x3FA6] =	sst s0  }
0x9: {  	[smem:$0x3FA7] =	sst s1  }
0xa: {  	[smem:$0x3FA8] =	sst s2  }
0xb: {  	[smem:$0x3FA9] =	sst s3  }
0xc: {  	[smem:$0x3FAA] =	sst s4  }
0xd: {  	[smem:$0x3FAB] =	sst s5  }
0xe: {  	[smem:$0x3FAC] =	sst s6  }
0xf: {  	[smem:$0x3FAD] =	sst s7  }
0x10: {  	[smem:$0x3FAE] =	sst s8  }
0x11: {  	[smem:$0x3FAF] =	sst s9;
	s0 =	simm.s32 @!p0 $0x0  }
0x12: {  	s1 =	sld [smem:$0x3F95];
	s0 =	simm.s32 @p0 $0x1  }
0x13: {  	[smem:$0x3FB0] =	sst s0;
	s0 =	simm.s32 @!p1 $0x0  }
0x14: {  	s2 =	sld [smem:$0x3F94];
	s0 =	simm.s32 @p1 $0x1  }
0x15: {  	[smem:$0x3FB1] =	sst s0;
	s0 =	simm.s32 @!p2 $0x0  }
0x16: {  	s3 =	sld [smem:$0x3FDB];
	s0 =	simm.s32 @p2 $0x1  }
0x17: {  	s4 =	simm.s32 $0x1BF5;
	[smem:$0x3FB3] =	sst s0  }
0x18: {  	s0 =	sld [smem:$0x3F96];
	_ =	swait.ge [sflag:s4], $0x0  }
0x19: {  	s7 =	sld [smem:$0x3F97]  }
0x1a: {  	s8 =	sadd.s32 $0xFFFFE003, lr  }
0x1b: {  	s9 =	sadd.s32 $0xFFFFFEF7, lr;
	s5 =	simm.s32 $0xFFFFFFFF;
	p2 =	slt.u32 s8, $0xFFFFF086  }
0x1c: {  	p1 =	slt.u32 s9, $0xF7A;
	s5 =	simm.s32 @!p2 $0x0  }
0x1d: {  	s5 =	simm.s32 @p1 $0x1;
	p0 =	seq.s32 s7, s2  }
0x1e: {  	s7 =	smul.u32 @!p0 $0xF7A, s2;
	p2 =	seq.s32 @!p0 s5, $0x0  }
0x1f: {  	s9 =	smul.u32 $0xF7A, s1;
	s8 =	simm.s32 @!p0 $0x1BF5;
	p2 =	por !p2, p0  }
0x20: {  	[sflag:s8] =	ssyncset.s32 @!p0 $0xFFFFF086;
	s6 =	sadd.s32 @!p0 s3, s7;
	s7 =	simm.s32 @!p0 $0x108  }
0x21: {  	s3 =	sadd.s32 s3, s9;
	s6 =	sadd.s32 @!p0 $0x88, s6;
	s7 =	simm.s32 @p2 $0x1082  }
0x22: {  	[simem:s7], [sflag:s8] =	dma.local @!p0 [hbm:s6], $0xF7A  }
0x23: {  	s9 =	sor.u32 $0xD0000000, s2;
	s6 =	simm.s32 $0x108;
	_ =	swait.ge @!p0 [sflag:s8], $0x0  }
0x24: {  	s3 =	sadd.s32 $0x88, s3;
	s6 =	simm.s32 @!p1 $0x1082;
	[sflag:s4] =	ssyncset.s32 $0xFFFFF086  }
0x25: {  	[simem:s6], [sflag:s4] =	dma.local [hbm:s3], $0xF7A  }
0x26: {  	[smem:$0x3F97] =	sst s1;
	(tag) =	ssettag s2;
	_ =	strace s9  }
0x27: {  	s1 =	sld [smem:$0x3FA7]  }
0x28: {  	s2 =	sld [smem:$0x3FA8]  }
0x29: {  	s4 =	sld [smem:$0x3FAA]  }
0x2a: {  	p0 =	seq.s32 s5, $0x0;
	s5 =	sld [smem:$0x3FAB]  }
0x2b: {  	s6 =	sld [smem:$0x3FAC]  }
0x2c: {  	s7 =	sld [smem:$0x3FAD]  }
0x2d: {  	s3 =	simm.s32 $0x108;
	s8 =	sld [smem:$0x3FAE]  }
0x2e: {  	s3 =	simm.s32 @!p0 $0x1082;
	s9 =	sld [smem:$0x3FAF]  }
0x2f: {  	lr =	sadd.s32 s0, s3;
	s0 =	sld [smem:$0x3FA6]  }
0x30: {  	s3 =	sld [smem:$0x3FA9]  }
0x31: {  	[smem:$0x3FB2] =	sst s10  }
0x32: {  	s10 =	sld [smem:$0x3FB0];
	_ =	sdelay $0x3  }
0x33: {  	p0 =	seq.s32 s10, $0x1;
	s10 =	sld [smem:$0x3FB2];
	_ =	sdelay $0x3  }
0x34: {  	[smem:$0x3FB2] =	sst s10  }
0x35: {  	s10 =	sld [smem:$0x3FB1];
	_ =	sdelay $0x3  }
0x36: {  	p1 =	seq.s32 s10, $0x1;
	s10 =	sld [smem:$0x3FB2];
	_ =	sdelay $0x3  }
0x37: {  	[smem:$0x3FB2] =	sst s10  }
0x38: {  	s10 =	sld [smem:$0x3FB3]  }
0x39: {  	_ = 	snop;
	(pc) =	sbr.ind lr, $3  }
0x3a: {  	_ = 	snop  }
0x3b: {  	_ = 	snop  }
0x3c: {  	p2 =	seq.s32 s10, $0x1;
	s10 =	sld [smem:$0x3FB2]  }
0x3d: {  	_ =	shalt  }
0x3e: {  	_ =	shalt  }
0x3f: {  	_ =	shalt  }
0x40: {  	_ =	shalt  }
0x41: {  	_ =	shalt  }
0x42: {  	_ =	shalt  }
0x43: {  	_ =	shalt  }
0x44: {  	_ =	shalt  }
0x45: {  	_ =	shalt  }
0x46: {  	_ =	shalt  }
0x47: {  	_ =	shalt  }
0x48: {  	_ =	shalt  }
0x49: {  	_ =	shalt  }
0x4a: {  	_ =	shalt  }
0x4b: {  	_ =	shalt  }
0x4c: {  	_ =	shalt  }
0x4d: {  	_ =	shalt  }
0x4e: {  	_ =	shalt  }
0x4f: {  	_ =	shalt  }
0x50: {  	_ =	shalt  }
0x51: {  	_ =	shalt  }
0x52: {  	_ =	shalt  }
0x53: {  	_ =	shalt  }
0x54: {  	_ =	shalt  }
0x55: {  	_ =	shalt  }
0x56: {  	_ =	shalt  }
0x57: {  	_ =	shalt  }
0x58: {  	_ =	shalt  }
0x59: {  	_ =	shalt  }
0x5a: {  	_ =	shalt  }
0x5b: {  	_ =	shalt  }
0x5c: {  	_ =	shalt  }
0x5d: {  	_ =	shalt  }
0x5e: {  	_ =	shalt  }
0x5f: {  	_ =	shalt  }
0x60: {  	_ =	shalt  }
0x61: {  	_ =	shalt  }
0x62: {  	_ =	shalt  }
0x63: {  	_ =	shalt  }
0x64: {  	_ =	shalt  }
0x65: {  	_ =	shalt  }
0x66: {  	_ =	shalt  }
0x67: {  	_ =	shalt  }
0x68: {  	_ =	shalt  }
0x69: {  	_ =	shalt  }
0x6a: {  	_ =	shalt  }
0x6b: {  	_ =	shalt  }
0x6c: {  	_ =	shalt  }
0x6d: {  	_ =	shalt  }
0x6e: {  	_ =	shalt  }
0x6f: {  	_ =	shalt  }
0x70: {  	_ =	shalt  }
0x71: {  	_ =	shalt  }
0x72: {  	_ =	shalt  }
0x73: {  	_ =	shalt  }
0x74: {  	_ =	shalt  }
0x75: {  	_ =	shalt  }
0x76: {  	_ =	shalt  }
0x77: {  	_ =	shalt  }
0x78: {  	_ =	shalt  }
0x79: {  	_ =	shalt  }
0x7a: {  	_ =	shalt  }
0x7b: {  	_ =	shalt  }
0x7c: {  	_ =	shalt  }
0x7d: {  	_ =	shalt  }
0x7e: {  	_ =	shalt  }
0x7f: {  	_ =	shalt  }
0x80: {  	_ =	shalt  }
0x81: {  	_ =	shalt  }
0x82: {  	_ =	shalt  }
0x83: {  	_ =	shalt  }
0x84: {  	_ =	shalt  }
0x85: {  	_ =	shalt  }
0x86: {  	_ =	shalt  }
0x87: {  	_ =	shalt  }
.Lfunc_end0:
.L_simem_size_0:
called_computation.1_lowered:
.L_overlay_start_0:
0x88: {  	s2 =	sld [smem:$0x3FD9]  }
0x89: {  	s3 =	sld [smem:$0x3FFE];
	_ =	sdelay $0x1  }
0x8a: {  	s1 =	srdreg.scid  }
0x8b: {  	s0 =	sand.u32 $0x1, s1  }
0x8c: {  	s16 =	sshll.u32 s0, $0xA;
	s2 =	sadd.s32 s3, s2  }
0x8d: {  	s2 =	sadd.s32 s2, s16  }
0x8e: {  	[smem:$0x3FBE] =	sst s2  }
0x8f: {  	_ = 	snop  }
0x90: {  	(tm) =	ssettm $0x1  }
0x91: {  	s17 =	sld [smem:$0x3FFB];
	_ =	sdelay $0x3  }
0x92: {  	_ =	strace s17  }
0x93: {  	s2 =	sld [smem:$0x3FFC];
	_ =	sdelay $0x3  }
0x94: {  	_ =	strace s2  }
0x95: {  	s2 =	sld [smem:$0x3FFD];
	_ =	sdelay $0x3  }
0x96: {  	_ =	strace s2  }
0x97: {  	_ =	strace $0x8FFFFFFF  }
0x98: {  	s18 =	sld [smem:$0x3FDB];
	_ =	sdelay $0x1  }
0x99: {  	s19 =	simm.s32 $_scs_section_size  }
0x9a: {  	s4 =	simm.s32 $_size__tile_overlayer_lowered;
	s5 =	simm.s32 $_tile_overlayer_lowered  }
0x9b: {  	s22 =	simm.s32 $0x1BFF;
	s21 =	sshll.u32 s5, $0x1;
	s2 =	sadd.s32 s19, s18  }
0x9c: {  	s6 =	simm.s32 $0x0;
	s20 =	sshll.u32 s4, $0x1;
	s4 =	sadd.s32 s21, s2  }
0x9d: {  	[timem:s6], [sflag:s22] =	dma.local [hbm:s4], s20  }
0x9e: {  	_ =	swait.ge [sflag:s22], s20  }
0x9f: {  	s3 =	ssub.s32 $0x0, s20;
	[sflag:s22] =	ssyncset.done $0x0  }
0xa0: {  	[sflag:s22] =	ssyncadd.s32 s3;
	_ =	sdelay $0x1  }
0xa1: {  	s23 =	simm.s32 $0x1B8B  }
0xa2: {  	_ =	swait.ge [sflag:s23], $0x1  }
0xa3: {  	[sflag:s23] =	ssyncset.done $0x0  }
0xa4: {  	s25 =	simm.s32 $0x1B8E;
	s24 =	sld [smem:$0x3FFE];
	[sflag:s23] =	ssyncadd.s32 $0xFFFFFFFF  }
0xa5: {  	s26 =	simm.s32 $execute0_lowered;
	[smem:$0x3FD2] =	sst s25  }
0xa6: {  	s4 =	sshll.u32 s26, $0x1;
	_ =	strace $0x80000049;
	[dreg:$0x1] =	wrdreg $0xFFFFFFFF  }
0xa7: {  	s28 =	simm.s32 $_size_execute0_lowered;
	s2 =	sadd.s32 s2, s4;
	[dreg:$0x0] =	wrdreg $0x0  }
0xa8: {  	s4 =	sshll.u32 s28, $0x1;
	[dreg:$0x2] =	wrdreg s2  }
0xa9: {  	[dreg:$0x3] =	wrdreg s4  }
0xaa: {  	[dreg:$0x4] =	wrdreg $0xC0  }
0xab: {  	_ =	task [dreg:s6], $0x5FFFF  }
0xac: {  	[dreg:$0x1] =	wrdreg $0xFFFFFFFF  }
0xad: {  	[dreg:$0x0] =	wrdreg $0x60  }
0xae: {  	[dreg:$0x2] =	wrdreg s24  }
0xaf: {  	[dreg:$0x3] =	wrdreg $0xC6200  }
0xb0: {  	[dreg:$0x4] =	wrdreg $0x9  }
0xb1: {  	_ =	task.clear_ibuf [dreg:s6], $0x5FFFF;
	_ =	strace $0x90000049  }
0xb2: {  	s29 =	simm.s32 $0x9;
	_ =	strace $0x8000004B  }
0xb3: {  	_ =	swait.ge [sflag:s29], $0x1  }
0xb4: {  	[sflag:s29] =	ssyncadd.s32 $0xFFFFFFFF  }
0xb5: {  	_ =	strace $0x9000004B  }
0xb6: {  	_ =	sfence  }
0xb7: {  	s30 =	sld [smem:$0x0];
	_ =	sdelay $0x2  }
0xb8: {  	s31 =	sshll.u32 s1, $0xD;
	s1 =	sshrl.u32 s1, $0x2  }
0xb9: {  	s3 =	sand.u32 $0x4000, s31;
	s1 =	sadd.s32 s1, s30  }
0xba: {  	s0 =	sor.u32 s3, s0;
	s1 =	sshll.u32 s1, $0x11  }
0xbb: {  	s0 =	sor.u32 s1, s0  }
0xbc: {  	s0 =	sadd.s32 $0x8F2B, s0  }
0xbd: {  	[sflag:s0] =	ssyncadd.remote.s32 $0x1  }
0xbe: {  	_ =	sfence.sel $0xFFFF  }
0xbf: {  	[dreg:$0x0] =	wrdreg $0xFFFFFFFF;
	(pc) =	sbr.abs _section_cstart, $3  }
0xc0: {  	[dreg:$0x1] =	wrdreg $0xFFFFFFFF  }
0xc1: {  	_ =	task.clear_ibuf [dreg:s6], $0x2FFFF;
	_ =	strace $0x9FFFFFFF  }
0xc2: {  	(tm) =	ssettm $0x7FFFFFFF  }
0xc3: {  	_ =	shalt  }
tec
execute0_lowered:
.L_overlay_start_1:
0x0: {  	(tag) =	ssettag $0x1  }
0x1: {  	s0 =	rddreg [dreg:$0x0]  }
0x2: {  	s1 =	srdreg.scid;
	s9 =	stileid.u32  }
0x3: {  	s2 =	rddreg [dreg:$0x1];
	s3 =	simm.s32 $0x0;
	s8 =	simm.s32 $0x10  }
0x4: {  	s12 =	simm.s32 $0xB;
	s13 =	simm.s32 $0x2710;
	s14 =	simm.s32 $0xB220  }
0x5: {  	s15 =	simm.s32 $0x28;
	s16 =	simm.s32 $0x4E20;
	s17 =	simm.s32 $0x6220  }
0x6: {  	s19 =	simm.s32 $0x7620;
	s21 =	simm.s32 $0x8A20;
	s22 =	simm.s32 $0x1  }
0x7: {  	s24 =	simm.s32 $0x9E20;
	s28 =	simm.s32 $0x6;
	s30 =	simm.s32 $0x3  }
0x8: {  	s18 =	simm.s32 $0x4;
	s23 =	simm.s32 $0x8;
	s29 =	simm.s32 $0x5  }
0x9: {  	s20 =	simm.s32 $0xA;
	s1 =	sand.u32 $0x1, s1;
	s31 =	smul.u32 $0x5000, s9  }
0xa: {  	s4 =	sshll.u32 s9, $0x1;
	[smem:$0x7FF] =	sst s3;
	s10 =	smul.u32 $0x1400, s9  }
0xb: {  	s4 =	sor.u32 s1, s4;
	s6 =	ssub.s32 $0x2, s1;
	s1 =	smul.u32 $0x138800, s1  }
0xc: {  	p0 =	slt.u32 s9, $0xA;
	_ =	strace $0x8000004A;
	s5 =	smul.u32 $0x4E2, s4  }
0xd: {  	s8 =	simm.s32 @!p0 $0xF;
	s4 =	sadd.s32 $0x16800, s0;
	s25 =	sshrl.u32 s6, $0x1  }
0xe: {  	s11 =	sadd.s32 s10, s1;
	s1 =	simm.s32 $0x7;
	s7 =	sadd.s32 s5, s0  }
0xf: {  	s5 =	sadd.s32 $0x3DA00, s0;
	s0 =	ssub.s32 s6, s25;
	s6 =	sshrl.u32 s31, $0x2  }
0x10: {  	s25 =	simm.s32 $0x2;
	s26 =	sadd.s32 $0x2C00, s7;
	s7 =	sadd.s32 $0xCA00, s7  }
0x11: {  	s9 =	smax.u32 s0, $0x1;
	s0 =	simm.s32 $0x9;
	[dreg:$0x3] =	wrdreg s26  }
0x12: {  	v0 =	vimm.f32 $0.0e+00;
	[dreg:$0x4] =	wrdreg s7;
	s7 =	sadd.s32 s6, s2;
	s26 =	simm.s32 $0x0  }
.LBB2_1:
0x13: {  	s6 =	rddreg [dreg:$0x3]  }
0x14: {  	[tilespmem:s3], [sflag:$0xB] =	stream.linear.gather [hbm4b:s6+s3], $0x2710, $0x38;
	[tilespmem:$0x1FEA0] =	vst v63  }
0x15: {  	_ =	swait.ge [sflag:s12], $0x2710  }
0x16: {  	[sflag:s12] =	ssyncset.done $0x0  }
0x17: {  	s31 =	rddreg [dreg:$0x4];
	[sflag:s12] =	ssyncadd.s32 $0xFFFFD8F0  }
0x18: {  	[tilespmem:s13], [sflag:$0xB] =	stream.linear.gather [hbm4b:s31+s3], $0x2710, $0x38;
	[tilespmem:$0x1FEA0] =	vst v63  }
0x19: {  	_ =	swait.ge [sflag:s12], $0x2710  }
0x1a: {  	[sflag:s12] =	ssyncset.done $0x0  }
0x1b: {  	s10 =	simm.s32 $0x200;
	s6 =	simm.s32 $0x0;
	[sflag:s12] =	ssyncadd.s32 $0xFFFFD8F0  }
.LBB2_2:
0x1c: {  	p0 =	sne.s32 s10, $0x4E00;
	[tilespmem:s6+$0xB290] =	vst v0  }
0x1d: {  	[tilespmem:s6+$0xB220] =	vst v0  }
0x1e: {  	[tilespmem:s6+$0xB230] =	vst v0  }
.Ltmp0:
0x1f: {  	[tilespmem:s6+$0xB240] =	vst v0;
	(pc) =	sbr.rel @p0 .LBB2_2-.Ltmp0, $4  }
0x20: {  	[tilespmem:s6+$0xB250] =	vst v0  }
0x21: {  	[tilespmem:s6+$0xB260] =	vst v0  }
0x22: {  	[tilespmem:s6+$0xB270] =	vst v0  }
0x23: {  	[tilespmem:s6+$0xB280] =	vst v0;
	s6 =	sshra.s32 s10, $0x2;
	s10 =	sadd.s32 $0x200, s10  }
0x24: {  	[tilespmem:s6+$0xB290] =	vst v0  }
0x25: {  	[tilespmem:s6+$0xB220] =	vst v0  }
0x26: {  	[tilespmem:s6+$0xB230] =	vst v0  }
0x27: {  	[tilespmem:s6+$0xB240] =	vst v0  }
0x28: {  	[tilespmem:s6+$0xB250] =	vst v0  }
0x29: {  	[tilespmem:s6+$0xB260] =	vst v0;
	p0 =	sne.s32 s8, $0x1  }
.Ltmp1:
0x2a: {  	[tilespmem:s6+$0xB270] =	vst v0;
	(pc) =	sbr.rel @!p0 .LBB2_5-.Ltmp1, $4  }
0x2b: {  	[tilespmem:s6+$0xB280] =	vst v0  }
0x2c: {  	[spmem:s7] =	stream.linear.scatter [tilespmem:s14], [sflag:$0xB], $0x1400, $0x38;
	[tilespmem:$0x1FEA0] =	vst v63  }
0x2d: {  	_ =	swait.ge [sflag:s12], $0x1400  }
0x2e: {  	s6 =	sadd.s32 $0xFFFFFFFF, s8;
	s10 =	smov.u32 s7;
	[sflag:s12] =	ssyncset.done $0x0  }
.LBB2_4:
0x2f: {  	p1 =	sne.s32 s6, $0x1;
	[sflag:s12] =	ssyncadd.s32 $0xFFFFEC00;
	s10 =	sadd.s32 $0x14000, s10  }
.Ltmp2:
0x30: {  	s6 =	sadd.s32 $0xFFFFFFFF, s6;
	(pc) =	sbr.rel @p1 .LBB2_4-.Ltmp2, $4  }
0x31: {  	_ = 	snop  }
0x32: {  	[spmem:s10] =	stream.linear.scatter [tilespmem:s14], [sflag:$0xB], $0x1400, $0x38;
	[tilespmem:$0x1FEA0] =	vst v63  }
0x33: {  	_ =	swait.ge [sflag:s12], $0x1400  }
0x34: {  	[sflag:s12] =	ssyncset.done $0x0  }
.LBB2_5:
0x35: {  	[sflag:s12] =	ssyncadd.s32 $0xFFFFEC00  }
0x36: {  	s6 =	simm.s32 $0x0;
	[bflag:$0x0] =	sbarrier.arrive $0xFFFF  }
0x37: {  	[tilespmem:s16], [sflag:$0x1] =	stream.indirect.gather [hbm4b:s4+s15], $0x80, s6, s15, $0xb8;
	[tilespmem:$0x1FEA0] =	vst v63  }
0x38: {  	_ = 	snop  }
0x39: {  	[tilespmem:s17], [sflag:$0x2] =	stream.indirect.gather [hbm4b:s4+s15], $0x80, s15, s15, $0xb8;
	[tilespmem:$0x1FEA0] =	vst v63  }
0x3a: {  	s10 =	simm.s32 $0x50  }
0x3b: {  	[tilespmem:s19], [sflag:$0x3] =	stream.indirect.gather [hbm4b:s4+s15], $0x80, s10, s15, $0xb8;
	[tilespmem:$0x1FEA0] =	vst v63  }
0x3c: {  	s10 =	simm.s32 $0x78  }
0x3d: {  	[tilespmem:s21], [sflag:$0x4] =	stream.indirect.gather [hbm4b:s4+s15], $0x80, s10, s15, $0xb8;
	[tilespmem:$0x1FEA0] =	vst v63  }
0x3e: {  	_ =	swait.ge [sflag:s22], $0x1400  }
0x3f: {  	[sflag:s22] =	ssyncset.done $0x0  }
0x40: {  	[sflag:s22] =	ssyncadd.s32 $0xFFFFEC00  }
0x41: {  	[spmem:s2] =	stream.indirect.scatter.add.f32 [tilespmem:s16], [sflag:$0x6], $0x80, s13, s15, $0xb8;
	[tilespmem:$0x1FEA0] =	vst v63  }
0x42: {  	s13 =	simm.s32 $0xA0  }
0x43: {  	[tilespmem:s24], [sflag:$0x5] =	stream.indirect.gather [hbm4b:s4+s15], $0x80, s13, s15, $0xb8;
	[tilespmem:$0x1FEA0] =	vst v63  }
0x44: {  	_ =	swait.ge [sflag:s25], $0x1400  }
0x45: {  	[sflag:s25] =	ssyncset.done $0x0  }
0x46: {  	s10 =	simm.s32 $0x2738;
	[sflag:s25] =	ssyncadd.s32 $0xFFFFEC00  }
0x47: {  	[spmem:s2] =	stream.indirect.scatter.add.f32 [tilespmem:s17], [sflag:$0x7], $0x80, s10, s15, $0xb8;
	[tilespmem:$0x1FEA0] =	vst v63  }
0x48: {  	_ =	swait.ge [sflag:s28], $0x1400  }
0x49: {  	[sflag:s28] =	ssyncset.done $0x0  }
0x4a: {  	s13 =	simm.s32 $0xC8;
	[sflag:s28] =	ssyncadd.s32 $0xFFFFEC00  }
0x4b: {  	[tilespmem:s16], [sflag:$0x1] =	stream.indirect.gather [hbm4b:s4+s15], $0x80, s13, s15, $0xb8;
	[tilespmem:$0x1FEA0] =	vst v63  }
0x4c: {  	_ =	swait.ge [sflag:s30], $0x1400  }
0x4d: {  	[sflag:s30] =	ssyncset.done $0x0  }
0x4e: {  	s10 =	simm.s32 $0x2760;
	[sflag:s30] =	ssyncadd.s32 $0xFFFFEC00  }
0x4f: {  	[spmem:s2] =	stream.indirect.scatter.add.f32 [tilespmem:s19], [sflag:$0x8], $0x80, s10, s15, $0xb8;
	[tilespmem:$0x1FEA0] =	vst v63  }
0x50: {  	_ =	swait.ge [sflag:s1], $0x1400  }
0x51: {  	[sflag:s1] =	ssyncset.done $0x0  }
0x52: {  	s13 =	simm.s32 $0xF0;
	[sflag:s1] =	ssyncadd.s32 $0xFFFFEC00  }
0x53: {  	[tilespmem:s17], [sflag:$0x2] =	stream.indirect.gather [hbm4b:s4+s15], $0x80, s13, s15, $0xb8;
	[tilespmem:$0x1FEA0] =	vst v63  }
0x54: {  	_ =	swait.ge [sflag:s18], $0x1400  }
0x55: {  	[sflag:s18] =	ssyncset.done $0x0  }
0x56: {  	s10 =	simm.s32 $0x2788;
	[sflag:s18] =	ssyncadd.s32 $0xFFFFEC00  }
0x57: {  	[spmem:s2] =	stream.indirect.scatter.add.f32 [tilespmem:s21], [sflag:$0x9], $0x80, s10, s15, $0xb8;
	[tilespmem:$0x1FEA0] =	vst v63  }
0x58: {  	_ =	swait.ge [sflag:s23], $0x1400  }
0x59: {  	[sflag:s23] =	ssyncset.done $0x0  }
0x5a: {  	s13 =	simm.s32 $0x118;
	[sflag:s23] =	ssyncadd.s32 $0xFFFFEC00  }
0x5b: {  	[tilespmem:s19], [sflag:$0x3] =	stream.indirect.gather [hbm4b:s4+s15], $0x80, s13, s15, $0xb8;
	[tilespmem:$0x1FEA0] =	vst v63  }
0x5c: {  	_ =	swait.ge [sflag:s29], $0x1400  }
0x5d: {  	[sflag:s29] =	ssyncset.done $0x0  }
0x5e: {  	s10 =	simm.s32 $0x27B0;
	[sflag:s29] =	ssyncadd.s32 $0xFFFFEC00  }
0x5f: {  	[spmem:s2] =	stream.indirect.scatter.add.f32 [tilespmem:s24], [sflag:$0xA], $0x80, s10, s15, $0xb8;
	[tilespmem:$0x1FEA0] =	vst v63  }
0x60: {  	_ =	swait.ge [sflag:s0], $0x1400  }
0x61: {  	[sflag:s0] =	ssyncset.done $0x0  }
0x62: {  	s13 =	simm.s32 $0x140;
	[sflag:s0] =	ssyncadd.s32 $0xFFFFEC00  }
0x63: {  	[tilespmem:s21], [sflag:$0x4] =	stream.indirect.gather [hbm4b:s4+s15], $0x80, s13, s15, $0xb8;
	[tilespmem:$0x1FEA0] =	vst v63  }
0x64: {  	_ =	swait.ge [sflag:s22], $0x1400  }
0x65: {  	[sflag:s22] =	ssyncset.done $0x0  }
0x66: {  	s10 =	simm.s32 $0x27D8;
	[sflag:s22] =	ssyncadd.s32 $0xFFFFEC00  }
0x67: {  	[spmem:s2] =	stream.indirect.scatter.add.f32 [tilespmem:s16], [sflag:$0x6], $0x80, s10, s15, $0xb8;
	[tilespmem:$0x1FEA0] =	vst v63  }
0x68: {  	_ =	swait.ge [sflag:s20], $0x1400  }
0x69: {  	[sflag:s20] =	ssyncset.done $0x0  }
0x6a: {  	s13 =	simm.s32 $0x168;
	[sflag:s20] =	ssyncadd.s32 $0xFFFFEC00  }
0x6b: {  	[tilespmem:s24], [sflag:$0x5] =	stream.indirect.gather [hbm4b:s4+s15], $0x80, s13, s15, $0xb8;
	[tilespmem:$0x1FEA0] =	vst v63  }
0x6c: {  	_ =	swait.ge [sflag:s25], $0x1400  }
0x6d: {  	[sflag:s25] =	ssyncset.done $0x0  }
0x6e: {  	s10 =	simm.s32 $0x2800;
	[sflag:s25] =	ssyncadd.s32 $0xFFFFEC00  }
0x6f: {  	[spmem:s2] =	stream.indirect.scatter.add.f32 [tilespmem:s17], [sflag:$0x7], $0x80, s10, s15, $0xb8;
	[tilespmem:$0x1FEA0] =	vst v63  }
0x70: {  	_ =	swait.ge [sflag:s28], $0x1400  }
0x71: {  	[sflag:s28] =	ssyncset.done $0x0  }
0x72: {  	s13 =	simm.s32 $0x190;
	[sflag:s28] =	ssyncadd.s32 $0xFFFFEC00  }
0x73: {  	[tilespmem:s16], [sflag:$0x1] =	stream.indirect.gather [hbm4b:s4+s15], $0x80, s13, s15, $0xb8;
	[tilespmem:$0x1FEA0] =	vst v63  }
0x74: {  	_ =	swait.ge [sflag:s30], $0x1400  }
0x75: {  	[sflag:s30] =	ssyncset.done $0x0  }
0x76: {  	s10 =	simm.s32 $0x2828;
	[sflag:s30] =	ssyncadd.s32 $0xFFFFEC00  }
0x77: {  	[spmem:s2] =	stream.indirect.scatter.add.f32 [tilespmem:s19], [sflag:$0x8], $0x80, s10, s15, $0xb8;
	[tilespmem:$0x1FEA0] =	vst v63  }
0x78: {  	_ =	swait.ge [sflag:s1], $0x1400  }
0x79: {  	[sflag:s1] =	ssyncset.done $0x0  }
0x7a: {  	s13 =	simm.s32 $0x1B8;
	[sflag:s1] =	ssyncadd.s32 $0xFFFFEC00  }
0x7b: {  	[tilespmem:s17], [sflag:$0x2] =	stream.indirect.gather [hbm4b:s4+s15], $0x80, s13, s15, $0xb8;
	[tilespmem:$0x1FEA0] =	vst v63  }
0x7c: {  	_ =	swait.ge [sflag:s18], $0x1400  }
0x7d: {  	[sflag:s18] =	ssyncset.done $0x0  }
0x7e: {  	s10 =	simm.s32 $0x2850;
	[sflag:s18] =	ssyncadd.s32 $0xFFFFEC00  }
0x7f: {  	[spmem:s2] =	stream.indirect.scatter.add.f32 [tilespmem:s21], [sflag:$0x9], $0x80, s10, s15, $0xb8;
	[tilespmem:$0x1FEA0] =	vst v63  }
0x80: {  	_ =	swait.ge [sflag:s23], $0x1400  }
0x81: {  	[sflag:s23] =	ssyncset.done $0x0  }
0x82: {  	s13 =	simm.s32 $0x1E0;
	[sflag:s23] =	ssyncadd.s32 $0xFFFFEC00  }
0x83: {  	[tilespmem:s19], [sflag:$0x3] =	stream.indirect.gather [hbm4b:s4+s15], $0x80, s13, s15, $0xb8;
	[tilespmem:$0x1FEA0] =	vst v63  }
0x84: {  	_ =	swait.ge [sflag:s29], $0x1400  }
0x85: {  	[sflag:s29] =	ssyncset.done $0x0  }
0x86: {  	s31 =	simm.s32 $0x320;
	s6 =	simm.s32 $0x2878;
	[sflag:s29] =	ssyncadd.s32 $0xFFFFEC00  }
.LBB2_6:
0x87: {  	[spmem:s2] =	stream.indirect.scatter.add.f32 [tilespmem:s24], [sflag:$0xA], $0x80, s6, s15, $0xb8;
	[tilespmem:$0x1FEA0] =	vst v63  }
0x88: {  	s6 =	smov.u32 s31;
	s31 =	sadd.s32 $0x320, s31;
	_ =	swait.ge [sflag:s0], $0x1400  }
0x89: {  	s6 =	sshra.s32 s6, $0x2;
	p1 =	sne.s32 s31, $0x9600;
	[sflag:s0] =	ssyncset.done $0x0  }
0x8a: {  	s10 =	sadd.s32 $0x140, s6;
	[sflag:s0] =	ssyncadd.s32 $0xFFFFEC00  }
0x8b: {  	[tilespmem:s21], [sflag:$0x4] =	stream.indirect.gather [hbm4b:s4+s15], $0x80, s10, s15, $0xb8;
	[tilespmem:$0x1FEA0] =	vst v63  }
0x8c: {  	_ =	swait.ge [sflag:s22], $0x1400  }
0x8d: {  	[sflag:s22] =	ssyncset.done $0x0  }
0x8e: {  	s10 =	sadd.s32 $0x27D8, s6;
	[sflag:s22] =	ssyncadd.s32 $0xFFFFEC00  }
0x8f: {  	[spmem:s2] =	stream.indirect.scatter.add.f32 [tilespmem:s16], [sflag:$0x6], $0x80, s10, s15, $0xb8;
	[tilespmem:$0x1FEA0] =	vst v63  }
0x90: {  	_ =	swait.ge [sflag:s20], $0x1400  }
0x91: {  	[sflag:s20] =	ssyncset.done $0x0  }
0x92: {  	s10 =	sadd.s32 $0x168, s6;
	[sflag:s20] =	ssyncadd.s32 $0xFFFFEC00  }
0x93: {  	[tilespmem:s24], [sflag:$0x5] =	stream.indirect.gather [hbm4b:s4+s15], $0x80, s10, s15, $0xb8;
	[tilespmem:$0x1FEA0] =	vst v63  }
0x94: {  	_ =	swait.ge [sflag:s25], $0x1400  }
0x95: {  	[sflag:s25] =	ssyncset.done $0x0  }
0x96: {  	s10 =	sadd.s32 $0x2800, s6;
	[sflag:s25] =	ssyncadd.s32 $0xFFFFEC00  }
0x97: {  	[spmem:s2] =	stream.indirect.scatter.add.f32 [tilespmem:s17], [sflag:$0x7], $0x80, s10, s15, $0xb8;
	[tilespmem:$0x1FEA0] =	vst v63  }
0x98: {  	_ =	swait.ge [sflag:s28], $0x1400  }
0x99: {  	[sflag:s28] =	ssyncset.done $0x0  }
0x9a: {  	s10 =	sadd.s32 $0x190, s6;
	[sflag:s28] =	ssyncadd.s32 $0xFFFFEC00  }
0x9b: {  	[tilespmem:s16], [sflag:$0x1] =	stream.indirect.gather [hbm4b:s4+s15], $0x80, s10, s15, $0xb8;
	[tilespmem:$0x1FEA0] =	vst v63  }
0x9c: {  	_ =	swait.ge [sflag:s30], $0x1400  }
0x9d: {  	[sflag:s30] =	ssyncset.done $0x0  }
0x9e: {  	s10 =	sadd.s32 $0x2828, s6;
	[sflag:s30] =	ssyncadd.s32 $0xFFFFEC00  }
0x9f: {  	[spmem:s2] =	stream.indirect.scatter.add.f32 [tilespmem:s19], [sflag:$0x8], $0x80, s10, s15, $0xb8;
	[tilespmem:$0x1FEA0] =	vst v63  }
0xa0: {  	_ =	swait.ge [sflag:s1], $0x1400  }
0xa1: {  	[sflag:s1] =	ssyncset.done $0x0  }
0xa2: {  	s10 =	sadd.s32 $0x1B8, s6;
	[sflag:s1] =	ssyncadd.s32 $0xFFFFEC00  }
0xa3: {  	[tilespmem:s17], [sflag:$0x2] =	stream.indirect.gather [hbm4b:s4+s15], $0x80, s10, s15, $0xb8;
	[tilespmem:$0x1FEA0] =	vst v63  }
0xa4: {  	_ =	swait.ge [sflag:s18], $0x1400  }
0xa5: {  	[sflag:s18] =	ssyncset.done $0x0  }
0xa6: {  	s10 =	sadd.s32 $0x2850, s6;
	[sflag:s18] =	ssyncadd.s32 $0xFFFFEC00  }
0xa7: {  	[spmem:s2] =	stream.indirect.scatter.add.f32 [tilespmem:s21], [sflag:$0x9], $0x80, s10, s15, $0xb8;
	[tilespmem:$0x1FEA0] =	vst v63  }
0xa8: {  	_ =	swait.ge [sflag:s23], $0x1400  }
0xa9: {  	[sflag:s23] =	ssyncset.done $0x0  }
.Ltmp3:
0xaa: {  	s10 =	sadd.s32 $0x1E0, s6;
	[sflag:s23] =	ssyncadd.s32 $0xFFFFEC00;
	(pc) =	sbr.rel @p1 .LBB2_6-.Ltmp3, $4  }
0xab: {  	[tilespmem:s19], [sflag:$0x3] =	stream.indirect.gather [hbm4b:s4+s15], $0x80, s10, s15, $0xb8;
	[tilespmem:$0x1FEA0] =	vst v63  }
0xac: {  	_ =	swait.ge [sflag:s29], $0x1400  }
0xad: {  	[sflag:s29] =	ssyncset.done $0x0  }
0xae: {  	s6 =	sadd.s32 $0x2878, s6;
	[sflag:s29] =	ssyncadd.s32 $0xFFFFEC00  }
0xaf: {  	[spmem:s2] =	stream.indirect.scatter.add.f32 [tilespmem:s24], [sflag:$0xA], $0x80, s6, s15, $0xb8;
	[tilespmem:$0x1FEA0] =	vst v63  }
0xb0: {  	_ =	swait.ge [sflag:s0], $0x1400  }
0xb1: {  	s6 =	sshra.s32 s31, $0x2;
	[sflag:s0] =	ssyncset.done $0x0  }
0xb2: {  	s10 =	sadd.s32 $0x140, s6;
	[sflag:s0] =	ssyncadd.s32 $0xFFFFEC00  }
0xb3: {  	[tilespmem:s21], [sflag:$0x4] =	stream.indirect.gather [hbm4b:s4+s15], $0x80, s10, s15, $0xb8;
	[tilespmem:$0x1FEA0] =	vst v63  }
0xb4: {  	_ =	swait.ge [sflag:s22], $0x1400  }
0xb5: {  	[sflag:s22] =	ssyncset.done $0x0  }
0xb6: {  	s13 =	sadd.s32 $0x27D8, s6;
	[sflag:s22] =	ssyncadd.s32 $0xFFFFEC00  }
0xb7: {  	[spmem:s2] =	stream.indirect.scatter.add.f32 [tilespmem:s16], [sflag:$0x6], $0x80, s13, s15, $0xb8;
	[tilespmem:$0x1FEA0] =	vst v63  }
0xb8: {  	_ =	swait.ge [sflag:s20], $0x1400  }
0xb9: {  	[sflag:s20] =	ssyncset.done $0x0  }
0xba: {  	s13 =	simm.s32 $0x26E8;
	[sflag:s20] =	ssyncadd.s32 $0xFFFFEC00  }
0xbb: {  	[tilespmem:s24], [sflag:$0x5] =	stream.indirect.gather [hbm4b:s4+s15], $0x80, s13, s15, $0xb8;
	[tilespmem:$0x1FEA0] =	vst v63  }
0xbc: {  	_ =	swait.ge [sflag:s25], $0x1400  }
0xbd: {  	[sflag:s25] =	ssyncset.done $0x0  }
0xbe: {  	s13 =	sadd.s32 $0x2800, s6;
	[sflag:s25] =	ssyncadd.s32 $0xFFFFEC00  }
0xbf: {  	[spmem:s2] =	stream.indirect.scatter.add.f32 [tilespmem:s17], [sflag:$0x7], $0x80, s13, s15, $0xb8;
	[tilespmem:$0x1FEA0] =	vst v63  }
0xc0: {  	_ =	swait.ge [sflag:s30], $0x1400  }
0xc1: {  	[sflag:s30] =	ssyncset.done $0x0  }
0xc2: {  	s13 =	sadd.s32 $0x2828, s6;
	[sflag:s30] =	ssyncadd.s32 $0xFFFFEC00  }
0xc3: {  	[spmem:s2] =	stream.indirect.scatter.add.f32 [tilespmem:s19], [sflag:$0x8], $0x80, s13, s15, $0xb8;
	[tilespmem:$0x1FEA0] =	vst v63  }
0xc4: {  	_ =	swait.ge [sflag:s18], $0x1400  }
0xc5: {  	[sflag:s18] =	ssyncset.done $0x0  }
0xc6: {  	s6 =	sadd.s32 $0x2850, s6;
	[sflag:s18] =	ssyncadd.s32 $0xFFFFEC00  }
0xc7: {  	[spmem:s2] =	stream.indirect.scatter.add.f32 [tilespmem:s21], [sflag:$0x9], $0x80, s6, s15, $0xb8;
	[tilespmem:$0x1FEA0] =	vst v63  }
0xc8: {  	_ =	swait.ge [sflag:s29], $0x1400  }
0xc9: {  	[sflag:s29] =	ssyncset.done $0x0  }
0xca: {  	s10 =	simm.s32 $0x4DF8;
	[sflag:s29] =	ssyncadd.s32 $0xFFFFEC00  }
0xcb: {  	[spmem:s2] =	stream.indirect.scatter.add.f32 [tilespmem:s24], [sflag:$0xA], $0x80, s10, s15, $0xb8;
	[tilespmem:$0x1FEA0] =	vst v63  }
0xcc: {  	_ =	swait.ge [sflag:s28], $0x1400  }
0xcd: {  	[sflag:s28] =	ssyncset.done $0x0  }
0xce: {  	[sflag:s28] =	ssyncadd.s32 $0xFFFFEC00  }
0xcf: {  	_ =	swait.ge [sflag:s1], $0x1400  }
0xd0: {  	[sflag:s1] =	ssyncset.done $0x0  }
0xd1: {  	[sflag:s1] =	ssyncadd.s32 $0xFFFFEC00  }
0xd2: {  	_ =	swait.ge [sflag:s23], $0x1400  }
0xd3: {  	[sflag:s23] =	ssyncset.done $0x0  }
0xd4: {  	[sflag:s23] =	ssyncadd.s32 $0xFFFFEC00  }
0xd5: {  	_ =	swait.ge [sflag:s0], $0x1400  }
0xd6: {  	[sflag:s0] =	ssyncset.done $0x0  }
0xd7: {  	[sflag:s0] =	ssyncadd.s32 $0xFFFFEC00  }
0xd8: {  	_ =	swait.ge [sflag:s20], $0x1400  }
0xd9: {  	[sflag:s20] =	ssyncset.done $0x0  }
0xda: {  	[sflag:s20] =	ssyncadd.s32 $0xFFFFEC00  }
0xdb: {  	[bflag:$0x0] =	sbarrier.arrive $0xFFFF  }
0xdc: {  	[tilespmem:s14], [sflag:$0xB] =	stream.linear.gather [spmem:s7], $0x1400, $0x38;
	[tilespmem:$0x1FEA0] =	vst v63  }
0xdd: {  	_ =	swait.ge [sflag:s12], $0x1400  }
.Ltmp4:
0xde: {  	s13 =	sshrl.u32 s11, $0x3;
	[sflag:s12] =	ssyncset.done $0x0;
	(pc) =	sbr.rel @!p0 .LBB2_9-.Ltmp4, $4  }
0xdf: {  	s6 =	sadd.s32 s5, s13;
	[sflag:s12] =	ssyncadd.s32 $0xFFFFEC00  }
0xe0: {  	[hbm4b:s6+s3] =	stream.linear.scatter [tilespmem:s14], [sflag:$0xB], $0x1400, $0x38;
	[tilespmem:$0x1FEA0] =	vst v63  }
0xe1: {  	s31 =	smov.u32 s11;
	_ =	swait.ge [sflag:s12], $0x1400  }
0xe2: {  	s10 =	smov.u32 s7;
	s6 =	sadd.s32 $0xFFFFFFFF, s8;
	[sflag:s12] =	ssyncset.done $0x0  }
.LBB2_8:
0xe3: {  	[sflag:s12] =	ssyncadd.s32 $0xFFFFEC00;
	s31 =	sadd.s32 $0x14000, s31;
	s10 =	sadd.s32 $0x14000, s10  }
0xe4: {  	[tilespmem:s14], [sflag:$0xB] =	stream.linear.gather [spmem:s10], $0x1400, $0x38;
	[tilespmem:$0x1FEA0] =	vst v63  }
0xe5: {  	p0 =	sne.s32 s6, $0x1;
	s6 =	sadd.s32 $0xFFFFFFFF, s6;
	_ =	swait.ge [sflag:s12], $0x1400  }
.Ltmp5:
0xe6: {  	s13 =	sshrl.u32 s31, $0x3;
	[sflag:s12] =	ssyncset.done $0x0;
	(pc) =	sbr.rel @p0 .LBB2_8-.Ltmp5, $4  }
0xe7: {  	s13 =	sadd.s32 s5, s13;
	[sflag:s12] =	ssyncadd.s32 $0xFFFFEC00  }
0xe8: {  	[hbm4b:s13+s3] =	stream.linear.scatter [tilespmem:s14], [sflag:$0xB], $0x1400, $0x38;
	[tilespmem:$0x1FEA0] =	vst v63  }
0xe9: {  	_ =	swait.ge [sflag:s12], $0x1400  }
0xea: {  	[sflag:s12] =	ssyncset.done $0x0  }
.LBB2_9:
0xeb: {  	s26 =	sadd.s32 $0x1, s26  }
0xec: {  	p0 =	sne.s32 s26, s9  }
.Ltmp6:
0xed: {  	_ = 	snop;
	(pc) =	sbr.rel @p0 .LBB2_1-.Ltmp6, $2  }
0xee: {  	_ =	sdelay $0x2  }
0xef: {  	[sflag:s12] =	ssyncadd.s32 $0xFFFFEC00;
	s13 =	simm.s32 $0x2710  }
0xf0: {  	_ =	sfence.sel $0x180000  }
0xf1: {  	[bflag:$0x0] =	sbarrier.arrive $0xFFFF  }
0xf2: {  	_ =	strace $0x9000004A  }
0xf3: {  	s0 =	stileid.u32;
	[bflag:$0x2] =	sbarrier.arrive $0xFFFF  }
0xf4: {  	p0 =	sne.s32 s0, $0x0;
	s0 =	rddreg [dreg:$0x2]  }
0xf5: {  	s0 =	sadd.s32 @!p0 $0x100000, s0  }
0xf6: {  	[sflag:s0] =	ssyncadd.tile.s32 @!p0 $0x1;
	_ =	shalt  }
.Lfunc_end2:
_tile_overlayer_lowered:
.L_overlay_start_2:
0xf7: {  	(tag) =	ssettag $0x2  }
0xf8: {  	s0 =	rddreg [dreg:$0x0];
	s2 =	stileid.u32  }
0xf9: {  	s1 =	rddreg [dreg:$0x1];
	p0 =	sne.s32 s2, $0x0  }
0xfa: {  	s3 =	rddreg [dreg:$0x2];
	[bflag:$0x3] =	sbarrier.arrive $0xFFFF;
	s2 =	simm.s32 @!p0 $0x1C0B  }
0xfb: {  	[timem:s3], [sflag:s2] =	dma.local @!p0 [hbm:s0], s1  }
0xfc: {  	s0 =	simm.s32 @!p0 $0xB  }
0xfd: {  	_ =	swait.ge @!p0 [sflag:s0], s1  }
0xfe: {  	s1 =	ssub.s32 @!p0 $0x0, s1;
	[sflag:s0] =	ssyncset.done @!p0 $0x0  }
0xff: {  	[sflag:s0] =	ssyncadd.s32 @!p0 s1  }
0x100: {  	[bflag:$0x3] =	sbarrier.arrive $0xFFFF  }
0x101: {  	_ =	shalt  }

// kernel: kernel.15.cloned.1.call-start
scs
__scs_entry_jumppad:
0x0: {  	(pc) =	sbr.rel $0x88, $3  }
0x1: {  	(tag) =	ssettag $0x0;
	lr =	simm.s32 $0x1  }
0x2: {  	[smem:$0x3F97] =	sst lr;
	_ =	strace $0xD0000000  }
0x3: {  	_ = 	snop  }
0x4: {  	_ = 	snop  }
0x5: {  	_ = 	snop  }
0x6: {  	_ = 	snop  }
0x7: {  	_ = 	snop  }
__scs_overlays_trampoline_lowered:
0x8: {  	[smem:$0x3FA6] =	sst s0  }
0x9: {  	[smem:$0x3FA7] =	sst s1  }
0xa: {  	[smem:$0x3FA8] =	sst s2  }
0xb: {  	[smem:$0x3FA9] =	sst s3  }
0xc: {  	[smem:$0x3FAA] =	sst s4  }
0xd: {  	[smem:$0x3FAB] =	sst s5  }
0xe: {  	[smem:$0x3FAC] =	sst s6  }
0xf: {  	[smem:$0x3FAD] =	sst s7  }
0x10: {  	[smem:$0x3FAE] =	sst s8  }
0x11: {  	[smem:$0x3FAF] =	sst s9;
	s0 =	simm.s32 @!p0 $0x0  }
0x12: {  	s1 =	sld [smem:$0x3F95];
	s0 =	simm.s32 @p0 $0x1  }
0x13: {  	[smem:$0x3FB0] =	sst s0;
	s0 =	simm.s32 @!p1 $0x0  }
0x14: {  	s2 =	sld [smem:$0x3F94];
	s0 =	simm.s32 @p1 $0x1  }
0x15: {  	[smem:$0x3FB1] =	sst s0;
	s0 =	simm.s32 @!p2 $0x0  }
0x16: {  	s3 =	sld [smem:$0x3FDB];
	s0 =	simm.s32 @p2 $0x1  }
0x17: {  	s4 =	simm.s32 $0x1BF5;
	[smem:$0x3FB3] =	sst s0  }
0x18: {  	s0 =	sld [smem:$0x3F96];
	_ =	swait.ge [sflag:s4], $0x0  }
0x19: {  	s7 =	sld [smem:$0x3F97]  }
0x1a: {  	s8 =	sadd.s32 $0xFFFFE003, lr  }
0x1b: {  	s9 =	sadd.s32 $0xFFFFFEF7, lr;
	s5 =	simm.s32 $0xFFFFFFFF;
	p2 =	slt.u32 s8, $0xFFFFF086  }
0x1c: {  	p1 =	slt.u32 s9, $0xF7A;
	s5 =	simm.s32 @!p2 $0x0  }
0x1d: {  	s5 =	simm.s32 @p1 $0x1;
	p0 =	seq.s32 s7, s2  }
0x1e: {  	s7 =	smul.u32 @!p0 $0xF7A, s2;
	p2 =	seq.s32 @!p0 s5, $0x0  }
0x1f: {  	s9 =	smul.u32 $0xF7A, s1;
	s8 =	simm.s32 @!p0 $0x1BF5;
	p2 =	por !p2, p0  }
0x20: {  	[sflag:s8] =	ssyncset.s32 @!p0 $0xFFFFF086;
	s6 =	sadd.s32 @!p0 s3, s7;
	s7 =	simm.s32 @!p0 $0x108  }
0x21: {  	s3 =	sadd.s32 s3, s9;
	s6 =	sadd.s32 @!p0 $0x88, s6;
	s7 =	simm.s32 @p2 $0x1082  }
0x22: {  	[simem:s7], [sflag:s8] =	dma.local @!p0 [hbm:s6], $0xF7A  }
0x23: {  	s9 =	sor.u32 $0xD0000000, s2;
	s6 =	simm.s32 $0x108;
	_ =	swait.ge @!p0 [sflag:s8], $0x0  }
0x24: {  	s3 =	sadd.s32 $0x88, s3;
	s6 =	simm.s32 @!p1 $0x1082;
	[sflag:s4] =	ssyncset.s32 $0xFFFFF086  }
0x25: {  	[simem:s6], [sflag:s4] =	dma.local [hbm:s3], $0xF7A  }
0x26: {  	[smem:$0x3F97] =	sst s1;
	(tag) =	ssettag s2;
	_ =	strace s9  }
0x27: {  	s1 =	sld [smem:$0x3FA7]  }
0x28: {  	s2 =	sld [smem:$0x3FA8]  }
0x29: {  	s4 =	sld [smem:$0x3FAA]  }
0x2a: {  	p0 =	seq.s32 s5, $0x0;
	s5 =	sld [smem:$0x3FAB]  }
0x2b: {  	s6 =	sld [smem:$0x3FAC]  }
0x2c: {  	s7 =	sld [smem:$0x3FAD]  }
0x2d: {  	s3 =	simm.s32 $0x108;
	s8 =	sld [smem:$0x3FAE]  }
0x2e: {  	s3 =	simm.s32 @!p0 $0x1082;
	s9 =	sld [smem:$0x3FAF]  }
0x2f: {  	lr =	sadd.s32 s0, s3;
	s0 =	sld [smem:$0x3FA6]  }
0x30: {  	s3 =	sld [smem:$0x3FA9]  }
0x31: {  	[smem:$0x3FB2] =	sst s10  }
0x32: {  	s10 =	sld [smem:$0x3FB0];
	_ =	sdelay $0x3  }
0x33: {  	p0 =	seq.s32 s10, $0x1;
	s10 =	sld [smem:$0x3FB2];
	_ =	sdelay $0x3  }
0x34: {  	[smem:$0x3FB2] =	sst s10  }
0x35: {  	s10 =	sld [smem:$0x3FB1];
	_ =	sdelay $0x3  }
0x36: {  	p1 =	seq.s32 s10, $0x1;
	s10 =	sld [smem:$0x3FB2];
	_ =	sdelay $0x3  }
0x37: {  	[smem:$0x3FB2] =	sst s10  }
0x38: {  	s10 =	sld [smem:$0x3FB3]  }
0x39: {  	_ = 	snop;
	(pc) =	sbr.ind lr, $3  }
0x3a: {  	_ = 	snop  }
0x3b: {  	_ = 	snop  }
0x3c: {  	p2 =	seq.s32 s10, $0x1;
	s10 =	sld [smem:$0x3FB2]  }
0x3d: {  	_ =	shalt  }
0x3e: {  	_ =	shalt  }
0x3f: {  	_ =	shalt  }
0x40: {  	_ =	shalt  }
0x41: {  	_ =	shalt  }
0x42: {  	_ =	shalt  }
0x43: {  	_ =	shalt  }
0x44: {  	_ =	shalt  }
0x45: {  	_ =	shalt  }
0x46: {  	_ =	shalt  }
0x47: {  	_ =	shalt  }
0x48: {  	_ =	shalt  }
0x49: {  	_ =	shalt  }
0x4a: {  	_ =	shalt  }
0x4b: {  	_ =	shalt  }
0x4c: {  	_ =	shalt  }
0x4d: {  	_ =	shalt  }
0x4e: {  	_ =	shalt  }
0x4f: {  	_ =	shalt  }
0x50: {  	_ =	shalt  }
0x51: {  	_ =	shalt  }
0x52: {  	_ =	shalt  }
0x53: {  	_ =	shalt  }
0x54: {  	_ =	shalt  }
0x55: {  	_ =	shalt  }
0x56: {  	_ =	shalt  }
0x57: {  	_ =	shalt  }
0x58: {  	_ =	shalt  }
0x59: {  	_ =	shalt  }
0x5a: {  	_ =	shalt  }
0x5b: {  	_ =	shalt  }
0x5c: {  	_ =	shalt  }
0x5d: {  	_ =	shalt  }
0x5e: {  	_ =	shalt  }
0x5f: {  	_ =	shalt  }
0x60: {  	_ =	shalt  }
0x61: {  	_ =	shalt  }
0x62: {  	_ =	shalt  }
0x63: {  	_ =	shalt  }
0x64: {  	_ =	shalt  }
0x65: {  	_ =	shalt  }
0x66: {  	_ =	shalt  }
0x67: {  	_ =	shalt  }
0x68: {  	_ =	shalt  }
0x69: {  	_ =	shalt  }
0x6a: {  	_ =	shalt  }
0x6b: {  	_ =	shalt  }
0x6c: {  	_ =	shalt  }
0x6d: {  	_ =	shalt  }
0x6e: {  	_ =	shalt  }
0x6f: {  	_ =	shalt  }
0x70: {  	_ =	shalt  }
0x71: {  	_ =	shalt  }
0x72: {  	_ =	shalt  }
0x73: {  	_ =	shalt  }
0x74: {  	_ =	shalt  }
0x75: {  	_ =	shalt  }
0x76: {  	_ =	shalt  }
0x77: {  	_ =	shalt  }
0x78: {  	_ =	shalt  }
0x79: {  	_ =	shalt  }
0x7a: {  	_ =	shalt  }
0x7b: {  	_ =	shalt  }
0x7c: {  	_ =	shalt  }
0x7d: {  	_ =	shalt  }
0x7e: {  	_ =	shalt  }
0x7f: {  	_ =	shalt  }
0x80: {  	_ =	shalt  }
0x81: {  	_ =	shalt  }
0x82: {  	_ =	shalt  }
0x83: {  	_ =	shalt  }
0x84: {  	_ =	shalt  }
0x85: {  	_ =	shalt  }
0x86: {  	_ =	shalt  }
0x87: {  	_ =	shalt  }
.Lfunc_end0:
.L_simem_size_0:
called_computation.2_lowered:
.L_overlay_start_0:
0x88: {  	s2 =	sld [smem:$0x3FD9]  }
0x89: {  	s3 =	sld [smem:$0x3FFE];
	_ =	sdelay $0x1  }
0x8a: {  	s1 =	srdreg.scid  }
0x8b: {  	s0 =	sand.u32 $0x1, s1  }
0x8c: {  	s16 =	sshll.u32 s0, $0xA;
	s2 =	sadd.s32 s3, s2  }
0x8d: {  	s2 =	sadd.s32 s2, s16  }
0x8e: {  	[smem:$0x3FBE] =	sst s2  }
0x8f: {  	_ = 	snop  }
0x90: {  	(tm) =	ssettm $0x1  }
0x91: {  	s17 =	sld [smem:$0x3FFB];
	_ =	sdelay $0x3  }
0x92: {  	_ =	strace s17  }
0x93: {  	s2 =	sld [smem:$0x3FFC];
	_ =	sdelay $0x3  }
0x94: {  	_ =	strace s2  }
0x95: {  	s2 =	sld [smem:$0x3FFD];
	_ =	sdelay $0x3  }
0x96: {  	_ =	strace s2  }
0x97: {  	_ =	strace $0x8FFFFFFF  }
0x98: {  	s18 =	sld [smem:$0x3FDB];
	_ =	sdelay $0x1  }
0x99: {  	s19 =	simm.s32 $_scs_section_size  }
0x9a: {  	s4 =	simm.s32 $_size__tile_overlayer_lowered;
	s5 =	simm.s32 $_tile_overlayer_lowered  }
0x9b: {  	s22 =	simm.s32 $0x1BFF;
	s21 =	sshll.u32 s5, $0x1;
	s2 =	sadd.s32 s19, s18  }
0x9c: {  	s6 =	simm.s32 $0x0;
	s20 =	sshll.u32 s4, $0x1;
	s4 =	sadd.s32 s21, s2  }
0x9d: {  	[timem:s6], [sflag:s22] =	dma.local [hbm:s4], s20  }
0x9e: {  	_ =	swait.ge [sflag:s22], s20  }
0x9f: {  	s3 =	ssub.s32 $0x0, s20;
	[sflag:s22] =	ssyncset.done $0x0  }
0xa0: {  	[sflag:s22] =	ssyncadd.s32 s3;
	_ =	sdelay $0x1  }
0xa1: {  	s23 =	simm.s32 $0x1B8B  }
0xa2: {  	_ =	swait.ge [sflag:s23], $0x1  }
0xa3: {  	[sflag:s23] =	ssyncset.done $0x0  }
0xa4: {  	s25 =	simm.s32 $0x1B8E;
	s24 =	sld [smem:$0x3FFE];
	[sflag:s23] =	ssyncadd.s32 $0xFFFFFFFF  }
0xa5: {  	s26 =	simm.s32 $execute0_lowered;
	[smem:$0x3FD2] =	sst s25  }
0xa6: {  	s4 =	sshll.u32 s26, $0x1;
	_ =	strace $0x8000004C;
	[dreg:$0x1] =	wrdreg $0xFFFFFFFF  }
0xa7: {  	s28 =	simm.s32 $_size_execute0_lowered;
	s2 =	sadd.s32 s2, s4;
	[dreg:$0x0] =	wrdreg $0x0  }
0xa8: {  	s4 =	sshll.u32 s28, $0x1;
	[dreg:$0x2] =	wrdreg s2  }
0xa9: {  	[dreg:$0x3] =	wrdreg s4  }
0xaa: {  	[dreg:$0x4] =	wrdreg $0xC0  }
0xab: {  	_ =	task [dreg:s6], $0x5FFFF  }
0xac: {  	[dreg:$0x1] =	wrdreg $0xFFFFFFFF  }
0xad: {  	[dreg:$0x0] =	wrdreg $0x60  }
0xae: {  	[dreg:$0x2] =	wrdreg s24  }
0xaf: {  	[dreg:$0x3] =	wrdreg $0xC6200  }
0xb0: {  	[dreg:$0x4] =	wrdreg $0x9  }
0xb1: {  	_ =	task.clear_ibuf [dreg:s6], $0x5FFFF;
	_ =	strace $0x9000004C  }
0xb2: {  	s29 =	simm.s32 $0x9;
	_ =	strace $0x8000004E  }
0xb3: {  	_ =	swait.ge [sflag:s29], $0x1  }
0xb4: {  	[sflag:s29] =	ssyncadd.s32 $0xFFFFFFFF  }
0xb5: {  	_ =	strace $0x9000004E  }
0xb6: {  	_ =	sfence  }
0xb7: {  	s30 =	sld [smem:$0x0];
	_ =	sdelay $0x2  }
0xb8: {  	s31 =	sshll.u32 s1, $0xD;
	s1 =	sshrl.u32 s1, $0x2  }
0xb9: {  	s3 =	sand.u32 $0x4000, s31;
	s1 =	sadd.s32 s1, s30  }
0xba: {  	s0 =	sor.u32 s3, s0;
	s1 =	sshll.u32 s1, $0x11  }
0xbb: {  	s0 =	sor.u32 s1, s0  }
0xbc: {  	s0 =	sadd.s32 $0x8F2B, s0  }
0xbd: {  	[sflag:s0] =	ssyncadd.remote.s32 $0x1  }
0xbe: {  	_ =	sfence.sel $0xFFFF  }
0xbf: {  	[dreg:$0x0] =	wrdreg $0xFFFFFFFF;
	(pc) =	sbr.abs _section_cstart, $3  }
0xc0: {  	[dreg:$0x1] =	wrdreg $0xFFFFFFFF  }
0xc1: {  	_ =	task.clear_ibuf [dreg:s6], $0x2FFFF;
	_ =	strace $0x9FFFFFFF  }
0xc2: {  	(tm) =	ssettm $0x7FFFFFFF  }
0xc3: {  	_ =	shalt  }
tec
execute0_lowered:
.L_overlay_start_1:
0x0: {  	(tag) =	ssettag $0x1  }
0x1: {  	s0 =	rddreg [dreg:$0x0]  }
0x2: {  	s1 =	srdreg.scid;
	s9 =	stileid.u32  }
0x3: {  	s2 =	rddreg [dreg:$0x1];
	s3 =	simm.s32 $0x0;
	s8 =	simm.s32 $0x10  }
0x4: {  	s12 =	simm.s32 $0xB;
	s13 =	simm.s32 $0x2710;
	s14 =	simm.s32 $0xB220  }
0x5: {  	s15 =	simm.s32 $0x28;
	s16 =	simm.s32 $0x4E20;
	s17 =	simm.s32 $0x6220  }
0x6: {  	s19 =	simm.s32 $0x7620;
	s21 =	simm.s32 $0x8A20;
	s22 =	simm.s32 $0x1  }
0x7: {  	s24 =	simm.s32 $0x9E20;
	s28 =	simm.s32 $0x6;
	s30 =	simm.s32 $0x3  }
0x8: {  	s18 =	simm.s32 $0x4;
	s23 =	simm.s32 $0x8;
	s29 =	simm.s32 $0x5  }
0x9: {  	s20 =	simm.s32 $0xA;
	s1 =	sand.u32 $0x1, s1;
	s31 =	smul.u32 $0x5000, s9  }
0xa: {  	s4 =	sshll.u32 s9, $0x1;
	[smem:$0x7FF] =	sst s3;
	s10 =	smul.u32 $0x1400, s9  }
0xb: {  	s4 =	sor.u32 s1, s4;
	s6 =	ssub.s32 $0x2, s1;
	s1 =	smul.u32 $0x138800, s1  }
0xc: {  	p0 =	slt.u32 s9, $0xA;
	_ =	strace $0x8000004D;
	s5 =	smul.u32 $0x4E2, s4  }
0xd: {  	s8 =	simm.s32 @!p0 $0xF;
	s4 =	sadd.s32 $0x16800, s0;
	s25 =	sshrl.u32 s6, $0x1  }
0xe: {  	s11 =	sadd.s32 s10, s1;
	s1 =	simm.s32 $0x7;
	s7 =	sadd.s32 s5, s0  }
0xf: {  	s5 =	sadd.s32 $0x3DA00, s0;
	s0 =	ssub.s32 s6, s25;
	s6 =	sshrl.u32 s31, $0x2  }
0x10: {  	s25 =	simm.s32 $0x2;
	s26 =	sadd.s32 $0x2C00, s7;
	s7 =	sadd.s32 $0xCA00, s7  }
0x11: {  	s9 =	smax.u32 s0, $0x1;
	s0 =	simm.s32 $0x9;
	[dreg:$0x3] =	wrdreg s26  }
0x12: {  	v0 =	vimm.f32 $0.0e+00;
	[dreg:$0x4] =	wrdreg s7;
	s7 =	sadd.s32 s6, s2;
	s26 =	simm.s32 $0x0  }
.LBB2_1:
0x13: {  	s6 =	rddreg [dreg:$0x3]  }
0x14: {  	[tilespmem:s3], [sflag:$0xB] =	stream.linear.gather [hbm4b:s6+s3], $0x2710, $0x38;
	[tilespmem:$0x1FEA0] =	vst v63  }
0x15: {  	_ =	swait.ge [sflag:s12], $0x2710  }
0x16: {  	[sflag:s12] =	ssyncset.done $0x0  }
0x17: {  	s31 =	rddreg [dreg:$0x4];
	[sflag:s12] =	ssyncadd.s32 $0xFFFFD8F0  }
0x18: {  	[tilespmem:s13], [sflag:$0xB] =	stream.linear.gather [hbm4b:s31+s3], $0x2710, $0x38;
	[tilespmem:$0x1FEA0] =	vst v63  }
0x19: {  	_ =	swait.ge [sflag:s12], $0x2710  }
0x1a: {  	[sflag:s12] =	ssyncset.done $0x0  }
0x1b: {  	s10 =	simm.s32 $0x200;
	s6 =	simm.s32 $0x0;
	[sflag:s12] =	ssyncadd.s32 $0xFFFFD8F0  }
.LBB2_2:
0x1c: {  	p0 =	sne.s32 s10, $0x4E00;
	[tilespmem:s6+$0xB290] =	vst v0  }
0x1d: {  	[tilespmem:s6+$0xB220] =	vst v0  }
0x1e: {  	[tilespmem:s6+$0xB230] =	vst v0  }
.Ltmp0:
0x1f: {  	[tilespmem:s6+$0xB240] =	vst v0;
	(pc) =	sbr.rel @p0 .LBB2_2-.Ltmp0, $4  }
0x20: {  	[tilespmem:s6+$0xB250] =	vst v0  }
0x21: {  	[tilespmem:s6+$0xB260] =	vst v0  }
0x22: {  	[tilespmem:s6+$0xB270] =	vst v0  }
0x23: {  	[tilespmem:s6+$0xB280] =	vst v0;
	s6 =	sshra.s32 s10, $0x2;
	s10 =	sadd.s32 $0x200, s10  }
0x24: {  	[tilespmem:s6+$0xB290] =	vst v0  }
0x25: {  	[tilespmem:s6+$0xB220] =	vst v0  }
0x26: {  	[tilespmem:s6+$0xB230] =	vst v0  }
0x27: {  	[tilespmem:s6+$0xB240] =	vst v0  }
0x28: {  	[tilespmem:s6+$0xB250] =	vst v0  }
0x29: {  	[tilespmem:s6+$0xB260] =	vst v0;
	p0 =	sne.s32 s8, $0x1  }
.Ltmp1:
0x2a: {  	[tilespmem:s6+$0xB270] =	vst v0;
	(pc) =	sbr.rel @!p0 .LBB2_5-.Ltmp1, $4  }
0x2b: {  	[tilespmem:s6+$0xB280] =	vst v0  }
0x2c: {  	[spmem:s7] =	stream.linear.scatter [tilespmem:s14], [sflag:$0xB], $0x1400, $0x38;
	[tilespmem:$0x1FEA0] =	vst v63  }
0x2d: {  	_ =	swait.ge [sflag:s12], $0x1400  }
0x2e: {  	s6 =	sadd.s32 $0xFFFFFFFF, s8;
	s10 =	smov.u32 s7;
	[sflag:s12] =	ssyncset.done $0x0  }
.LBB2_4:
0x2f: {  	p1 =	sne.s32 s6, $0x1;
	[sflag:s12] =	ssyncadd.s32 $0xFFFFEC00;
	s10 =	sadd.s32 $0x14000, s10  }
.Ltmp2:
0x30: {  	s6 =	sadd.s32 $0xFFFFFFFF, s6;
	(pc) =	sbr.rel @p1 .LBB2_4-.Ltmp2, $4  }
0x31: {  	_ = 	snop  }
0x32: {  	[spmem:s10] =	stream.linear.scatter [tilespmem:s14], [sflag:$0xB], $0x1400, $0x38;
	[tilespmem:$0x1FEA0] =	vst v63  }
0x33: {  	_ =	swait.ge [sflag:s12], $0x1400  }
0x34: {  	[sflag:s12] =	ssyncset.done $0x0  }
.LBB2_5:
0x35: {  	[sflag:s12] =	ssyncadd.s32 $0xFFFFEC00  }
0x36: {  	s6 =	simm.s32 $0x0;
	[bflag:$0x0] =	sbarrier.arrive $0xFFFF  }
0x37: {  	[tilespmem:s16], [sflag:$0x1] =	stream.indirect.gather [hbm4b:s4+s15], $0x80, s6, s15, $0xb8;
	[tilespmem:$0x1FEA0] =	vst v63  }
0x38: {  	_ = 	snop  }
0x39: {  	[tilespmem:s17], [sflag:$0x2] =	stream.indirect.gather [hbm4b:s4+s15], $0x80, s15, s15, $0xb8;
	[tilespmem:$0x1FEA0] =	vst v63  }
0x3a: {  	s10 =	simm.s32 $0x50  }
0x3b: {  	[tilespmem:s19], [sflag:$0x3] =	stream.indirect.gather [hbm4b:s4+s15], $0x80, s10, s15, $0xb8;
	[tilespmem:$0x1FEA0] =	vst v63  }
0x3c: {  	s10 =	simm.s32 $0x78  }
0x3d: {  	[tilespmem:s21], [sflag:$0x4] =	stream.indirect.gather [hbm4b:s4+s15], $0x80, s10, s15, $0xb8;
	[tilespmem:$0x1FEA0] =	vst v63  }
0x3e: {  	_ =	swait.ge [sflag:s22], $0x1400  }
0x3f: {  	[sflag:s22] =	ssyncset.done $0x0  }
0x40: {  	[sflag:s22] =	ssyncadd.s32 $0xFFFFEC00  }
0x41: {  	[spmem:s2] =	stream.indirect.scatter.add.f32 [tilespmem:s16], [sflag:$0x6], $0x80, s13, s15, $0xb8;
	[tilespmem:$0x1FEA0] =	vst v63  }
0x42: {  	s13 =	simm.s32 $0xA0  }
0x43: {  	[tilespmem:s24], [sflag:$0x5] =	stream.indirect.gather [hbm4b:s4+s15], $0x80, s13, s15, $0xb8;
	[tilespmem:$0x1FEA0] =	vst v63  }
0x44: {  	_ =	swait.ge [sflag:s25], $0x1400  }
0x45: {  	[sflag:s25] =	ssyncset.done $0x0  }
0x46: {  	s10 =	simm.s32 $0x2738;
	[sflag:s25] =	ssyncadd.s32 $0xFFFFEC00  }
0x47: {  	[spmem:s2] =	stream.indirect.scatter.add.f32 [tilespmem:s17], [sflag:$0x7], $0x80, s10, s15, $0xb8;
	[tilespmem:$0x1FEA0] =	vst v63  }
0x48: {  	_ =	swait.ge [sflag:s28], $0x1400  }
0x49: {  	[sflag:s28] =	ssyncset.done $0x0  }
0x4a: {  	s13 =	simm.s32 $0xC8;
	[sflag:s28] =	ssyncadd.s32 $0xFFFFEC00  }
0x4b: {  	[tilespmem:s16], [sflag:$0x1] =	stream.indirect.gather [hbm4b:s4+s15], $0x80, s13, s15, $0xb8;
	[tilespmem:$0x1FEA0] =	vst v63  }
0x4c: {  	_ =	swait.ge [sflag:s30], $0x1400  }
0x4d: {  	[sflag:s30] =	ssyncset.done $0x0  }
0x4e: {  	s10 =	simm.s32 $0x2760;
	[sflag:s30] =	ssyncadd.s32 $0xFFFFEC00  }
0x4f: {  	[spmem:s2] =	stream.indirect.scatter.add.f32 [tilespmem:s19], [sflag:$0x8], $0x80, s10, s15, $0xb8;
	[tilespmem:$0x1FEA0] =	vst v63  }
0x50: {  	_ =	swait.ge [sflag:s1], $0x1400  }
0x51: {  	[sflag:s1] =	ssyncset.done $0x0  }
0x52: {  	s13 =	simm.s32 $0xF0;
	[sflag:s1] =	ssyncadd.s32 $0xFFFFEC00  }
0x53: {  	[tilespmem:s17], [sflag:$0x2] =	stream.indirect.gather [hbm4b:s4+s15], $0x80, s13, s15, $0xb8;
	[tilespmem:$0x1FEA0] =	vst v63  }
0x54: {  	_ =	swait.ge [sflag:s18], $0x1400  }
0x55: {  	[sflag:s18] =	ssyncset.done $0x0  }
0x56: {  	s10 =	simm.s32 $0x2788;
	[sflag:s18] =	ssyncadd.s32 $0xFFFFEC00  }
0x57: {  	[spmem:s2] =	stream.indirect.scatter.add.f32 [tilespmem:s21], [sflag:$0x9], $0x80, s10, s15, $0xb8;
	[tilespmem:$0x1FEA0] =	vst v63  }
0x58: {  	_ =	swait.ge [sflag:s23], $0x1400  }
0x59: {  	[sflag:s23] =	ssyncset.done $0x0  }
0x5a: {  	s13 =	simm.s32 $0x118;
	[sflag:s23] =	ssyncadd.s32 $0xFFFFEC00  }
0x5b: {  	[tilespmem:s19], [sflag:$0x3] =	stream.indirect.gather [hbm4b:s4+s15], $0x80, s13, s15, $0xb8;
	[tilespmem:$0x1FEA0] =	vst v63  }
0x5c: {  	_ =	swait.ge [sflag:s29], $0x1400  }
0x5d: {  	[sflag:s29] =	ssyncset.done $0x0  }
0x5e: {  	s10 =	simm.s32 $0x27B0;
	[sflag:s29] =	ssyncadd.s32 $0xFFFFEC00  }
0x5f: {  	[spmem:s2] =	stream.indirect.scatter.add.f32 [tilespmem:s24], [sflag:$0xA], $0x80, s10, s15, $0xb8;
	[tilespmem:$0x1FEA0] =	vst v63  }
0x60: {  	_ =	swait.ge [sflag:s0], $0x1400  }
0x61: {  	[sflag:s0] =	ssyncset.done $0x0  }
0x62: {  	s13 =	simm.s32 $0x140;
	[sflag:s0] =	ssyncadd.s32 $0xFFFFEC00  }
0x63: {  	[tilespmem:s21], [sflag:$0x4] =	stream.indirect.gather [hbm4b:s4+s15], $0x80, s13, s15, $0xb8;
	[tilespmem:$0x1FEA0] =	vst v63  }
0x64: {  	_ =	swait.ge [sflag:s22], $0x1400  }
0x65: {  	[sflag:s22] =	ssyncset.done $0x0  }
0x66: {  	s10 =	simm.s32 $0x27D8;
	[sflag:s22] =	ssyncadd.s32 $0xFFFFEC00  }
0x67: {  	[spmem:s2] =	stream.indirect.scatter.add.f32 [tilespmem:s16], [sflag:$0x6], $0x80, s10, s15, $0xb8;
	[tilespmem:$0x1FEA0] =	vst v63  }
0x68: {  	_ =	swait.ge [sflag:s20], $0x1400  }
0x69: {  	[sflag:s20] =	ssyncset.done $0x0  }
0x6a: {  	s13 =	simm.s32 $0x168;
	[sflag:s20] =	ssyncadd.s32 $0xFFFFEC00  }
0x6b: {  	[tilespmem:s24], [sflag:$0x5] =	stream.indirect.gather [hbm4b:s4+s15], $0x80, s13, s15, $0xb8;
	[tilespmem:$0x1FEA0] =	vst v63  }
0x6c: {  	_ =	swait.ge [sflag:s25], $0x1400  }
0x6d: {  	[sflag:s25] =	ssyncset.done $0x0  }
0x6e: {  	s10 =	simm.s32 $0x2800;
	[sflag:s25] =	ssyncadd.s32 $0xFFFFEC00  }
0x6f: {  	[spmem:s2] =	stream.indirect.scatter.add.f32 [tilespmem:s17], [sflag:$0x7], $0x80, s10, s15, $0xb8;
	[tilespmem:$0x1FEA0] =	vst v63  }
0x70: {  	_ =	swait.ge [sflag:s28], $0x1400  }
0x71: {  	[sflag:s28] =	ssyncset.done $0x0  }
0x72: {  	s13 =	simm.s32 $0x190;
	[sflag:s28] =	ssyncadd.s32 $0xFFFFEC00  }
0x73: {  	[tilespmem:s16], [sflag:$0x1] =	stream.indirect.gather [hbm4b:s4+s15], $0x80, s13, s15, $0xb8;
	[tilespmem:$0x1FEA0] =	vst v63  }
0x74: {  	_ =	swait.ge [sflag:s30], $0x1400  }
0x75: {  	[sflag:s30] =	ssyncset.done $0x0  }
0x76: {  	s10 =	simm.s32 $0x2828;
	[sflag:s30] =	ssyncadd.s32 $0xFFFFEC00  }
0x77: {  	[spmem:s2] =	stream.indirect.scatter.add.f32 [tilespmem:s19], [sflag:$0x8], $0x80, s10, s15, $0xb8;
	[tilespmem:$0x1FEA0] =	vst v63  }
0x78: {  	_ =	swait.ge [sflag:s1], $0x1400  }
0x79: {  	[sflag:s1] =	ssyncset.done $0x0  }
0x7a: {  	s13 =	simm.s32 $0x1B8;
	[sflag:s1] =	ssyncadd.s32 $0xFFFFEC00  }
0x7b: {  	[tilespmem:s17], [sflag:$0x2] =	stream.indirect.gather [hbm4b:s4+s15], $0x80, s13, s15, $0xb8;
	[tilespmem:$0x1FEA0] =	vst v63  }
0x7c: {  	_ =	swait.ge [sflag:s18], $0x1400  }
0x7d: {  	[sflag:s18] =	ssyncset.done $0x0  }
0x7e: {  	s10 =	simm.s32 $0x2850;
	[sflag:s18] =	ssyncadd.s32 $0xFFFFEC00  }
0x7f: {  	[spmem:s2] =	stream.indirect.scatter.add.f32 [tilespmem:s21], [sflag:$0x9], $0x80, s10, s15, $0xb8;
	[tilespmem:$0x1FEA0] =	vst v63  }
0x80: {  	_ =	swait.ge [sflag:s23], $0x1400  }
0x81: {  	[sflag:s23] =	ssyncset.done $0x0  }
0x82: {  	s13 =	simm.s32 $0x1E0;
	[sflag:s23] =	ssyncadd.s32 $0xFFFFEC00  }
0x83: {  	[tilespmem:s19], [sflag:$0x3] =	stream.indirect.gather [hbm4b:s4+s15], $0x80, s13, s15, $0xb8;
	[tilespmem:$0x1FEA0] =	vst v63  }
0x84: {  	_ =	swait.ge [sflag:s29], $0x1400  }
0x85: {  	[sflag:s29] =	ssyncset.done $0x0  }
0x86: {  	s31 =	simm.s32 $0x320;
	s6 =	simm.s32 $0x2878;
	[sflag:s29] =	ssyncadd.s32 $0xFFFFEC00  }
.LBB2_6:
0x87: {  	[spmem:s2] =	stream.indirect.scatter.add.f32 [tilespmem:s24], [sflag:$0xA], $0x80, s6, s15, $0xb8;
	[tilespmem:$0x1FEA0] =	vst v63  }
0x88: {  	s6 =	smov.u32 s31;
	s31 =	sadd.s32 $0x320, s31;
	_ =	swait.ge [sflag:s0], $0x1400  }
0x89: {  	s6 =	sshra.s32 s6, $0x2;
	p1 =	sne.s32 s31, $0x9600;
	[sflag:s0] =	ssyncset.done $0x0  }
0x8a: {  	s10 =	sadd.s32 $0x140, s6;
	[sflag:s0] =	ssyncadd.s32 $0xFFFFEC00  }
0x8b: {  	[tilespmem:s21], [sflag:$0x4] =	stream.indirect.gather [hbm4b:s4+s15], $0x80, s10, s15, $0xb8;
	[tilespmem:$0x1FEA0] =	vst v63  }
0x8c: {  	_ =	swait.ge [sflag:s22], $0x1400  }
0x8d: {  	[sflag:s22] =	ssyncset.done $0x0  }
0x8e: {  	s10 =	sadd.s32 $0x27D8, s6;
	[sflag:s22] =	ssyncadd.s32 $0xFFFFEC00  }
0x8f: {  	[spmem:s2] =	stream.indirect.scatter.add.f32 [tilespmem:s16], [sflag:$0x6], $0x80, s10, s15, $0xb8;
	[tilespmem:$0x1FEA0] =	vst v63  }
0x90: {  	_ =	swait.ge [sflag:s20], $0x1400  }
0x91: {  	[sflag:s20] =	ssyncset.done $0x0  }
0x92: {  	s10 =	sadd.s32 $0x168, s6;
	[sflag:s20] =	ssyncadd.s32 $0xFFFFEC00  }
0x93: {  	[tilespmem:s24], [sflag:$0x5] =	stream.indirect.gather [hbm4b:s4+s15], $0x80, s10, s15, $0xb8;
	[tilespmem:$0x1FEA0] =	vst v63  }
0x94: {  	_ =	swait.ge [sflag:s25], $0x1400  }
0x95: {  	[sflag:s25] =	ssyncset.done $0x0  }
0x96: {  	s10 =	sadd.s32 $0x2800, s6;
	[sflag:s25] =	ssyncadd.s32 $0xFFFFEC00  }
0x97: {  	[spmem:s2] =	stream.indirect.scatter.add.f32 [tilespmem:s17], [sflag:$0x7], $0x80, s10, s15, $0xb8;
	[tilespmem:$0x1FEA0] =	vst v63  }
0x98: {  	_ =	swait.ge [sflag:s28], $0x1400  }
0x99: {  	[sflag:s28] =	ssyncset.done $0x0  }
0x9a: {  	s10 =	sadd.s32 $0x190, s6;
	[sflag:s28] =	ssyncadd.s32 $0xFFFFEC00  }
0x9b: {  	[tilespmem:s16], [sflag:$0x1] =	stream.indirect.gather [hbm4b:s4+s15], $0x80, s10, s15, $0xb8;
	[tilespmem:$0x1FEA0] =	vst v63  }
0x9c: {  	_ =	swait.ge [sflag:s30], $0x1400  }
0x9d: {  	[sflag:s30] =	ssyncset.done $0x0  }
0x9e: {  	s10 =	sadd.s32 $0x2828, s6;
	[sflag:s30] =	ssyncadd.s32 $0xFFFFEC00  }
0x9f: {  	[spmem:s2] =	stream.indirect.scatter.add.f32 [tilespmem:s19], [sflag:$0x8], $0x80, s10, s15, $0xb8;
	[tilespmem:$0x1FEA0] =	vst v63  }
0xa0: {  	_ =	swait.ge [sflag:s1], $0x1400  }
0xa1: {  	[sflag:s1] =	ssyncset.done $0x0  }
0xa2: {  	s10 =	sadd.s32 $0x1B8, s6;
	[sflag:s1] =	ssyncadd.s32 $0xFFFFEC00  }
0xa3: {  	[tilespmem:s17], [sflag:$0x2] =	stream.indirect.gather [hbm4b:s4+s15], $0x80, s10, s15, $0xb8;
	[tilespmem:$0x1FEA0] =	vst v63  }
0xa4: {  	_ =	swait.ge [sflag:s18], $0x1400  }
0xa5: {  	[sflag:s18] =	ssyncset.done $0x0  }
0xa6: {  	s10 =	sadd.s32 $0x2850, s6;
	[sflag:s18] =	ssyncadd.s32 $0xFFFFEC00  }
0xa7: {  	[spmem:s2] =	stream.indirect.scatter.add.f32 [tilespmem:s21], [sflag:$0x9], $0x80, s10, s15, $0xb8;
	[tilespmem:$0x1FEA0] =	vst v63  }
0xa8: {  	_ =	swait.ge [sflag:s23], $0x1400  }
0xa9: {  	[sflag:s23] =	ssyncset.done $0x0  }
.Ltmp3:
0xaa: {  	s10 =	sadd.s32 $0x1E0, s6;
	[sflag:s23] =	ssyncadd.s32 $0xFFFFEC00;
	(pc) =	sbr.rel @p1 .LBB2_6-.Ltmp3, $4  }
0xab: {  	[tilespmem:s19], [sflag:$0x3] =	stream.indirect.gather [hbm4b:s4+s15], $0x80, s10, s15, $0xb8;
	[tilespmem:$0x1FEA0] =	vst v63  }
0xac: {  	_ =	swait.ge [sflag:s29], $0x1400  }
0xad: {  	[sflag:s29] =	ssyncset.done $0x0  }
0xae: {  	s6 =	sadd.s32 $0x2878, s6;
	[sflag:s29] =	ssyncadd.s32 $0xFFFFEC00  }
0xaf: {  	[spmem:s2] =	stream.indirect.scatter.add.f32 [tilespmem:s24], [sflag:$0xA], $0x80, s6, s15, $0xb8;
	[tilespmem:$0x1FEA0] =	vst v63  }
0xb0: {  	_ =	swait.ge [sflag:s0], $0x1400  }
0xb1: {  	s6 =	sshra.s32 s31, $0x2;
	[sflag:s0] =	ssyncset.done $0x0  }
0xb2: {  	s10 =	sadd.s32 $0x140, s6;
	[sflag:s0] =	ssyncadd.s32 $0xFFFFEC00  }
0xb3: {  	[tilespmem:s21], [sflag:$0x4] =	stream.indirect.gather [hbm4b:s4+s15], $0x80, s10, s15, $0xb8;
	[tilespmem:$0x1FEA0] =	vst v63  }
0xb4: {  	_ =	swait.ge [sflag:s22], $0x1400  }
0xb5: {  	[sflag:s22] =	ssyncset.done $0x0  }
0xb6: {  	s13 =	sadd.s32 $0x27D8, s6;
	[sflag:s22] =	ssyncadd.s32 $0xFFFFEC00  }
0xb7: {  	[spmem:s2] =	stream.indirect.scatter.add.f32 [tilespmem:s16], [sflag:$0x6], $0x80, s13, s15, $0xb8;
	[tilespmem:$0x1FEA0] =	vst v63  }
0xb8: {  	_ =	swait.ge [sflag:s20], $0x1400  }
0xb9: {  	[sflag:s20] =	ssyncset.done $0x0  }
0xba: {  	s13 =	simm.s32 $0x26E8;
	[sflag:s20] =	ssyncadd.s32 $0xFFFFEC00  }
0xbb: {  	[tilespmem:s24], [sflag:$0x5] =	stream.indirect.gather [hbm4b:s4+s15], $0x80, s13, s15, $0xb8;
	[tilespmem:$0x1FEA0] =	vst v63  }
0xbc: {  	_ =	swait.ge [sflag:s25], $0x1400  }
0xbd: {  	[sflag:s25] =	ssyncset.done $0x0  }
0xbe: {  	s13 =	sadd.s32 $0x2800, s6;
	[sflag:s25] =	ssyncadd.s32 $0xFFFFEC00  }
0xbf: {  	[spmem:s2] =	stream.indirect.scatter.add.f32 [tilespmem:s17], [sflag:$0x7], $0x80, s13, s15, $0xb8;
	[tilespmem:$0x1FEA0] =	vst v63  }
0xc0: {  	_ =	swait.ge [sflag:s30], $0x1400  }
0xc1: {  	[sflag:s30] =	ssyncset.done $0x0  }
0xc2: {  	s13 =	sadd.s32 $0x2828, s6;
	[sflag:s30] =	ssyncadd.s32 $0xFFFFEC00  }
0xc3: {  	[spmem:s2] =	stream.indirect.scatter.add.f32 [tilespmem:s19], [sflag:$0x8], $0x80, s13, s15, $0xb8;
	[tilespmem:$0x1FEA0] =	vst v63  }
0xc4: {  	_ =	swait.ge [sflag:s18], $0x1400  }
0xc5: {  	[sflag:s18] =	ssyncset.done $0x0  }
0xc6: {  	s6 =	sadd.s32 $0x2850, s6;
	[sflag:s18] =	ssyncadd.s32 $0xFFFFEC00  }
0xc7: {  	[spmem:s2] =	stream.indirect.scatter.add.f32 [tilespmem:s21], [sflag:$0x9], $0x80, s6, s15, $0xb8;
	[tilespmem:$0x1FEA0] =	vst v63  }
0xc8: {  	_ =	swait.ge [sflag:s29], $0x1400  }
0xc9: {  	[sflag:s29] =	ssyncset.done $0x0  }
0xca: {  	s10 =	simm.s32 $0x4DF8;
	[sflag:s29] =	ssyncadd.s32 $0xFFFFEC00  }
0xcb: {  	[spmem:s2] =	stream.indirect.scatter.add.f32 [tilespmem:s24], [sflag:$0xA], $0x80, s10, s15, $0xb8;
	[tilespmem:$0x1FEA0] =	vst v63  }
0xcc: {  	_ =	swait.ge [sflag:s28], $0x1400  }
0xcd: {  	[sflag:s28] =	ssyncset.done $0x0  }
0xce: {  	[sflag:s28] =	ssyncadd.s32 $0xFFFFEC00  }
0xcf: {  	_ =	swait.ge [sflag:s1], $0x1400  }
0xd0: {  	[sflag:s1] =	ssyncset.done $0x0  }
0xd1: {  	[sflag:s1] =	ssyncadd.s32 $0xFFFFEC00  }
0xd2: {  	_ =	swait.ge [sflag:s23], $0x1400  }
0xd3: {  	[sflag:s23] =	ssyncset.done $0x0  }
0xd4: {  	[sflag:s23] =	ssyncadd.s32 $0xFFFFEC00  }
0xd5: {  	_ =	swait.ge [sflag:s0], $0x1400  }
0xd6: {  	[sflag:s0] =	ssyncset.done $0x0  }
0xd7: {  	[sflag:s0] =	ssyncadd.s32 $0xFFFFEC00  }
0xd8: {  	_ =	swait.ge [sflag:s20], $0x1400  }
0xd9: {  	[sflag:s20] =	ssyncset.done $0x0  }
0xda: {  	[sflag:s20] =	ssyncadd.s32 $0xFFFFEC00  }
0xdb: {  	[bflag:$0x0] =	sbarrier.arrive $0xFFFF  }
0xdc: {  	[tilespmem:s14], [sflag:$0xB] =	stream.linear.gather [spmem:s7], $0x1400, $0x38;
	[tilespmem:$0x1FEA0] =	vst v63  }
0xdd: {  	_ =	swait.ge [sflag:s12], $0x1400  }
.Ltmp4:
0xde: {  	s13 =	sshrl.u32 s11, $0x3;
	[sflag:s12] =	ssyncset.done $0x0;
	(pc) =	sbr.rel @!p0 .LBB2_9-.Ltmp4, $4  }
0xdf: {  	s6 =	sadd.s32 s5, s13;
	[sflag:s12] =	ssyncadd.s32 $0xFFFFEC00  }
0xe0: {  	[hbm4b:s6+s3] =	stream.linear.scatter [tilespmem:s14], [sflag:$0xB], $0x1400, $0x38;
	[tilespmem:$0x1FEA0] =	vst v63  }
0xe1: {  	s31 =	smov.u32 s11;
	_ =	swait.ge [sflag:s12], $0x1400  }
0xe2: {  	s10 =	smov.u32 s7;
	s6 =	sadd.s32 $0xFFFFFFFF, s8;
	[sflag:s12] =	ssyncset.done $0x0  }
.LBB2_8:
0xe3: {  	[sflag:s12] =	ssyncadd.s32 $0xFFFFEC00;
	s31 =	sadd.s32 $0x14000, s31;
	s10 =	sadd.s32 $0x14000, s10  }
0xe4: {  	[tilespmem:s14], [sflag:$0xB] =	stream.linear.gather [spmem:s10], $0x1400, $0x38;
	[tilespmem:$0x1FEA0] =	vst v63  }
0xe5: {  	p0 =	sne.s32 s6, $0x1;
	s6 =	sadd.s32 $0xFFFFFFFF, s6;
	_ =	swait.ge [sflag:s12], $0x1400  }
.Ltmp5:
0xe6: {  	s13 =	sshrl.u32 s31, $0x3;
	[sflag:s12] =	ssyncset.done $0x0;
	(pc) =	sbr.rel @p0 .LBB2_8-.Ltmp5, $4  }
0xe7: {  	s13 =	sadd.s32 s5, s13;
	[sflag:s12] =	ssyncadd.s32 $0xFFFFEC00  }
0xe8: {  	[hbm4b:s13+s3] =	stream.linear.scatter [tilespmem:s14], [sflag:$0xB], $0x1400, $0x38;
	[tilespmem:$0x1FEA0] =	vst v63  }
0xe9: {  	_ =	swait.ge [sflag:s12], $0x1400  }
0xea: {  	[sflag:s12] =	ssyncset.done $0x0  }
.LBB2_9:
0xeb: {  	s26 =	sadd.s32 $0x1, s26  }
0xec: {  	p0 =	sne.s32 s26, s9  }
.Ltmp6:
0xed: {  	_ = 	snop;
	(pc) =	sbr.rel @p0 .LBB2_1-.Ltmp6, $2  }
0xee: {  	_ =	sdelay $0x2  }
0xef: {  	[sflag:s12] =	ssyncadd.s32 $0xFFFFEC00;
	s13 =	simm.s32 $0x2710  }
0xf0: {  	_ =	sfence.sel $0x180000  }
0xf1: {  	[bflag:$0x0] =	sbarrier.arrive $0xFFFF  }
0xf2: {  	_ =	strace $0x9000004D  }
0xf3: {  	s0 =	stileid.u32;
	[bflag:$0x2] =	sbarrier.arrive $0xFFFF  }
0xf4: {  	p0 =	sne.s32 s0, $0x0;
	s0 =	rddreg [dreg:$0x2]  }
0xf5: {  	s0 =	sadd.s32 @!p0 $0x100000, s0  }
0xf6: {  	[sflag:s0] =	ssyncadd.tile.s32 @!p0 $0x1;
	_ =	shalt  }
.Lfunc_end2:
_tile_overlayer_lowered:
.L_overlay_start_2:
0xf7: {  	(tag) =	ssettag $0x2  }
0xf8: {  	s0 =	rddreg [dreg:$0x0];
	s2 =	stileid.u32  }
0xf9: {  	s1 =	rddreg [dreg:$0x1];
	p0 =	sne.s32 s2, $0x0  }
0xfa: {  	s3 =	rddreg [dreg:$0x2];
	[bflag:$0x3] =	sbarrier.arrive $0xFFFF;
	s2 =	simm.s32 @!p0 $0x1C0B  }
0xfb: {  	[timem:s3], [sflag:s2] =	dma.local @!p0 [hbm:s0], s1  }
0xfc: {  	s0 =	simm.s32 @!p0 $0xB  }
0xfd: {  	_ =	swait.ge @!p0 [sflag:s0], s1  }
0xfe: {  	s1 =	ssub.s32 @!p0 $0x0, s1;
	[sflag:s0] =	ssyncset.done @!p0 $0x0  }
0xff: {  	[sflag:s0] =	ssyncadd.s32 @!p0 s1  }
0x100: {  	[bflag:$0x3] =	sbarrier.arrive $0xFFFF  }
0x101: {  	_ =	shalt  }

// kernel: kernel.9.cloned.1.call-start
scs
__scs_entry_jumppad:
0x0: {  	(pc) =	sbr.rel $0x88, $3  }
0x1: {  	(tag) =	ssettag $0x0;
	lr =	simm.s32 $0x1  }
0x2: {  	[smem:$0x3F97] =	sst lr;
	_ =	strace $0xD0000000  }
0x3: {  	_ = 	snop  }
0x4: {  	_ = 	snop  }
0x5: {  	_ = 	snop  }
0x6: {  	_ = 	snop  }
0x7: {  	_ = 	snop  }
__scs_overlays_trampoline_lowered:
0x8: {  	[smem:$0x3FA6] =	sst s0  }
0x9: {  	[smem:$0x3FA7] =	sst s1  }
0xa: {  	[smem:$0x3FA8] =	sst s2  }
0xb: {  	[smem:$0x3FA9] =	sst s3  }
0xc: {  	[smem:$0x3FAA] =	sst s4  }
0xd: {  	[smem:$0x3FAB] =	sst s5  }
0xe: {  	[smem:$0x3FAC] =	sst s6  }
0xf: {  	[smem:$0x3FAD] =	sst s7  }
0x10: {  	[smem:$0x3FAE] =	sst s8  }
0x11: {  	[smem:$0x3FAF] =	sst s9;
	s0 =	simm.s32 @!p0 $0x0  }
0x12: {  	s1 =	sld [smem:$0x3F95];
	s0 =	simm.s32 @p0 $0x1  }
0x13: {  	[smem:$0x3FB0] =	sst s0;
	s0 =	simm.s32 @!p1 $0x0  }
0x14: {  	s2 =	sld [smem:$0x3F94];
	s0 =	simm.s32 @p1 $0x1  }
0x15: {  	[smem:$0x3FB1] =	sst s0;
	s0 =	simm.s32 @!p2 $0x0  }
0x16: {  	s3 =	sld [smem:$0x3FDB];
	s0 =	simm.s32 @p2 $0x1  }
0x17: {  	s4 =	simm.s32 $0x1BF5;
	[smem:$0x3FB3] =	sst s0  }
0x18: {  	s0 =	sld [smem:$0x3F96];
	_ =	swait.ge [sflag:s4], $0x0  }
0x19: {  	s7 =	sld [smem:$0x3F97]  }
0x1a: {  	s8 =	sadd.s32 $0xFFFFE003, lr  }
0x1b: {  	s9 =	sadd.s32 $0xFFFFFEF7, lr;
	s5 =	simm.s32 $0xFFFFFFFF;
	p2 =	slt.u32 s8, $0xFFFFF086  }
0x1c: {  	p1 =	slt.u32 s9, $0xF7A;
	s5 =	simm.s32 @!p2 $0x0  }
0x1d: {  	s5 =	simm.s32 @p1 $0x1;
	p0 =	seq.s32 s7, s2  }
0x1e: {  	s7 =	smul.u32 @!p0 $0xF7A, s2;
	p2 =	seq.s32 @!p0 s5, $0x0  }
0x1f: {  	s9 =	smul.u32 $0xF7A, s1;
	s8 =	simm.s32 @!p0 $0x1BF5;
	p2 =	por !p2, p0  }
0x20: {  	[sflag:s8] =	ssyncset.s32 @!p0 $0xFFFFF086;
	s6 =	sadd.s32 @!p0 s3, s7;
	s7 =	simm.s32 @!p0 $0x108  }
0x21: {  	s3 =	sadd.s32 s3, s9;
	s6 =	sadd.s32 @!p0 $0x88, s6;
	s7 =	simm.s32 @p2 $0x1082  }
0x22: {  	[simem:s7], [sflag:s8] =	dma.local @!p0 [hbm:s6], $0xF7A  }
0x23: {  	s9 =	sor.u32 $0xD0000000, s2;
	s6 =	simm.s32 $0x108;
	_ =	swait.ge @!p0 [sflag:s8], $0x0  }
0x24: {  	s3 =	sadd.s32 $0x88, s3;
	s6 =	simm.s32 @!p1 $0x1082;
	[sflag:s4] =	ssyncset.s32 $0xFFFFF086  }
0x25: {  	[simem:s6], [sflag:s4] =	dma.local [hbm:s3], $0xF7A  }
0x26: {  	[smem:$0x3F97] =	sst s1;
	(tag) =	ssettag s2;
	_ =	strace s9  }
0x27: {  	s1 =	sld [smem:$0x3FA7]  }
0x28: {  	s2 =	sld [smem:$0x3FA8]  }
0x29: {  	s4 =	sld [smem:$0x3FAA]  }
0x2a: {  	p0 =	seq.s32 s5, $0x0;
	s5 =	sld [smem:$0x3FAB]  }
0x2b: {  	s6 =	sld [smem:$0x3FAC]  }
0x2c: {  	s7 =	sld [smem:$0x3FAD]  }
0x2d: {  	s3 =	simm.s32 $0x108;
	s8 =	sld [smem:$0x3FAE]  }
0x2e: {  	s3 =	simm.s32 @!p0 $0x1082;
	s9 =	sld [smem:$0x3FAF]  }
0x2f: {  	lr =	sadd.s32 s0, s3;
	s0 =	sld [smem:$0x3FA6]  }
0x30: {  	s3 =	sld [smem:$0x3FA9]  }
0x31: {  	[smem:$0x3FB2] =	sst s10  }
0x32: {  	s10 =	sld [smem:$0x3FB0];
	_ =	sdelay $0x3  }
0x33: {  	p0 =	seq.s32 s10, $0x1;
	s10 =	sld [smem:$0x3FB2];
	_ =	sdelay $0x3  }
0x34: {  	[smem:$0x3FB2] =	sst s10  }
0x35: {  	s10 =	sld [smem:$0x3FB1];
	_ =	sdelay $0x3  }
0x36: {  	p1 =	seq.s32 s10, $0x1;
	s10 =	sld [smem:$0x3FB2];
	_ =	sdelay $0x3  }
0x37: {  	[smem:$0x3FB2] =	sst s10  }
0x38: {  	s10 =	sld [smem:$0x3FB3]  }
0x39: {  	_ = 	snop;
	(pc) =	sbr.ind lr, $3  }
0x3a: {  	_ = 	snop  }
0x3b: {  	_ = 	snop  }
0x3c: {  	p2 =	seq.s32 s10, $0x1;
	s10 =	sld [smem:$0x3FB2]  }
0x3d: {  	_ =	shalt  }
0x3e: {  	_ =	shalt  }
0x3f: {  	_ =	shalt  }
0x40: {  	_ =	shalt  }
0x41: {  	_ =	shalt  }
0x42: {  	_ =	shalt  }
0x43: {  	_ =	shalt  }
0x44: {  	_ =	shalt  }
0x45: {  	_ =	shalt  }
0x46: {  	_ =	shalt  }
0x47: {  	_ =	shalt  }
0x48: {  	_ =	shalt  }
0x49: {  	_ =	shalt  }
0x4a: {  	_ =	shalt  }
0x4b: {  	_ =	shalt  }
0x4c: {  	_ =	shalt  }
0x4d: {  	_ =	shalt  }
0x4e: {  	_ =	shalt  }
0x4f: {  	_ =	shalt  }
0x50: {  	_ =	shalt  }
0x51: {  	_ =	shalt  }
0x52: {  	_ =	shalt  }
0x53: {  	_ =	shalt  }
0x54: {  	_ =	shalt  }
0x55: {  	_ =	shalt  }
0x56: {  	_ =	shalt  }
0x57: {  	_ =	shalt  }
0x58: {  	_ =	shalt  }
0x59: {  	_ =	shalt  }
0x5a: {  	_ =	shalt  }
0x5b: {  	_ =	shalt  }
0x5c: {  	_ =	shalt  }
0x5d: {  	_ =	shalt  }
0x5e: {  	_ =	shalt  }
0x5f: {  	_ =	shalt  }
0x60: {  	_ =	shalt  }
0x61: {  	_ =	shalt  }
0x62: {  	_ =	shalt  }
0x63: {  	_ =	shalt  }
0x64: {  	_ =	shalt  }
0x65: {  	_ =	shalt  }
0x66: {  	_ =	shalt  }
0x67: {  	_ =	shalt  }
0x68: {  	_ =	shalt  }
0x69: {  	_ =	shalt  }
0x6a: {  	_ =	shalt  }
0x6b: {  	_ =	shalt  }
0x6c: {  	_ =	shalt  }
0x6d: {  	_ =	shalt  }
0x6e: {  	_ =	shalt  }
0x6f: {  	_ =	shalt  }
0x70: {  	_ =	shalt  }
0x71: {  	_ =	shalt  }
0x72: {  	_ =	shalt  }
0x73: {  	_ =	shalt  }
0x74: {  	_ =	shalt  }
0x75: {  	_ =	shalt  }
0x76: {  	_ =	shalt  }
0x77: {  	_ =	shalt  }
0x78: {  	_ =	shalt  }
0x79: {  	_ =	shalt  }
0x7a: {  	_ =	shalt  }
0x7b: {  	_ =	shalt  }
0x7c: {  	_ =	shalt  }
0x7d: {  	_ =	shalt  }
0x7e: {  	_ =	shalt  }
0x7f: {  	_ =	shalt  }
0x80: {  	_ =	shalt  }
0x81: {  	_ =	shalt  }
0x82: {  	_ =	shalt  }
0x83: {  	_ =	shalt  }
0x84: {  	_ =	shalt  }
0x85: {  	_ =	shalt  }
0x86: {  	_ =	shalt  }
0x87: {  	_ =	shalt  }
.Lfunc_end0:
.L_simem_size_0:
called_computation_lowered:
.L_overlay_start_0:
0x88: {  	s2 =	sld [smem:$0x3FD9]  }
0x89: {  	s3 =	sld [smem:$0x3FFE];
	_ =	sdelay $0x1  }
0x8a: {  	s1 =	srdreg.scid  }
0x8b: {  	s0 =	sand.u32 $0x1, s1  }
0x8c: {  	s17 =	sshll.u32 s0, $0xA;
	s2 =	sadd.s32 s3, s2  }
0x8d: {  	s2 =	sadd.s32 s2, s17  }
0x8e: {  	[smem:$0x3FBE] =	sst s2  }
0x8f: {  	_ = 	snop  }
0x90: {  	s2 =	sld [smem:$0x3FD0];
	(tm) =	ssettm $0x1  }
0x91: {  	s18 =	sld [smem:$0x3FFB];
	_ =	sdelay $0x3  }
0x92: {  	_ =	strace s18  }
0x93: {  	s3 =	sld [smem:$0x3FFC];
	_ =	sdelay $0x3  }
0x94: {  	_ =	strace s3  }
0x95: {  	s3 =	sld [smem:$0x3FFD];
	_ =	sdelay $0x3  }
0x96: {  	_ =	strace s3  }
0x97: {  	_ =	strace $0x8FFFFFFF  }
0x98: {  	s19 =	sld [smem:$0x3FDB];
	_ =	sdelay $0x1  }
0x99: {  	s4 =	simm.s32 $_scs_section_size  }
0x9a: {  	s5 =	simm.s32 $_size__tile_overlayer_lowered;
	s6 =	simm.s32 $_tile_overlayer_lowered  }
0x9b: {  	s22 =	simm.s32 $0x1BFF;
	s21 =	sshll.u32 s6, $0x1;
	s3 =	sadd.s32 s4, s19  }
0x9c: {  	s7 =	simm.s32 $0x0;
	s20 =	sshll.u32 s5, $0x1;
	s5 =	sadd.s32 s21, s3  }
0x9d: {  	[timem:s7], [sflag:s22] =	dma.local [hbm:s5], s20  }
0x9e: {  	_ =	swait.ge [sflag:s22], s20  }
0x9f: {  	s4 =	ssub.s32 $0x0, s20;
	[sflag:s22] =	ssyncset.done $0x0  }
0xa0: {  	[sflag:s22] =	ssyncadd.s32 s4;
	_ =	sdelay $0x1  }
0xa1: {  	s23 =	simm.s32 $0x1B8B  }
0xa2: {  	_ =	swait.ge [sflag:s23], $0x1  }
0xa3: {  	[sflag:s23] =	ssyncset.done $0x0  }
0xa4: {  	s25 =	simm.s32 $0x1B8E;
	s24 =	sld [smem:$0x3FFE];
	[sflag:s23] =	ssyncadd.s32 $0xFFFFFFFF  }
0xa5: {  	s26 =	simm.s32 $execute0_lowered;
	[smem:$0x3FD2] =	sst s25  }
0xa6: {  	s5 =	sshll.u32 s26, $0x1;
	_ =	strace $0x80000046;
	[dreg:$0x1] =	wrdreg $0xFFFFFFFF  }
0xa7: {  	s28 =	simm.s32 $_size_execute0_lowered;
	s3 =	sadd.s32 s3, s5;
	[dreg:$0x0] =	wrdreg $0x0  }
0xa8: {  	s5 =	sshll.u32 s28, $0x1;
	[dreg:$0x2] =	wrdreg s3  }
0xa9: {  	[dreg:$0x3] =	wrdreg s5  }
0xaa: {  	[dreg:$0x4] =	wrdreg $0xC0  }
0xab: {  	_ =	task [dreg:s7], $0x5FFFF  }
0xac: {  	[dreg:$0x1] =	wrdreg $0xFFFFFFFF  }
0xad: {  	[dreg:$0x0] =	wrdreg $0x60  }
0xae: {  	[dreg:$0x2] =	wrdreg s2  }
0xaf: {  	[dreg:$0x3] =	wrdreg s24  }
0xb0: {  	[dreg:$0x4] =	wrdreg $0x43000  }
0xb1: {  	[dreg:$0x5] =	wrdreg $0x9  }
0xb2: {  	_ =	task.clear_ibuf [dreg:s7], $0x6FFFF;
	_ =	strace $0x90000046  }
0xb3: {  	s29 =	simm.s32 $0x9;
	_ =	strace $0x80000048  }
0xb4: {  	_ =	swait.ge [sflag:s29], $0x1  }
0xb5: {  	[sflag:s29] =	ssyncadd.s32 $0xFFFFFFFF  }
0xb6: {  	_ =	strace $0x90000048  }
0xb7: {  	_ =	sfence  }
0xb8: {  	s30 =	sld [smem:$0x0];
	_ =	sdelay $0x2  }
0xb9: {  	s31 =	sshll.u32 s1, $0xD;
	s1 =	sshrl.u32 s1, $0x2  }
0xba: {  	s3 =	sand.u32 $0x4000, s31;
	s1 =	sadd.s32 s1, s30  }
0xbb: {  	s0 =	sor.u32 s3, s0;
	s1 =	sshll.u32 s1, $0x11  }
0xbc: {  	s0 =	sor.u32 s1, s0  }
0xbd: {  	s0 =	sadd.s32 $0x8F2B, s0  }
0xbe: {  	[sflag:s0] =	ssyncadd.remote.s32 $0x1  }
0xbf: {  	_ =	sfence.sel $0xFFFF  }
0xc0: {  	[dreg:$0x0] =	wrdreg $0xFFFFFFFF;
	(pc) =	sbr.abs _section_cstart, $3  }
0xc1: {  	[dreg:$0x1] =	wrdreg $0xFFFFFFFF  }
0xc2: {  	_ =	task.clear_ibuf [dreg:s7], $0x2FFFF;
	_ =	strace $0x9FFFFFFF  }
0xc3: {  	(tm) =	ssettm $0x7FFFFFFF  }
tec
execute0_lowered:
.L_overlay_start_1:
0x0: {  	(tag) =	ssettag $0x1  }
0x1: {  	s4 =	rddreg [dreg:$0x0]  }
0x2: {  	s5 =	rddreg [dreg:$0x1]  }
0x3: {  	s2 =	rddreg [dreg:$0x2]  }
0x4: {  	s0 =	rddreg [dreg:$0x3];
	s6 =	srdreg.scid  }
0x5: {  	s1 =	stileid.u32;
	s3 =	simm.s32 $0x0;
	s11 =	simm.s32 $0x4280  }
0x6: {  	s12 =	simm.s32 $0x1;
	s13 =	simm.s32 $0x80;
	s14 =	simm.s32 $0x100  }
0x7: {  	s15 =	simm.s32 $0x0;
	s6 =	sand.u32 $0x1, s6;
	s7 =	smul.u32 $0x500, s1  }
0x8: {  	[smem:$0x7FF] =	sst s3;
	s10 =	smul.u32 $0xA00, s1;
	s30 =	sshll.u32 s1, $0xC  }
0x9: {  	s8 =	sshll.u32 s6, $0x7;
	_ =	strace $0x80000047;
	s28 =	ssub.s32 $0x2, s6  }
0xa: {  	s29 =	sshll.u32 s6, $0xB;
	s7 =	sor.u32 s8, s7;
	s9 =	sshrl.u32 s28, $0x1  }
0xb: {  	s4 =	sadd.s32 s4, s29;
	s31 =	sshrl.u32 s10, $0x2;
	s10 =	simm.s32 $0x50  }
0xc: {  	s7 =	sshrl.u32 s7, $0x3;
	s8 =	ssub.s32 s28, s9;
	s4 =	sadd.s32 s30, s4  }
0xd: {  	s9 =	simm.s32 $0x4000;
	s7 =	sadd.s32 s7, s5;
	s5 =	sadd.s32 s31, s2  }
0xe: {  	v0 =	vimm.f32 $0.0e+00;
	v1 =	vimm.f32 $1.000000000e+00;
	s6 =	sadd.s32 $0x16800, s7;
	s7 =	smax.u32 s8, $0x1;
	s8 =	simm.s32 $0x2  }
.LBB2_1:
0xf: {  	[tilespmem:s3], [sflag:$0x2] =	stream.linear.gather [hbm4b:s4+s3], $0x3E80, $0x38;
	[tilespmem:$0x4580] =	vst v63  }
0x10: {  	_ =	swait.ge [sflag:s8], $0x3E80  }
0x11: {  	[sflag:s8] =	ssyncset.done $0x0  }
0x12: {  	[sflag:s8] =	ssyncadd.s32 $0xFFFFC180  }
0x13: {  	[tilespmem:$0x4000] =	vst v0  }
0x14: {  	[tilespmem:$0x4010] =	vst v0  }
0x15: {  	[tilespmem:$0x4020] =	vst v0  }
0x16: {  	[tilespmem:$0x4030] =	vst v0  }
0x17: {  	[tilespmem:$0x4040] =	vst v0  }
0x18: {  	[tilespmem:$0x4050] =	vst v0  }
0x19: {  	[tilespmem:$0x4060] =	vst v0  }
0x1a: {  	[tilespmem:$0x4070] =	vst v0  }
0x1b: {  	[tilespmem:$0x4080] =	vst v0  }
0x1c: {  	[tilespmem:$0x4090] =	vst v0  }
0x1d: {  	[tilespmem:$0x40A0] =	vst v0  }
0x1e: {  	[tilespmem:$0x40B0] =	vst v0  }
0x1f: {  	[tilespmem:$0x40C0] =	vst v0  }
0x20: {  	[tilespmem:$0x40D0] =	vst v0  }
0x21: {  	[tilespmem:$0x40E0] =	vst v0  }
0x22: {  	[tilespmem:$0x40F0] =	vst v0  }
0x23: {  	[tilespmem:$0x4100] =	vst v0  }
0x24: {  	[tilespmem:$0x4110] =	vst v0  }
0x25: {  	[tilespmem:$0x4120] =	vst v0  }
0x26: {  	[tilespmem:$0x4130] =	vst v0  }
0x27: {  	[tilespmem:$0x4140] =	vst v0  }
0x28: {  	[tilespmem:$0x4150] =	vst v0  }
0x29: {  	[tilespmem:$0x4160] =	vst v0  }
0x2a: {  	[tilespmem:$0x4170] =	vst v0  }
0x2b: {  	[tilespmem:$0x4180] =	vst v0  }
0x2c: {  	[tilespmem:$0x4190] =	vst v0  }
0x2d: {  	[tilespmem:$0x41A0] =	vst v0  }
0x2e: {  	[tilespmem:$0x41B0] =	vst v0  }
0x2f: {  	[tilespmem:$0x41C0] =	vst v0  }
0x30: {  	[tilespmem:$0x41D0] =	vst v0  }
0x31: {  	[tilespmem:$0x41E0] =	vst v0  }
0x32: {  	[tilespmem:$0x41F0] =	vst v0  }
0x33: {  	[tilespmem:$0x4200] =	vst v0  }
0x34: {  	[tilespmem:$0x4210] =	vst v0  }
0x35: {  	[tilespmem:$0x4220] =	vst v0  }
0x36: {  	[tilespmem:$0x4230] =	vst v0  }
0x37: {  	[tilespmem:$0x4240] =	vst v0  }
0x38: {  	[tilespmem:$0x4250] =	vst v0  }
0x39: {  	[tilespmem:$0x4260] =	vst v0  }
0x3a: {  	[tilespmem:$0x4270] =	vst v0  }
0x3b: {  	[tilespmem:$0x4280] =	vst v1  }
0x3c: {  	[tilespmem:$0x4290] =	vst v1  }
0x3d: {  	[tilespmem:$0x42A0] =	vst v1  }
0x3e: {  	[tilespmem:$0x42B0] =	vst v1  }
0x3f: {  	[tilespmem:$0x42C0] =	vst v1  }
0x40: {  	[spmem:s5] =	stream.linear.scatter [tilespmem:s9], [sflag:$0x2], $0x280, $0x38;
	[tilespmem:$0x4580] =	vst v63  }
0x41: {  	_ =	swait.ge [sflag:s8], $0x280  }
0x42: {  	[sflag:s8] =	ssyncset.done $0x0  }
0x43: {  	[sflag:s8] =	ssyncadd.s32 $0xFFFFFD80  }
0x44: {  	s16 =	simm.s32 $0x0;
	[bflag:$0x0] =	sbarrier.arrive $0xFFFF  }
.LBB2_2:
0x45: {  	p0 =	sne.s32 s16, $0xF800  }
.Ltmp0:
0x46: {  	_ = 	snop;
	(pc) =	sbr.rel @p0 .LBB2_2-.Ltmp0, $3  }
0x47: {  	_ =	sdelay $0x1  }
0x48: {  	s17 =	sshra.s32 s16, $0x2;
	s16 =	sadd.s32 $0x200, s16  }
0x49: {  	[spmem:s2] =	stream.indirect.scatter.add.f32 [tilespmem:s11], [sflag:$0x1], $0x1, s17, s10, $0xb8;
	[tilespmem:$0x4580] =	vst v63  }
0x4a: {  	_ =	swait.ge [sflag:s12], $0x50  }
0x4b: {  	s16 =	simm.s32 $0x7C;
	[sflag:s12] =	ssyncset.done $0x0  }
.LBB2_4:
0x4c: {  	p0 =	sne.s32 s16, $0x1;
	s16 =	sadd.s32 $0xFFFFFFFF, s16;
	[sflag:s12] =	ssyncadd.s32 $0xFFFFFFB0  }
.Ltmp1:
0x4d: {  	(pc) =	sbr.rel @p0 .LBB2_4-.Ltmp1, $3  }
0x4e: {  	_ =	sdelay $0x1  }
0x4f: {  	_ =	swait.ge [sflag:s12], $0x50  }
0x50: {  	[sflag:s12] =	ssyncset.done $0x0  }
0x51: {  	[sflag:s12] =	ssyncadd.s32 $0xFFFFFFB0  }
0x52: {  	[bflag:$0x0] =	sbarrier.arrive $0xFFFF  }
0x53: {  	[tilespmem:s9], [sflag:$0x2] =	stream.linear.gather [spmem:s5], $0x280, $0x38;
	[tilespmem:$0x4580] =	vst v63  }
0x54: {  	s15 =	sadd.s32 $0x1, s15;
	_ =	swait.ge [sflag:s8], $0x280  }
0x55: {  	p0 =	sne.s32 s15, s7;
	[sflag:s8] =	ssyncset.done $0x0  }
.Ltmp2:
0x56: {  	[sflag:s8] =	ssyncadd.s32 $0xFFFFFD80;
	(pc) =	sbr.rel @p0 .LBB2_1-.Ltmp2, $4  }
0x57: {  	[hbm4b:s6+s13] =	stream.strided.scatter [tilespmem:s9], [sflag:$0x2], $0x280, s14, s13, $0x38;
	[tilespmem:$0x4580] =	vst v63  }
0x58: {  	_ =	swait.ge [sflag:s8], $0x280  }
0x59: {  	[sflag:s8] =	ssyncset.done $0x0  }
0x5a: {  	[sflag:s8] =	ssyncadd.s32 $0xFFFFFD80  }
0x5b: {  	_ =	sfence.sel $0x180000  }
0x5c: {  	[bflag:$0x0] =	sbarrier.arrive $0xFFFF  }
0x5d: {  	p0 =	sne.s32 s1, $0x0;
	_ =	strace $0x90000047  }
0x5e: {  	s0 =	sadd.s32 @!p0 $0x100000, s0;
	[bflag:$0x2] =	sbarrier.arrive $0xFFFF  }
0x5f: {  	[sflag:s0] =	ssyncadd.tile.s32 @!p0 $0x1;
	_ =	shalt  }
.Lfunc_end2:
_tile_overlayer_lowered:
.L_overlay_start_2:
0x60: {  	(tag) =	ssettag $0x2  }
0x61: {  	s0 =	rddreg [dreg:$0x0];
	s2 =	stileid.u32  }
0x62: {  	s1 =	rddreg [dreg:$0x1];
	p0 =	sne.s32 s2, $0x0  }
0x63: {  	s3 =	rddreg [dreg:$0x2];
	[bflag:$0x3] =	sbarrier.arrive $0xFFFF;
	s2 =	simm.s32 @!p0 $0x1C02  }
0x64: {  	[timem:s3], [sflag:s2] =	dma.local @!p0 [hbm:s0], s1  }
0x65: {  	s0 =	simm.s32 @!p0 $0x2  }
0x66: {  	_ =	swait.ge @!p0 [sflag:s0], s1  }
0x67: {  	s1 =	ssub.s32 @!p0 $0x0, s1;
	[sflag:s0] =	ssyncset.done @!p0 $0x0  }
0x68: {  	[sflag:s0] =	ssyncadd.s32 @!p0 s1  }
0x69: {  	[bflag:$0x3] =	sbarrier.arrive $0xFFFF  }
0x6a: {  	_ =	shalt  }

</sc_bundles>
